<compile_context>
chip_gen: v7x
topology: tpu7x:2x2x1
jax: 0.10.2.dev20260603
libtpu: 0.0.44.dev20260713+nightly
codegen_flags: <defaults>
</compile_context>

<pallas_src>
import functools

import jax
import jax.numpy as jnp
import numpy as np
from jax import lax
from jax.experimental import pallas as pl
from jax.experimental.pallas import tpu as pltpu
from jax.experimental.pallas import tpu_sc as plsc

N_NODES = 10000
N_EDGES = 160000
EMB = 16
NUM_BESSEL = 8
MLP_DIM = 256
R_MAX = 10.0
P_CUT = 5.0
N_GRAPHS = 64
SQ3 = float(np.sqrt(3.0))
PREF = float(np.sqrt(2.0 / R_MAX))

NC = 2
NS = 16
NW = NC * NS



def _sc_gather(table, idx3d):
    _, iters, chunk = idx3d.shape
    D = table.shape[1]
    n_per_w = iters * chunk
    B = n_per_w * NW

    mesh = plsc.VectorSubcoreMesh(core_axis_name="c", subcore_axis_name="s")

    @functools.partial(
        pl.kernel, mesh=mesh,
        out_type=jax.ShapeDtypeStruct((B, D), jnp.float32),
        compiler_params=pltpu.CompilerParams(use_tc_tiling_on_sc=False),
        scratch_types=[
            pltpu.VMEM((iters, chunk), jnp.int32),
            pltpu.VMEM((chunk, D), jnp.float32),
            pltpu.SemaphoreType.DMA,
        ],
    )
    def k(table_hbm, idx_hbm, out_hbm, idx_v, rows_v, sem):
        wid = lax.axis_index("s") * NC + lax.axis_index("c")
        base = wid * n_per_w
        pltpu.sync_copy(idx_hbm.at[wid], idx_v)

        def body(i, carry):
            pltpu.async_copy(table_hbm.at[idx_v.at[i]], rows_v, sem).wait()
            pltpu.sync_copy(rows_v, out_hbm.at[pl.ds(base + i * chunk, chunk)])
            return carry

        lax.fori_loop(0, iters, body, 0)

    return k(table, idx3d)


def _sc_scatter_add(msg, src3d, zeros):
    E, D = msg.shape
    N = zeros.shape[0]
    _, iters, chunk = src3d.shape
    n_per_w = iters * chunk
    rows_per_s = N // NS
    assert n_per_w * NW == E and rows_per_s * NS == N

    mesh = plsc.VectorSubcoreMesh(core_axis_name="c", subcore_axis_name="s")

    @functools.partial(
        pl.kernel, mesh=mesh,
        out_type=jax.ShapeDtypeStruct((NC, N, D), jnp.float32),
        compiler_params=pltpu.CompilerParams(use_tc_tiling_on_sc=False),
        scratch_types=[
            pltpu.VMEM((iters, chunk), jnp.int32),
            pltpu.VMEM((chunk, D), jnp.float32),
            pltpu.VMEM_SHARED((N, D), jnp.float32),
        ],
    )
    def k(msg_hbm, src_hbm, zero_hbm, out_hbm, idx_v, rows_v, acc):
        c = lax.axis_index("c")
        s = lax.axis_index("s")
        wid = s * NC + c
        base = wid * n_per_w
        pltpu.sync_copy(src_hbm.at[wid], idx_v)

        pltpu.sync_copy(zero_hbm.at[pl.ds(s * rows_per_s, rows_per_s)],
                        acc.at[pl.ds(s * rows_per_s, rows_per_s)])
        plsc.subcore_barrier()

        def body(i, carry):
            pltpu.sync_copy(msg_hbm.at[pl.ds(base + i * chunk, chunk)], rows_v)
            pltpu.sync_copy(rows_v, acc.at[idx_v.at[i]], add=True)
            return carry

        lax.fori_loop(0, iters, body, 0)
        plsc.subcore_barrier()

        pltpu.sync_copy(acc.at[pl.ds(s * rows_per_s, rows_per_s)],
                        out_hbm.at[c, pl.ds(s * rows_per_s, rows_per_s)])

    return k(msg, src3d, zeros)



def _routing(dtype=jnp.float32):
    lE = lax.broadcasted_iota(jnp.int32, (EMB, EMB * EMB), 1)
    rE = lax.broadcasted_iota(jnp.int32, (EMB, EMB * EMB), 0)
    R = (lE // EMB == rE).astype(dtype)
    lS = lax.broadcasted_iota(jnp.int32, (EMB * EMB, EMB), 0)
    rS = lax.broadcasted_iota(jnp.int32, (EMB * EMB, EMB), 1)
    S = (lS % EMB == rS).astype(dtype)
    l2 = lax.broadcasted_iota(jnp.int32, (EMB, 3 * EMB), 1)
    r2 = lax.broadcasted_iota(jnp.int32, (EMB, 3 * EMB), 0)
    R2 = (l2 // 3 == r2).astype(dtype)
    P3n = (((l2 % 3) + 1) % 3 == r2).astype(dtype)
    lZ = lax.broadcasted_iota(jnp.int32, (3 * EMB, EMB), 0)
    rZ = lax.broadcasted_iota(jnp.int32, (3 * EMB, EMB), 1)
    S2 = (lZ // 3 == rZ).astype(dtype)
    return R, S, R2, P3n, S2


def _mm(a, b):
    return jnp.dot(a, b, preferred_element_type=jnp.float32)


def _tp16(x16, wblk, R, S):
    return _mm(_mm(x16, R) * wblk, S)


def _edge_body(first, ps_ref, td_ref, f1_ref, b1_ref, f2_ref, b2_ref, out_ref):
    R, S, R2, P3n, S2 = _routing()
    ps = ps_ref[...]
    blk = td_ref[...]
    pd = blk[:, :16]
    hd = blk[:, 16:]

    vec = ps - pd
    ln = jnp.sqrt(jnp.sum(vec * vec, axis=1, keepdims=True))
    ln = jnp.maximum(ln, 1e-20)
    u16 = vec / ln
    x = ln * (1.0 / R_MAX)

    li = lax.broadcasted_iota(jnp.int32, (1, 16), 1)
    nv = jnp.where(li < NUM_BESSEL, (li + 1).astype(jnp.float32) * np.pi, 0.0)
    x2 = x * x
    x4 = x2 * x2
    x5 = x4 * x
    env = 1.0 - 21.0 * x5 + 35.0 * x5 * x - 15.0 * x5 * x2
    env = jnp.where(x < 1.0, env, 0.0)
    ef16 = (PREF * env / ln) * jnp.sin(nv * x)

    hid = jnp.maximum(_mm(ef16, f1_ref[...]) + b1_ref[...], 0.0)
    w = _mm(hid, f2_ref[...]) + b2_ref[...]

    dtile = _mm(u16, P3n)
    y1t = SQ3 * dtile

    if first:
        a0 = 1.0 / np.sqrt(EMB)
        a1 = np.sqrt(3.0) / np.sqrt(EMB)
        h0 = hd
        s = a0 * _tp16(h0, w[:, 0:256], R, S)
        g = a0 * _tp16(h0, w[:, 256:512], R, S)
        t = _tp16(h0, w[:, 512:768], R, S)
        v48 = (a1 / SQ3) * (_mm(t, R2) * y1t)
    else:
        a0 = 1.0 / np.sqrt(2 * EMB)
        a1 = np.sqrt(3.0) / np.sqrt(2 * EMB)
        s_in = hd[:, :16]
        v_in = hd[:, 16:64]
        dot = _mm(v_in * dtile, S2)
        s = a0 * (_tp16(s_in, w[:, 0:256], R, S) + _tp16(dot, w[:, 256:512], R, S))
        g = a0 * (_tp16(s_in, w[:, 512:768], R, S) + _tp16(dot, w[:, 768:1024], R, S))
        t4 = _tp16(s_in, w[:, 1024:1280], R, S)
        v1 = _mm(t4, R2) * y1t
        lk = lax.broadcasted_iota(jnp.int32, (3 * EMB, EMB), 0)
        l2 = lax.broadcasted_iota(jnp.int32, (EMB, 3 * EMB), 1)
        v2 = jnp.zeros_like(v1)
        for kk in range(3):
            Skk = S2 * (lk % 3 == kk).astype(jnp.float32)
            Rkk = R2 * (l2 % 3 == kk).astype(jnp.float32)
            v2 = v2 + _mm(_tp16(_mm(v_in, Skk), w[:, 1280:1536], R, S), Rkk)
        v48 = (a1 / SQ3) * (v1 + v2)

    T = s.shape[0]
    ri = pl.program_id(0) * T + lax.broadcasted_iota(jnp.int32, (T, 1), 0)
    msk = (ri < N_EDGES).astype(jnp.float32)
    out_ref[...] = jnp.concatenate([s, g, v48], axis=1) * msk


def _edge_call(first, possrc, tbl_dst, f1, b1, f2, b2):
    T = 256
    E = possrc.shape[0]
    Dt = tbl_dst.shape[1]
    wn = f2.shape[1]
    return pl.pallas_call(
        functools.partial(_edge_body, first),
        grid=(E // T,),
        in_specs=[
            pl.BlockSpec((T, 16), lambda i: (i, 0)),
            pl.BlockSpec((T, Dt), lambda i: (i, 0)),
            pl.BlockSpec((16, MLP_DIM), lambda i: (0, 0)),
            pl.BlockSpec((1, MLP_DIM), lambda i: (0, 0)),
            pl.BlockSpec((MLP_DIM, wn), lambda i: (0, 0)),
            pl.BlockSpec((1, wn), lambda i: (0, 0)),
        ],
        out_specs=pl.BlockSpec((T, 5 * EMB), lambda i: (i, 0)),
        out_shape=jax.ShapeDtypeStruct((E, 5 * EMB), jnp.float32),
    )(possrc, tbl_dst, f1, b1, f2, b2)


def _node_body(a_ref, b_ref, res_ref, out_ref):
    agg = a_ref[...] + b_ref[...]
    sc = agg[:, :EMB]
    s = sc * jax.nn.sigmoid(sc)
    gs = jax.nn.sigmoid(agg[:, EMB:2 * EMB])
    l2 = lax.broadcasted_iota(jnp.int32, (EMB, 3 * EMB), 1)
    r2 = lax.broadcasted_iota(jnp.int32, (EMB, 3 * EMB), 0)
    Rg = (l2 // 3 == r2).astype(jnp.float32)
    v48 = agg[:, 2 * EMB:] * _mm(gs, Rg)
    out_ref[...] = jnp.concatenate([s, v48], axis=1) + res_ref[...]


def _node_call(agg_a, agg_b, res):
    T = 400
    N = agg_a.shape[0]
    return pl.pallas_call(
        _node_body,
        grid=(N // T,),
        in_specs=[
            pl.BlockSpec((T, 5 * EMB), lambda i: (i, 0)),
            pl.BlockSpec((T, 5 * EMB), lambda i: (i, 0)),
            pl.BlockSpec((T, 4 * EMB), lambda i: (i, 0)),
        ],
        out_specs=pl.BlockSpec((T, 4 * EMB), lambda i: (i, 0)),
        out_shape=jax.ShapeDtypeStruct((N, 4 * EMB), jnp.float32),
    )(agg_a, agg_b, res)


def _readout_body(h_ref, batch_ref, w1_ref, b1_ref, w2_ref, b2_ref, out_ref):
    b = batch_ref[...]
    g = lax.broadcasted_iota(jnp.int32, (N_GRAPHS, 1), 0)
    onehot = (b == g).astype(jnp.float32)
    sums = _mm(onehot, h_ref[...][:, :EMB])
    hid = jnp.maximum(_mm(sums, w1_ref[...]) + b1_ref[...], 0.0)
    out_ref[...] = _mm(hid, w2_ref[...]) + b2_ref[...]


def _readout_call(h, batch2d, w1, b1, w2, b2):
    N = h.shape[0]
    return pl.pallas_call(
        _readout_body,
        in_specs=[
            pl.BlockSpec((N, 4 * EMB), lambda: (0, 0)),
            pl.BlockSpec((1, N), lambda: (0, 0)),
            pl.BlockSpec((EMB, EMB), lambda: (0, 0)),
            pl.BlockSpec((1, EMB), lambda: (0, 0)),
            pl.BlockSpec((EMB, 1), lambda: (0, 0)),
            pl.BlockSpec((1, 1), lambda: (0, 0)),
        ],
        out_specs=pl.BlockSpec((N_GRAPHS, 1), lambda: (0, 0)),
        out_shape=jax.ShapeDtypeStruct((N_GRAPHS, 1), jnp.float32),
    )(h, batch2d, w1, b1, w2, b2)



def kernel(atoms, pos, edge_index, batch, emb, fc1_w0, fc1_b0, fc2_w0, fc2_b0,
           fc1_w1, fc1_b1, fc2_w1, fc2_b1, pred_w1, pred_b1, pred_w2, pred_b2):
    f32 = jnp.float32
    src = edge_index[0].astype(jnp.int32)
    dst = edge_index[1].astype(jnp.int32)
    atoms_i = atoms.astype(jnp.int32)

    pos16 = jnp.pad(pos.astype(f32), ((0, 0), (0, 13)))
    zeros80 = jnp.zeros((N_NODES, 5 * EMB), f32)

    EP = NW * 40 * 128

    def idx3(i, iters, chunk):
        B = NW * iters * chunk
        return jnp.pad(i, (0, B - i.shape[0])).reshape(NW, iters, chunk)

    src3 = idx3(src, 40, 128)
    dst3 = idx3(dst, 40, 128)
    atoms3 = idx3(atoms_i, 5, 64)

    h0 = _sc_gather(emb.astype(f32), atoms3)[:N_NODES]
    possrc = _sc_gather(pos16, src3)

    f1_0 = jnp.pad(fc1_w0.astype(f32), ((0, 8), (0, 0)))
    f1_1 = jnp.pad(fc1_w1.astype(f32), ((0, 8), (0, 0)))
    b1_0 = fc1_b0.reshape(1, -1).astype(f32)
    b1_1 = fc1_b1.reshape(1, -1).astype(f32)
    b2_0 = fc2_b0.reshape(1, -1).astype(f32)
    b2_1 = fc2_b1.reshape(1, -1).astype(f32)

    tbl0 = jnp.concatenate([pos16, h0], axis=1)
    td0 = _sc_gather(tbl0, dst3)
    msg0 = _edge_call(True, possrc, td0, f1_0, b1_0, fc2_w0.astype(f32), b2_0)
    agg0 = _sc_scatter_add(msg0, src3, zeros80)
    res0 = jnp.pad(h0, ((0, 0), (0, 3 * EMB)))
    h1 = _node_call(agg0[0], agg0[1], res0)

    tbl1 = jnp.concatenate([pos16, h1], axis=1)
    td1 = _sc_gather(tbl1, dst3)
    msg1 = _edge_call(False, possrc, td1, f1_1, b1_1, fc2_w1.astype(f32), b2_1)
    agg1 = _sc_scatter_add(msg1, src3, zeros80)
    h2 = _node_call(agg1[0], agg1[1], h1)

    batch2d = batch.astype(jnp.int32).reshape(1, N_NODES)
    return _readout_call(h2, batch2d,
                         pred_w1.astype(f32), pred_b1.reshape(1, -1).astype(f32),
                         pred_w2.astype(f32), pred_b2.reshape(1, -1).astype(f32))

# --- scband reference (transcript-rebuilt; emitter-appended) ---
"""Pipeline reference for scband-tfnmodel-75402445848907 (READ-ONLY COPY).

The authoritative reference and input builder live on the scoring server;
editing this copy changes nothing except your own understanding.
"""

import jax, jax.numpy as jnp
import numpy as np

N_NODES = 10000
N_EDGES = 160000
EMB = 16
NUM_BESSEL = 8
MLP_DIM = 256
R_MAX = 10.0
P_CUT = 5.0
IN_DIM = 100
N_GRAPHS = 64
OUT_DIM = 1
SQ3 = float(np.sqrt(3.0))

def radial_embedding(lengths):
    # MACE-style Bessel basis * polynomial cutoff; lengths: [E,1]
    n = jnp.arange(1, NUM_BESSEL + 1, dtype=jnp.float32) * np.pi
    pref = np.sqrt(2.0 / R_MAX)
    bessel = pref * jnp.sin(n * lengths / R_MAX) / lengths
    x = lengths / R_MAX
    p = P_CUT
    env = (1.0 - (p + 1.0) * (p + 2.0) / 2.0 * x ** p
           + p * (p + 2.0) * x ** (p + 1.0)
           - p * (p + 1.0) / 2.0 * x ** (p + 2.0))
    env = env * (x < 1.0)
    return bessel * env

def sph_harm(vectors, lengths):
    # e3nn spherical harmonics, normalize=True, component normalization, max_ell=1
    u = vectors / lengths
    y0 = jnp.ones_like(lengths)
    y1 = SQ3 * u[:, jnp.array([1, 2, 0])]  # e3nn (y,z,x) convention for 1o
    return jnp.concatenate([y0, y1], axis=-1)

def gate_fn(out):
    # e3nn Gate: silu on scalars, sigmoid gates multiply the 1o features
    s = jax.nn.silu(out[:, :EMB])
    g = jax.nn.sigmoid(out[:, EMB:2 * EMB])
    v = out[:, 2 * EMB:].reshape(-1, EMB, 3)
    v = g[:, :, None] * v
    return jnp.concatenate([s, v.reshape(-1, EMB * 3)], axis=-1)

def tp_layer(h, edge_sh, w, first):
    # e3nn FullyConnectedTensorProduct with per-edge (uvw) weights, explicit wigner-3j
    y0 = edge_sh[:, :1]
    y1 = edge_sh[:, 1:4]
    if first:
        # in: 16x0e ; out: 16x0e (scalars) + 16x0e (gates) + 16x1o (gated)
        w = w.reshape(-1, 3, EMB, EMB)
        a0 = 1.0 / np.sqrt(EMB)
        a1 = np.sqrt(3.0) / np.sqrt(EMB)
        s_in = h
        s = a0 * jnp.einsum('eu,euw->ew', s_in * y0, w[:, 0])
        g = a0 * jnp.einsum('eu,euw->ew', s_in * y0, w[:, 1])
        v = (a1 / SQ3) * jnp.einsum('eu,ek,euw->ewk', s_in, y1, w[:, 2])
    else:
        # in: 16x0e + 16x1o
        w = w.reshape(-1, 6, EMB, EMB)
        a0 = 1.0 / np.sqrt(2 * EMB)
        a1 = np.sqrt(3.0) / np.sqrt(2 * EMB)
        s_in = h[:, :EMB]
        v_in = h[:, EMB:].reshape(-1, EMB, 3)
        dot = jnp.einsum('eui,ei->eu', v_in, y1) / SQ3  # 1o x 1o -> 0e
        s = a0 * (jnp.einsum('eu,euw->ew', s_in * y0, w[:, 0]) + jnp.einsum('eu,euw->ew', dot, w[:, 1]))
        g = a0 * (jnp.einsum('eu,euw->ew', s_in * y0, w[:, 2]) + jnp.einsum('eu,euw->ew', dot, w[:, 3]))
        v = (a1 / SQ3) * (jnp.einsum('eu,ek,euw->ewk', s_in, y1, w[:, 4])
                          + jnp.einsum('euk,euw->ewk', v_in * y0[:, :, None], w[:, 5]))
    return jnp.concatenate([s, g, v.reshape(-1, EMB * 3)], axis=-1)

def conv(h, edge_index, edge_sh, edge_feats, fc1_w, fc1_b, fc2_w, fc2_b, first):
    src = edge_index[0]
    dst = edge_index[1]
    hid = jax.nn.relu(edge_feats @ fc1_w + fc1_b)
    w = hid @ fc2_w + fc2_b
    msg = tp_layer(h[dst], edge_sh, w, first)
    agg = jax.ops.segment_sum(msg, src, num_segments=N_NODES)
    return gate_fn(agg)

def setup_inputs(seed: int = 0):
    key = jax.random.key(seed)
    ks = jax.random.split(key, 20)
    atoms = jax.random.randint(ks[0], (N_NODES,), 0, IN_DIM)
    pos = jax.random.normal(ks[1], (N_NODES, 3), dtype=jnp.float32)
    src = jax.random.randint(ks[2], (N_EDGES,), 0, N_NODES)
    off = jax.random.randint(ks[3], (N_EDGES,), 1, N_NODES)
    dst = (src + off) % N_NODES  # no self-loops -> no zero-length edges
    edge_index = jnp.stack([src, dst], axis=0)
    batch = jnp.sort(jax.random.randint(ks[4], (N_NODES,), 0, N_GRAPHS))
    emb = jax.random.normal(ks[5], (IN_DIM, EMB), dtype=jnp.float32)
    wn0 = 3 * EMB * EMB
    wn1 = 6 * EMB * EMB
    def lin(k, fan_in, fan_out):
        return jax.random.normal(k, (fan_in, fan_out), dtype=jnp.float32) / np.sqrt(fan_in)
    inp = dict(atoms=atoms, pos=pos, edge_index=edge_index, batch=batch, emb=emb)
    inp['fc1_w0'] = lin(ks[6], NUM_BESSEL, MLP_DIM)
    inp['fc1_b0'] = jnp.zeros((MLP_DIM,), jnp.float32)
    inp['fc2_w0'] = lin(ks[7], MLP_DIM, wn0)
    inp['fc2_b0'] = jnp.zeros((wn0,), jnp.float32)
    inp['fc1_w1'] = lin(ks[8], NUM_BESSEL, MLP_DIM)
    inp['fc1_b1'] = jnp.zeros((MLP_DIM,), jnp.float32)
    inp['fc2_w1'] = lin(ks[9], MLP_DIM, wn1)
    inp['fc2_b1'] = jnp.zeros((wn1,), jnp.float32)
    inp['pred_w1'] = lin(ks[10], EMB, EMB)
    inp['pred_b1'] = jnp.zeros((EMB,), jnp.float32)
    inp['pred_w2'] = lin(ks[11], EMB, OUT_DIM)
    inp['pred_b2'] = jnp.zeros((OUT_DIM,), jnp.float32)
    return inp

def reference(atoms, pos, edge_index, batch, emb, fc1_w0, fc1_b0, fc2_w0, fc2_b0, fc1_w1, fc1_b1, fc2_w1, fc2_b1, pred_w1, pred_b1, pred_w2, pred_b2):
    h = emb[atoms]
    vec = pos[edge_index[0]] - pos[edge_index[1]]
    lengths = jnp.linalg.norm(vec, axis=-1, keepdims=True)
    edge_sh = sph_harm(vec, lengths)
    edge_feats = radial_embedding(lengths)
    h_up = conv(h, edge_index, edge_sh, edge_feats, fc1_w0, fc1_b0, fc2_w0, fc2_b0, True)
    h = h_up + jnp.pad(h, ((0, 0), (0, h_up.shape[-1] - h.shape[-1])))
    h_up = conv(h, edge_index, edge_sh, edge_feats, fc1_w1, fc1_b1, fc2_w1, fc2_b1, False)
    h = h_up + h
    out = jax.ops.segment_sum(h, batch, num_segments=N_GRAPHS)
    out = out[:, :EMB]
    out = jax.nn.relu(out @ pred_w1 + pred_b1) @ pred_w2 + pred_b2
    return out

if __name__ == "__main__":
    import jax
    _d = setup_inputs()
    print(jax.jit(kernel)(*tuple(_d.values())))

</pallas_src>

<mosaic_0001>
#map = affine_map<(d0, d1) -> (0, 0)>
#map1 = affine_map<(d0, d1) -> (0, 0, 0)>
module attributes {stable_mosaic.version = 14 : i64} {
  func.func @k(%arg0: i32, %arg1: i32, %arg2: memref<10000x32xf32, #tpu.memory_space<hbm>>, %arg3: memref<32x40x128xi32, #tpu.memory_space<hbm>>, %arg4: memref<163840x32xf32, #tpu.memory_space<hbm>>, %arg5: memref<40x128xi32, #tpu.memory_space<vmem>>, %arg6: memref<128x32xf32, #tpu.memory_space<vmem>>, %arg7: memref<!tpu.dma_semaphore, #tpu.memory_space<semaphore_mem>>) attributes {dimension_semantics = [#tpu.dimension_semantics<core_parallel>, #tpu.dimension_semantics<subcore_parallel>], iteration_bounds = array<i64: 2, 16>, scalar_prefetch = 0 : i64, scratch_operands = 3 : i64, tpu.core_type = #tpu.core_type<sc_vector_subcore>, window_params = [{transform_indices = #map}, {transform_indices = #map1}, {transform_indices = #map}]} {
    %mul3A = arith.constant 2 : i32
    %mul3A_0 = arith.muli %arg1, %mul3A : i32
    %add3A = arith.addi %mul3A_0, %arg0 : i32
    %mul3A_1 = arith.constant 5120 : i32
    %mul3A_2 = arith.muli %add3A, %mul3A_1 : i32
    "tpu.region"() ({
      %run_scoped3A = tpu.sem_alloc : memref<!tpu.dma_semaphore, #tpu.memory_space<semaphore_mem>>
      %dma_start3A = arith.constant 0 : i32
      %dma_start3A_8 = arith.constant 0 : i32
      %dma_start3A_9 = tpu.memref_slice %arg3[%add3A, %dma_start3A, %dma_start3A_8] : memref<32x40x128xi32, #tpu.memory_space<hbm>> -> memref<1x40x128xi32, #tpu.memory_space<hbm>>
      %dma_start3A_10 = tpu.memref_squeeze %dma_start3A_9 : memref<1x40x128xi32, #tpu.memory_space<hbm>> -> memref<40x128xi32, #tpu.memory_space<hbm>>
      %dma_start3A_11 = arith.constant 0 : i32
      %dma_start3A_12 = arith.constant 0 : i32
      %dma_start3A_13 = tpu.memref_slice %arg3[%add3A, %dma_start3A_11, %dma_start3A_12] : memref<32x40x128xi32, #tpu.memory_space<hbm>> -> memref<1x40x128xi32, #tpu.memory_space<hbm>>
      %dma_start3A_14 = tpu.memref_squeeze %dma_start3A_13 : memref<1x40x128xi32, #tpu.memory_space<hbm>> -> memref<40x128xi32, #tpu.memory_space<hbm>>
      tpu.enqueue_dma source(%dma_start3A_14 : memref<40x128xi32, #tpu.memory_space<hbm>>) target(%arg5 : memref<40x128xi32, #tpu.memory_space<vmem>>) target_semaphore(%run_scoped3A : memref<!tpu.dma_semaphore, #tpu.memory_space<semaphore_mem>>)
      %dma_wait3A = arith.constant 0 : i32
      %dma_wait3A_15 = arith.constant 0 : i32
      %dma_wait3A_16 = tpu.memref_slice %arg3[%add3A, %dma_wait3A, %dma_wait3A_15] : memref<32x40x128xi32, #tpu.memory_space<hbm>> -> memref<1x40x128xi32, #tpu.memory_space<hbm>>
      %dma_wait3A_17 = tpu.memref_squeeze %dma_wait3A_16 : memref<1x40x128xi32, #tpu.memory_space<hbm>> -> memref<40x128xi32, #tpu.memory_space<hbm>>
      %dma_wait3A_18 = arith.constant 0 : i32
      %dma_wait3A_19 = arith.constant 0 : i32
      %dma_wait3A_20 = tpu.memref_slice %arg3[%add3A, %dma_wait3A_18, %dma_wait3A_19] : memref<32x40x128xi32, #tpu.memory_space<hbm>> -> memref<1x40x128xi32, #tpu.memory_space<hbm>>
      %dma_wait3A_21 = tpu.memref_squeeze %dma_wait3A_20 : memref<1x40x128xi32, #tpu.memory_space<hbm>> -> memref<40x128xi32, #tpu.memory_space<hbm>>
      tpu.wait_dma2 semaphore(%run_scoped3A : memref<!tpu.dma_semaphore, #tpu.memory_space<semaphore_mem>>) src(%dma_wait3A_21 : memref<40x128xi32, #tpu.memory_space<hbm>>) dst(%arg5 : memref<40x128xi32, #tpu.memory_space<vmem>>)
      tpu.yield
    }) : () -> ()
    %scan3A = arith.constant 0 : i32
    %scan3A_3 = arith.constant 0 : i32
    %scan3A_4 = arith.constant 40 : i32
    %scan3A_5 = arith.addi %scan3A_3, %scan3A_4 : i32
    %scan3A_6 = arith.constant 1 : i32
    scf.for %scan3A_8 = %scan3A_3 to %scan3A_5 step %scan3A_6  : i32 {
      %dma_start3A = arith.constant 0 : i32
      %dma_start3A_9 = tpu.memref_slice %arg5[%scan3A_8, %dma_start3A] : memref<40x128xi32, #tpu.memory_space<vmem>> -> memref<1x128xi32, #tpu.memory_space<vmem>>
      %dma_start3A_10 = tpu.memref_squeeze %dma_start3A_9 : memref<1x128xi32, #tpu.memory_space<vmem>> -> memref<128xi32, #tpu.memory_space<vmem>>
      %dma_start3A_11 = arith.constant 0 : i32
      %dma_start3A_12 = arith.constant 0 : i32
      %dma_start3A_13 = tpu.memref_slice %arg2[%dma_start3A_11, %dma_start3A_12] : memref<10000x32xf32, #tpu.memory_space<hbm>> -> memref<10000x32xf32, #tpu.memory_space<hbm>>
      tpu.enqueue_indirect_dma source(%dma_start3A_13 : memref<10000x32xf32, #tpu.memory_space<hbm>>) target(%arg6 : memref<128x32xf32, #tpu.memory_space<vmem>>) offsets(%dma_start3A_10 : memref<128xi32, #tpu.memory_space<vmem>>) semaphore(%arg7 : memref<!tpu.dma_semaphore, #tpu.memory_space<semaphore_mem>>)
      %dma_wait3A = arith.constant 0 : i32
      %dma_wait3A_14 = tpu.memref_slice %arg5[%scan3A_8, %dma_wait3A] : memref<40x128xi32, #tpu.memory_space<vmem>> -> memref<1x128xi32, #tpu.memory_space<vmem>>
      %dma_wait3A_15 = tpu.memref_squeeze %dma_wait3A_14 : memref<1x128xi32, #tpu.memory_space<vmem>> -> memref<128xi32, #tpu.memory_space<vmem>>
      %dma_wait3A_16 = arith.constant 0 : i32
      %dma_wait3A_17 = arith.constant 0 : i32
      %dma_wait3A_18 = tpu.memref_slice %arg2[%dma_wait3A_16, %dma_wait3A_17] : memref<10000x32xf32, #tpu.memory_space<hbm>> -> memref<10000x32xf32, #tpu.memory_space<hbm>>
      tpu.wait_indirect_dma semaphore(%arg7 : memref<!tpu.dma_semaphore, #tpu.memory_space<semaphore_mem>>) src(%dma_wait3A_18 : memref<10000x32xf32, #tpu.memory_space<hbm>>) dst(%arg6 : memref<128x32xf32, #tpu.memory_space<vmem>>)
      %mul3A_19 = arith.constant 128 : i32
      %mul3A_20 = arith.muli %scan3A_8, %mul3A_19 : i32
      %add3A_21 = arith.addi %mul3A_2, %mul3A_20 : i32
      "tpu.region"() ({
        %run_scoped3A = tpu.sem_alloc : memref<!tpu.dma_semaphore, #tpu.memory_space<semaphore_mem>>
        %dma_start3A_22 = arith.constant 0 : i32
        %dma_start3A_23 = tpu.memref_slice %arg4[%add3A_21, %dma_start3A_22] : memref<163840x32xf32, #tpu.memory_space<hbm>> -> memref<128x32xf32, #tpu.memory_space<hbm>>
        %dma_start3A_24 = arith.constant 0 : i32
        %dma_start3A_25 = tpu.memref_slice %arg4[%add3A_21, %dma_start3A_24] : memref<163840x32xf32, #tpu.memory_space<hbm>> -> memref<128x32xf32, #tpu.memory_space<hbm>>
        tpu.enqueue_dma source(%arg6 : memref<128x32xf32, #tpu.memory_space<vmem>>) target(%dma_start3A_25 : memref<128x32xf32, #tpu.memory_space<hbm>>) target_semaphore(%run_scoped3A : memref<!tpu.dma_semaphore, #tpu.memory_space<semaphore_mem>>)
        %dma_wait3A_26 = arith.constant 0 : i32
        %dma_wait3A_27 = tpu.memref_slice %arg4[%add3A_21, %dma_wait3A_26] : memref<163840x32xf32, #tpu.memory_space<hbm>> -> memref<128x32xf32, #tpu.memory_space<hbm>>
        %dma_wait3A_28 = arith.constant 0 : i32
        %dma_wait3A_29 = tpu.memref_slice %arg4[%add3A_21, %dma_wait3A_28] : memref<163840x32xf32, #tpu.memory_space<hbm>> -> memref<128x32xf32, #tpu.memory_space<hbm>>
        tpu.wait_dma2 semaphore(%run_scoped3A : memref<!tpu.dma_semaphore, #tpu.memory_space<semaphore_mem>>) src(%arg6 : memref<128x32xf32, #tpu.memory_space<vmem>>) dst(%dma_wait3A_29 : memref<128x32xf32, #tpu.memory_space<hbm>>)
        tpu.yield
      }) : () -> ()
    }
    %scan3A_7 = arith.constant 40 : i32
    return
  }
}

#map = affine_map<(d0, d1) -> (0, 0)>
#map1 = affine_map<(d0, d1) -> (0, 0, 0)>
module attributes {stable_mosaic.version = 14 : i64} {
  func.func @k(%arg0: i32, %arg1: i32, %arg2: memref<10000x16xf32, #tpu.memory_space<hbm>>, %arg3: memref<32x40x128xi32, #tpu.memory_space<hbm>>, %arg4: memref<163840x16xf32, #tpu.memory_space<hbm>>, %arg5: memref<40x128xi32, #tpu.memory_space<vmem>>, %arg6: memref<128x16xf32, #tpu.memory_space<vmem>>, %arg7: memref<!tpu.dma_semaphore, #tpu.memory_space<semaphore_mem>>) attributes {dimension_semantics = [#tpu.dimension_semantics<core_parallel>, #tpu.dimension_semantics<subcore_parallel>], iteration_bounds = array<i64: 2, 16>, scalar_prefetch = 0 : i64, scratch_operands = 3 : i64, tpu.core_type = #tpu.core_type<sc_vector_subcore>, window_params = [{transform_indices = #map}, {transform_indices = #map1}, {transform_indices = #map}]} {
    %mul3A = arith.constant 2 : i32
    %mul3A_0 = arith.muli %arg1, %mul3A : i32
    %add3A = arith.addi %mul3A_0, %arg0 : i32
    %mul3A_1 = arith.constant 5120 : i32
    %mul3A_2 = arith.muli %add3A, %mul3A_1 : i32
    "tpu.region"() ({
      %run_scoped3A = tpu.sem_alloc : memref<!tpu.dma_semaphore, #tpu.memory_space<semaphore_mem>>
      %dma_start3A = arith.constant 0 : i32
      %dma_start3A_8 = arith.constant 0 : i32
      %dma_start3A_9 = tpu.memref_slice %arg3[%add3A, %dma_start3A, %dma_start3A_8] : memref<32x40x128xi32, #tpu.memory_space<hbm>> -> memref<1x40x128xi32, #tpu.memory_space<hbm>>
      %dma_start3A_10 = tpu.memref_squeeze %dma_start3A_9 : memref<1x40x128xi32, #tpu.memory_space<hbm>> -> memref<40x128xi32, #tpu.memory_space<hbm>>
      %dma_start3A_11 = arith.constant 0 : i32
      %dma_start3A_12 = arith.constant 0 : i32
      %dma_start3A_13 = tpu.memref_slice %arg3[%add3A, %dma_start3A_11, %dma_start3A_12] : memref<32x40x128xi32, #tpu.memory_space<hbm>> -> memref<1x40x128xi32, #tpu.memory_space<hbm>>
      %dma_start3A_14 = tpu.memref_squeeze %dma_start3A_13 : memref<1x40x128xi32, #tpu.memory_space<hbm>> -> memref<40x128xi32, #tpu.memory_space<hbm>>
      tpu.enqueue_dma source(%dma_start3A_14 : memref<40x128xi32, #tpu.memory_space<hbm>>) target(%arg5 : memref<40x128xi32, #tpu.memory_space<vmem>>) target_semaphore(%run_scoped3A : memref<!tpu.dma_semaphore, #tpu.memory_space<semaphore_mem>>)
      %dma_wait3A = arith.constant 0 : i32
      %dma_wait3A_15 = arith.constant 0 : i32
      %dma_wait3A_16 = tpu.memref_slice %arg3[%add3A, %dma_wait3A, %dma_wait3A_15] : memref<32x40x128xi32, #tpu.memory_space<hbm>> -> memref<1x40x128xi32, #tpu.memory_space<hbm>>
      %dma_wait3A_17 = tpu.memref_squeeze %dma_wait3A_16 : memref<1x40x128xi32, #tpu.memory_space<hbm>> -> memref<40x128xi32, #tpu.memory_space<hbm>>
      %dma_wait3A_18 = arith.constant 0 : i32
      %dma_wait3A_19 = arith.constant 0 : i32
      %dma_wait3A_20 = tpu.memref_slice %arg3[%add3A, %dma_wait3A_18, %dma_wait3A_19] : memref<32x40x128xi32, #tpu.memory_space<hbm>> -> memref<1x40x128xi32, #tpu.memory_space<hbm>>
      %dma_wait3A_21 = tpu.memref_squeeze %dma_wait3A_20 : memref<1x40x128xi32, #tpu.memory_space<hbm>> -> memref<40x128xi32, #tpu.memory_space<hbm>>
      tpu.wait_dma2 semaphore(%run_scoped3A : memref<!tpu.dma_semaphore, #tpu.memory_space<semaphore_mem>>) src(%dma_wait3A_21 : memref<40x128xi32, #tpu.memory_space<hbm>>) dst(%arg5 : memref<40x128xi32, #tpu.memory_space<vmem>>)
      tpu.yield
    }) : () -> ()
    %scan3A = arith.constant 0 : i32
    %scan3A_3 = arith.constant 0 : i32
    %scan3A_4 = arith.constant 40 : i32
    %scan3A_5 = arith.addi %scan3A_3, %scan3A_4 : i32
    %scan3A_6 = arith.constant 1 : i32
    scf.for %scan3A_8 = %scan3A_3 to %scan3A_5 step %scan3A_6  : i32 {
      %dma_start3A = arith.constant 0 : i32
      %dma_start3A_9 = tpu.memref_slice %arg5[%scan3A_8, %dma_start3A] : memref<40x128xi32, #tpu.memory_space<vmem>> -> memref<1x128xi32, #tpu.memory_space<vmem>>
      %dma_start3A_10 = tpu.memref_squeeze %dma_start3A_9 : memref<1x128xi32, #tpu.memory_space<vmem>> -> memref<128xi32, #tpu.memory_space<vmem>>
      %dma_start3A_11 = arith.constant 0 : i32
      %dma_start3A_12 = arith.constant 0 : i32
      %dma_start3A_13 = tpu.memref_slice %arg2[%dma_start3A_11, %dma_start3A_12] : memref<10000x16xf32, #tpu.memory_space<hbm>> -> memref<10000x16xf32, #tpu.memory_space<hbm>>
      tpu.enqueue_indirect_dma source(%dma_start3A_13 : memref<10000x16xf32, #tpu.memory_space<hbm>>) target(%arg6 : memref<128x16xf32, #tpu.memory_space<vmem>>) offsets(%dma_start3A_10 : memref<128xi32, #tpu.memory_space<vmem>>) semaphore(%arg7 : memref<!tpu.dma_semaphore, #tpu.memory_space<semaphore_mem>>)
      %dma_wait3A = arith.constant 0 : i32
      %dma_wait3A_14 = tpu.memref_slice %arg5[%scan3A_8, %dma_wait3A] : memref<40x128xi32, #tpu.memory_space<vmem>> -> memref<1x128xi32, #tpu.memory_space<vmem>>
      %dma_wait3A_15 = tpu.memref_squeeze %dma_wait3A_14 : memref<1x128xi32, #tpu.memory_space<vmem>> -> memref<128xi32, #tpu.memory_space<vmem>>
      %dma_wait3A_16 = arith.constant 0 : i32
      %dma_wait3A_17 = arith.constant 0 : i32
      %dma_wait3A_18 = tpu.memref_slice %arg2[%dma_wait3A_16, %dma_wait3A_17] : memref<10000x16xf32, #tpu.memory_space<hbm>> -> memref<10000x16xf32, #tpu.memory_space<hbm>>
      tpu.wait_indirect_dma semaphore(%arg7 : memref<!tpu.dma_semaphore, #tpu.memory_space<semaphore_mem>>) src(%dma_wait3A_18 : memref<10000x16xf32, #tpu.memory_space<hbm>>) dst(%arg6 : memref<128x16xf32, #tpu.memory_space<vmem>>)
      %mul3A_19 = arith.constant 128 : i32
      %mul3A_20 = arith.muli %scan3A_8, %mul3A_19 : i32
      %add3A_21 = arith.addi %mul3A_2, %mul3A_20 : i32
      "tpu.region"() ({
        %run_scoped3A = tpu.sem_alloc : memref<!tpu.dma_semaphore, #tpu.memory_space<semaphore_mem>>
        %dma_start3A_22 = arith.constant 0 : i32
        %dma_start3A_23 = tpu.memref_slice %arg4[%add3A_21, %dma_start3A_22] : memref<163840x16xf32, #tpu.memory_space<hbm>> -> memref<128x16xf32, #tpu.memory_space<hbm>>
        %dma_start3A_24 = arith.constant 0 : i32
        %dma_start3A_25 = tpu.memref_slice %arg4[%add3A_21, %dma_start3A_24] : memref<163840x16xf32, #tpu.memory_space<hbm>> -> memref<128x16xf32, #tpu.memory_space<hbm>>
        tpu.enqueue_dma source(%arg6 : memref<128x16xf32, #tpu.memory_space<vmem>>) target(%dma_start3A_25 : memref<128x16xf32, #tpu.memory_space<hbm>>) target_semaphore(%run_scoped3A : memref<!tpu.dma_semaphore, #tpu.memory_space<semaphore_mem>>)
        %dma_wait3A_26 = arith.constant 0 : i32
        %dma_wait3A_27 = tpu.memref_slice %arg4[%add3A_21, %dma_wait3A_26] : memref<163840x16xf32, #tpu.memory_space<hbm>> -> memref<128x16xf32, #tpu.memory_space<hbm>>
        %dma_wait3A_28 = arith.constant 0 : i32
        %dma_wait3A_29 = tpu.memref_slice %arg4[%add3A_21, %dma_wait3A_28] : memref<163840x16xf32, #tpu.memory_space<hbm>> -> memref<128x16xf32, #tpu.memory_space<hbm>>
        tpu.wait_dma2 semaphore(%run_scoped3A : memref<!tpu.dma_semaphore, #tpu.memory_space<semaphore_mem>>) src(%arg6 : memref<128x16xf32, #tpu.memory_space<vmem>>) dst(%dma_wait3A_29 : memref<128x16xf32, #tpu.memory_space<hbm>>)
        tpu.yield
      }) : () -> ()
    }
    %scan3A_7 = arith.constant 40 : i32
    return
  }
}

#map = affine_map<(d0, d1) -> (0, 0)>
#map1 = affine_map<(d0, d1) -> (0, 0, 0)>
module attributes {stable_mosaic.version = 14 : i64} {
  func.func @k(%arg0: i32, %arg1: i32, %arg2: memref<100x16xf32, #tpu.memory_space<hbm>>, %arg3: memref<32x5x64xi32, #tpu.memory_space<hbm>>, %arg4: memref<10240x16xf32, #tpu.memory_space<hbm>>, %arg5: memref<5x64xi32, #tpu.memory_space<vmem>>, %arg6: memref<64x16xf32, #tpu.memory_space<vmem>>, %arg7: memref<!tpu.dma_semaphore, #tpu.memory_space<semaphore_mem>>) attributes {dimension_semantics = [#tpu.dimension_semantics<core_parallel>, #tpu.dimension_semantics<subcore_parallel>], iteration_bounds = array<i64: 2, 16>, scalar_prefetch = 0 : i64, scratch_operands = 3 : i64, tpu.core_type = #tpu.core_type<sc_vector_subcore>, window_params = [{transform_indices = #map}, {transform_indices = #map1}, {transform_indices = #map}]} {
    %mul3A = arith.constant 2 : i32
    %mul3A_0 = arith.muli %arg1, %mul3A : i32
    %add3A = arith.addi %mul3A_0, %arg0 : i32
    %mul3A_1 = arith.constant 320 : i32
    %mul3A_2 = arith.muli %add3A, %mul3A_1 : i32
    "tpu.region"() ({
      %run_scoped3A = tpu.sem_alloc : memref<!tpu.dma_semaphore, #tpu.memory_space<semaphore_mem>>
      %dma_start3A = arith.constant 0 : i32
      %dma_start3A_8 = arith.constant 0 : i32
      %dma_start3A_9 = tpu.memref_slice %arg3[%add3A, %dma_start3A, %dma_start3A_8] : memref<32x5x64xi32, #tpu.memory_space<hbm>> -> memref<1x5x64xi32, #tpu.memory_space<hbm>>
      %dma_start3A_10 = tpu.memref_squeeze %dma_start3A_9 : memref<1x5x64xi32, #tpu.memory_space<hbm>> -> memref<5x64xi32, #tpu.memory_space<hbm>>
      %dma_start3A_11 = arith.constant 0 : i32
      %dma_start3A_12 = arith.constant 0 : i32
      %dma_start3A_13 = tpu.memref_slice %arg3[%add3A, %dma_start3A_11, %dma_start3A_12] : memref<32x5x64xi32, #tpu.memory_space<hbm>> -> memref<1x5x64xi32, #tpu.memory_space<hbm>>
      %dma_start3A_14 = tpu.memref_squeeze %dma_start3A_13 : memref<1x5x64xi32, #tpu.memory_space<hbm>> -> memref<5x64xi32, #tpu.memory_space<hbm>>
      tpu.enqueue_dma source(%dma_start3A_14 : memref<5x64xi32, #tpu.memory_space<hbm>>) target(%arg5 : memref<5x64xi32, #tpu.memory_space<vmem>>) target_semaphore(%run_scoped3A : memref<!tpu.dma_semaphore, #tpu.memory_space<semaphore_mem>>)
      %dma_wait3A = arith.constant 0 : i32
      %dma_wait3A_15 = arith.constant 0 : i32
      %dma_wait3A_16 = tpu.memref_slice %arg3[%add3A, %dma_wait3A, %dma_wait3A_15] : memref<32x5x64xi32, #tpu.memory_space<hbm>> -> memref<1x5x64xi32, #tpu.memory_space<hbm>>
      %dma_wait3A_17 = tpu.memref_squeeze %dma_wait3A_16 : memref<1x5x64xi32, #tpu.memory_space<hbm>> -> memref<5x64xi32, #tpu.memory_space<hbm>>
      %dma_wait3A_18 = arith.constant 0 : i32
      %dma_wait3A_19 = arith.constant 0 : i32
      %dma_wait3A_20 = tpu.memref_slice %arg3[%add3A, %dma_wait3A_18, %dma_wait3A_19] : memref<32x5x64xi32, #tpu.memory_space<hbm>> -> memref<1x5x64xi32, #tpu.memory_space<hbm>>
      %dma_wait3A_21 = tpu.memref_squeeze %dma_wait3A_20 : memref<1x5x64xi32, #tpu.memory_space<hbm>> -> memref<5x64xi32, #tpu.memory_space<hbm>>
      tpu.wait_dma2 semaphore(%run_scoped3A : memref<!tpu.dma_semaphore, #tpu.memory_space<semaphore_mem>>) src(%dma_wait3A_21 : memref<5x64xi32, #tpu.memory_space<hbm>>) dst(%arg5 : memref<5x64xi32, #tpu.memory_space<vmem>>)
      tpu.yield
    }) : () -> ()
    %scan3A = arith.constant 0 : i32
    %scan3A_3 = arith.constant 0 : i32
    %scan3A_4 = arith.constant 5 : i32
    %scan3A_5 = arith.addi %scan3A_3, %scan3A_4 : i32
    %scan3A_6 = arith.constant 1 : i32
    scf.for %scan3A_8 = %scan3A_3 to %scan3A_5 step %scan3A_6  : i32 {
      %dma_start3A = arith.constant 0 : i32
      %dma_start3A_9 = tpu.memref_slice %arg5[%scan3A_8, %dma_start3A] : memref<5x64xi32, #tpu.memory_space<vmem>> -> memref<1x64xi32, #tpu.memory_space<vmem>>
      %dma_start3A_10 = tpu.memref_squeeze %dma_start3A_9 : memref<1x64xi32, #tpu.memory_space<vmem>> -> memref<64xi32, #tpu.memory_space<vmem>>
      %dma_start3A_11 = arith.constant 0 : i32
      %dma_start3A_12 = arith.constant 0 : i32
      %dma_start3A_13 = tpu.memref_slice %arg2[%dma_start3A_11, %dma_start3A_12] : memref<100x16xf32, #tpu.memory_space<hbm>> -> memref<100x16xf32, #tpu.memory_space<hbm>>
      tpu.enqueue_indirect_dma source(%dma_start3A_13 : memref<100x16xf32, #tpu.memory_space<hbm>>) target(%arg6 : memref<64x16xf32, #tpu.memory_space<vmem>>) offsets(%dma_start3A_10 : memref<64xi32, #tpu.memory_space<vmem>>) semaphore(%arg7 : memref<!tpu.dma_semaphore, #tpu.memory_space<semaphore_mem>>)
      %dma_wait3A = arith.constant 0 : i32
      %dma_wait3A_14 = tpu.memref_slice %arg5[%scan3A_8, %dma_wait3A] : memref<5x64xi32, #tpu.memory_space<vmem>> -> memref<1x64xi32, #tpu.memory_space<vmem>>
      %dma_wait3A_15 = tpu.memref_squeeze %dma_wait3A_14 : memref<1x64xi32, #tpu.memory_space<vmem>> -> memref<64xi32, #tpu.memory_space<vmem>>
      %dma_wait3A_16 = arith.constant 0 : i32
      %dma_wait3A_17 = arith.constant 0 : i32
      %dma_wait3A_18 = tpu.memref_slice %arg2[%dma_wait3A_16, %dma_wait3A_17] : memref<100x16xf32, #tpu.memory_space<hbm>> -> memref<100x16xf32, #tpu.memory_space<hbm>>
      tpu.wait_indirect_dma semaphore(%arg7 : memref<!tpu.dma_semaphore, #tpu.memory_space<semaphore_mem>>) src(%dma_wait3A_18 : memref<100x16xf32, #tpu.memory_space<hbm>>) dst(%arg6 : memref<64x16xf32, #tpu.memory_space<vmem>>)
      %mul3A_19 = arith.constant 64 : i32
      %mul3A_20 = arith.muli %scan3A_8, %mul3A_19 : i32
      %add3A_21 = arith.addi %mul3A_2, %mul3A_20 : i32
      "tpu.region"() ({
        %run_scoped3A = tpu.sem_alloc : memref<!tpu.dma_semaphore, #tpu.memory_space<semaphore_mem>>
        %dma_start3A_22 = arith.constant 0 : i32
        %dma_start3A_23 = tpu.memref_slice %arg4[%add3A_21, %dma_start3A_22] : memref<10240x16xf32, #tpu.memory_space<hbm>> -> memref<64x16xf32, #tpu.memory_space<hbm>>
        %dma_start3A_24 = arith.constant 0 : i32
        %dma_start3A_25 = tpu.memref_slice %arg4[%add3A_21, %dma_start3A_24] : memref<10240x16xf32, #tpu.memory_space<hbm>> -> memref<64x16xf32, #tpu.memory_space<hbm>>
        tpu.enqueue_dma source(%arg6 : memref<64x16xf32, #tpu.memory_space<vmem>>) target(%dma_start3A_25 : memref<64x16xf32, #tpu.memory_space<hbm>>) target_semaphore(%run_scoped3A : memref<!tpu.dma_semaphore, #tpu.memory_space<semaphore_mem>>)
        %dma_wait3A_26 = arith.constant 0 : i32
        %dma_wait3A_27 = tpu.memref_slice %arg4[%add3A_21, %dma_wait3A_26] : memref<10240x16xf32, #tpu.memory_space<hbm>> -> memref<64x16xf32, #tpu.memory_space<hbm>>
        %dma_wait3A_28 = arith.constant 0 : i32
        %dma_wait3A_29 = tpu.memref_slice %arg4[%add3A_21, %dma_wait3A_28] : memref<10240x16xf32, #tpu.memory_space<hbm>> -> memref<64x16xf32, #tpu.memory_space<hbm>>
        tpu.wait_dma2 semaphore(%run_scoped3A : memref<!tpu.dma_semaphore, #tpu.memory_space<semaphore_mem>>) src(%arg6 : memref<64x16xf32, #tpu.memory_space<vmem>>) dst(%dma_wait3A_29 : memref<64x16xf32, #tpu.memory_space<hbm>>)
        tpu.yield
      }) : () -> ()
    }
    %scan3A_7 = arith.constant 5 : i32
    return
  }
}

#map = affine_map<(d0, d1) -> (0, 0)>
#map1 = affine_map<(d0, d1) -> (0, 0, 0)>
module attributes {stable_mosaic.version = 14 : i64} {
  func.func @k(%arg0: i32, %arg1: i32, %arg2: memref<163840x80xf32, #tpu.memory_space<hbm>>, %arg3: memref<32x40x128xi32, #tpu.memory_space<hbm>>, %arg4: memref<10000x80xf32, #tpu.memory_space<hbm>>, %arg5: memref<2x10000x80xf32, #tpu.memory_space<hbm>>, %arg6: memref<40x128xi32, #tpu.memory_space<vmem>>, %arg7: memref<128x80xf32, #tpu.memory_space<vmem>>, %arg8: memref<10000x80xf32, #tpu.memory_space<vmem_shared>>) attributes {dimension_semantics = [#tpu.dimension_semantics<core_parallel>, #tpu.dimension_semantics<subcore_parallel>], iteration_bounds = array<i64: 2, 16>, scalar_prefetch = 0 : i64, scratch_operands = 3 : i64, tpu.core_type = #tpu.core_type<sc_vector_subcore>, window_params = [{transform_indices = #map}, {transform_indices = #map1}, {transform_indices = #map}, {transform_indices = #map1}]} {
    %mul3A = arith.constant 2 : i32
    %mul3A_0 = arith.muli %arg1, %mul3A : i32
    %add3A = arith.addi %mul3A_0, %arg0 : i32
    %mul3A_1 = arith.constant 5120 : i32
    %mul3A_2 = arith.muli %add3A, %mul3A_1 : i32
    "tpu.region"() ({
      %run_scoped3A = tpu.sem_alloc : memref<!tpu.dma_semaphore, #tpu.memory_space<semaphore_mem>>
      %dma_start3A = arith.constant 0 : i32
      %dma_start3A_17 = arith.constant 0 : i32
      %dma_start3A_18 = tpu.memref_slice %arg3[%add3A, %dma_start3A, %dma_start3A_17] : memref<32x40x128xi32, #tpu.memory_space<hbm>> -> memref<1x40x128xi32, #tpu.memory_space<hbm>>
      %dma_start3A_19 = tpu.memref_squeeze %dma_start3A_18 : memref<1x40x128xi32, #tpu.memory_space<hbm>> -> memref<40x128xi32, #tpu.memory_space<hbm>>
      %dma_start3A_20 = arith.constant 0 : i32
      %dma_start3A_21 = arith.constant 0 : i32
      %dma_start3A_22 = tpu.memref_slice %arg3[%add3A, %dma_start3A_20, %dma_start3A_21] : memref<32x40x128xi32, #tpu.memory_space<hbm>> -> memref<1x40x128xi32, #tpu.memory_space<hbm>>
      %dma_start3A_23 = tpu.memref_squeeze %dma_start3A_22 : memref<1x40x128xi32, #tpu.memory_space<hbm>> -> memref<40x128xi32, #tpu.memory_space<hbm>>
      tpu.enqueue_dma source(%dma_start3A_23 : memref<40x128xi32, #tpu.memory_space<hbm>>) target(%arg6 : memref<40x128xi32, #tpu.memory_space<vmem>>) target_semaphore(%run_scoped3A : memref<!tpu.dma_semaphore, #tpu.memory_space<semaphore_mem>>)
      %dma_wait3A = arith.constant 0 : i32
      %dma_wait3A_24 = arith.constant 0 : i32
      %dma_wait3A_25 = tpu.memref_slice %arg3[%add3A, %dma_wait3A, %dma_wait3A_24] : memref<32x40x128xi32, #tpu.memory_space<hbm>> -> memref<1x40x128xi32, #tpu.memory_space<hbm>>
      %dma_wait3A_26 = tpu.memref_squeeze %dma_wait3A_25 : memref<1x40x128xi32, #tpu.memory_space<hbm>> -> memref<40x128xi32, #tpu.memory_space<hbm>>
      %dma_wait3A_27 = arith.constant 0 : i32
      %dma_wait3A_28 = arith.constant 0 : i32
      %dma_wait3A_29 = tpu.memref_slice %arg3[%add3A, %dma_wait3A_27, %dma_wait3A_28] : memref<32x40x128xi32, #tpu.memory_space<hbm>> -> memref<1x40x128xi32, #tpu.memory_space<hbm>>
      %dma_wait3A_30 = tpu.memref_squeeze %dma_wait3A_29 : memref<1x40x128xi32, #tpu.memory_space<hbm>> -> memref<40x128xi32, #tpu.memory_space<hbm>>
      tpu.wait_dma2 semaphore(%run_scoped3A : memref<!tpu.dma_semaphore, #tpu.memory_space<semaphore_mem>>) src(%dma_wait3A_30 : memref<40x128xi32, #tpu.memory_space<hbm>>) dst(%arg6 : memref<40x128xi32, #tpu.memory_space<vmem>>)
      tpu.yield
    }) : () -> ()
    %mul3A_3 = arith.constant 625 : i32
    %mul3A_4 = arith.muli %arg1, %mul3A_3 : i32
    %mul3A_5 = arith.constant 625 : i32
    %mul3A_6 = arith.muli %arg1, %mul3A_5 : i32
    "tpu.region"() ({
      %run_scoped3A = tpu.sem_alloc : memref<!tpu.dma_semaphore, #tpu.memory_space<semaphore_mem>>
      %dma_start3A = arith.constant 0 : i32
      %dma_start3A_17 = tpu.memref_slice %arg8[%mul3A_6, %dma_start3A] : memref<10000x80xf32, #tpu.memory_space<vmem_shared>> -> memref<625x80xf32, #tpu.memory_space<vmem_shared>>
      %dma_start3A_18 = arith.constant 0 : i32
      %dma_start3A_19 = tpu.memref_slice %arg4[%mul3A_4, %dma_start3A_18] : memref<10000x80xf32, #tpu.memory_space<hbm>> -> memref<625x80xf32, #tpu.memory_space<hbm>>
      tpu.enqueue_dma source(%dma_start3A_19 : memref<625x80xf32, #tpu.memory_space<hbm>>) target(%dma_start3A_17 : memref<625x80xf32, #tpu.memory_space<vmem_shared>>) target_semaphore(%run_scoped3A : memref<!tpu.dma_semaphore, #tpu.memory_space<semaphore_mem>>)
      %dma_wait3A = arith.constant 0 : i32
      %dma_wait3A_20 = tpu.memref_slice %arg8[%mul3A_6, %dma_wait3A] : memref<10000x80xf32, #tpu.memory_space<vmem_shared>> -> memref<625x80xf32, #tpu.memory_space<vmem_shared>>
      %dma_wait3A_21 = arith.constant 0 : i32
      %dma_wait3A_22 = tpu.memref_slice %arg4[%mul3A_4, %dma_wait3A_21] : memref<10000x80xf32, #tpu.memory_space<hbm>> -> memref<625x80xf32, #tpu.memory_space<hbm>>
      tpu.wait_dma2 semaphore(%run_scoped3A : memref<!tpu.dma_semaphore, #tpu.memory_space<semaphore_mem>>) src(%dma_wait3A_22 : memref<625x80xf32, #tpu.memory_space<hbm>>) dst(%dma_wait3A_20 : memref<625x80xf32, #tpu.memory_space<vmem_shared>>)
      tpu.yield
    }) : () -> ()
    %barrier3A = arith.constant 0 : index
    tpu.barrier barrier_id(%barrier3A)
    %scan3A = arith.constant 0 : i32
    %scan3A_7 = arith.constant 0 : i32
    %scan3A_8 = arith.constant 40 : i32
    %scan3A_9 = arith.addi %scan3A_7, %scan3A_8 : i32
    %scan3A_10 = arith.constant 1 : i32
    scf.for %scan3A_17 = %scan3A_7 to %scan3A_9 step %scan3A_10  : i32 {
      %mul3A_18 = arith.constant 128 : i32
      %mul3A_19 = arith.muli %scan3A_17, %mul3A_18 : i32
      %add3A_20 = arith.addi %mul3A_2, %mul3A_19 : i32
      "tpu.region"() ({
        %run_scoped3A = tpu.sem_alloc : memref<!tpu.dma_semaphore, #tpu.memory_space<semaphore_mem>>
        %dma_start3A = arith.constant 0 : i32
        %dma_start3A_21 = tpu.memref_slice %arg2[%add3A_20, %dma_start3A] : memref<163840x80xf32, #tpu.memory_space<hbm>> -> memref<128x80xf32, #tpu.memory_space<hbm>>
        %dma_start3A_22 = arith.constant 0 : i32
        %dma_start3A_23 = tpu.memref_slice %arg2[%add3A_20, %dma_start3A_22] : memref<163840x80xf32, #tpu.memory_space<hbm>> -> memref<128x80xf32, #tpu.memory_space<hbm>>
        tpu.enqueue_dma source(%dma_start3A_23 : memref<128x80xf32, #tpu.memory_space<hbm>>) target(%arg7 : memref<128x80xf32, #tpu.memory_space<vmem>>) target_semaphore(%run_scoped3A : memref<!tpu.dma_semaphore, #tpu.memory_space<semaphore_mem>>)
        %dma_wait3A = arith.constant 0 : i32
        %dma_wait3A_24 = tpu.memref_slice %arg2[%add3A_20, %dma_wait3A] : memref<163840x80xf32, #tpu.memory_space<hbm>> -> memref<128x80xf32, #tpu.memory_space<hbm>>
        %dma_wait3A_25 = arith.constant 0 : i32
        %dma_wait3A_26 = tpu.memref_slice %arg2[%add3A_20, %dma_wait3A_25] : memref<163840x80xf32, #tpu.memory_space<hbm>> -> memref<128x80xf32, #tpu.memory_space<hbm>>
        tpu.wait_dma2 semaphore(%run_scoped3A : memref<!tpu.dma_semaphore, #tpu.memory_space<semaphore_mem>>) src(%dma_wait3A_26 : memref<128x80xf32, #tpu.memory_space<hbm>>) dst(%arg7 : memref<128x80xf32, #tpu.memory_space<vmem>>)
        tpu.yield
      }) : () -> ()
      "tpu.region"() ({
        %run_scoped3A = tpu.sem_alloc : memref<!tpu.dma_semaphore, #tpu.memory_space<semaphore_mem>>
        %dma_start3A = arith.constant 0 : i32
        %dma_start3A_21 = tpu.memref_slice %arg6[%scan3A_17, %dma_start3A] : memref<40x128xi32, #tpu.memory_space<vmem>> -> memref<1x128xi32, #tpu.memory_space<vmem>>
        %dma_start3A_22 = tpu.memref_squeeze %dma_start3A_21 : memref<1x128xi32, #tpu.memory_space<vmem>> -> memref<128xi32, #tpu.memory_space<vmem>>
        %dma_start3A_23 = arith.constant 0 : i32
        %dma_start3A_24 = arith.constant 0 : i32
        %dma_start3A_25 = tpu.memref_slice %arg8[%dma_start3A_23, %dma_start3A_24] : memref<10000x80xf32, #tpu.memory_space<vmem_shared>> -> memref<10000x80xf32, #tpu.memory_space<vmem_shared>>
        tpu.enqueue_indirect_dma source(%arg7 : memref<128x80xf32, #tpu.memory_space<vmem>>) target(%dma_start3A_25 : memref<10000x80xf32, #tpu.memory_space<vmem_shared>>) offsets(%dma_start3A_22 : memref<128xi32, #tpu.memory_space<vmem>>) semaphore(%run_scoped3A : memref<!tpu.dma_semaphore, #tpu.memory_space<semaphore_mem>>) {add = true}
        %dma_wait3A = arith.constant 0 : i32
        %dma_wait3A_26 = tpu.memref_slice %arg6[%scan3A_17, %dma_wait3A] : memref<40x128xi32, #tpu.memory_space<vmem>> -> memref<1x128xi32, #tpu.memory_space<vmem>>
        %dma_wait3A_27 = tpu.memref_squeeze %dma_wait3A_26 : memref<1x128xi32, #tpu.memory_space<vmem>> -> memref<128xi32, #tpu.memory_space<vmem>>
        %dma_wait3A_28 = arith.constant 0 : i32
        %dma_wait3A_29 = arith.constant 0 : i32
        %dma_wait3A_30 = tpu.memref_slice %arg8[%dma_wait3A_28, %dma_wait3A_29] : memref<10000x80xf32, #tpu.memory_space<vmem_shared>> -> memref<10000x80xf32, #tpu.memory_space<vmem_shared>>
        tpu.wait_indirect_dma semaphore(%run_scoped3A : memref<!tpu.dma_semaphore, #tpu.memory_space<semaphore_mem>>) src(%arg7 : memref<128x80xf32, #tpu.memory_space<vmem>>) dst(%dma_wait3A_30 : memref<10000x80xf32, #tpu.memory_space<vmem_shared>>)
        tpu.yield
      }) : () -> ()
    }
    %scan3A_11 = arith.constant 40 : i32
    %barrier3A_12 = arith.constant 0 : index
    tpu.barrier barrier_id(%barrier3A_12)
    %mul3A_13 = arith.constant 625 : i32
    %mul3A_14 = arith.muli %arg1, %mul3A_13 : i32
    %mul3A_15 = arith.constant 625 : i32
    %mul3A_16 = arith.muli %arg1, %mul3A_15 : i32
    "tpu.region"() ({
      %run_scoped3A = tpu.sem_alloc : memref<!tpu.dma_semaphore, #tpu.memory_space<semaphore_mem>>
      %dma_start3A = arith.constant 0 : i32
      %dma_start3A_17 = tpu.memref_slice %arg5[%arg0, %mul3A_16, %dma_start3A] : memref<2x10000x80xf32, #tpu.memory_space<hbm>> -> memref<1x625x80xf32, #tpu.memory_space<hbm>>
      %dma_start3A_18 = tpu.memref_squeeze %dma_start3A_17 : memref<1x625x80xf32, #tpu.memory_space<hbm>> -> memref<625x80xf32, #tpu.memory_space<hbm>>
      %dma_start3A_19 = arith.constant 0 : i32
      %dma_start3A_20 = tpu.memref_slice %arg8[%mul3A_14, %dma_start3A_19] : memref<10000x80xf32, #tpu.memory_space<vmem_shared>> -> memref<625x80xf32, #tpu.memory_space<vmem_shared>>
      tpu.enqueue_dma source(%dma_start3A_20 : memref<625x80xf32, #tpu.memory_space<vmem_shared>>) target(%dma_start3A_18 : memref<625x80xf32, #tpu.memory_space<hbm>>) target_semaphore(%run_scoped3A : memref<!tpu.dma_semaphore, #tpu.memory_space<semaphore_mem>>)
      %dma_wait3A = arith.constant 0 : i32
      %dma_wait3A_21 = tpu.memref_slice %arg5[%arg0, %mul3A_16, %dma_wait3A] : memref<2x10000x80xf32, #tpu.memory_space<hbm>> -> memref<1x625x80xf32, #tpu.memory_space<hbm>>
      %dma_wait3A_22 = tpu.memref_squeeze %dma_wait3A_21 : memref<1x625x80xf32, #tpu.memory_space<hbm>> -> memref<625x80xf32, #tpu.memory_space<hbm>>
      %dma_wait3A_23 = arith.constant 0 : i32
      %dma_wait3A_24 = tpu.memref_slice %arg8[%mul3A_14, %dma_wait3A_23] : memref<10000x80xf32, #tpu.memory_space<vmem_shared>> -> memref<625x80xf32, #tpu.memory_space<vmem_shared>>
      tpu.wait_dma2 semaphore(%run_scoped3A : memref<!tpu.dma_semaphore, #tpu.memory_space<semaphore_mem>>) src(%dma_wait3A_24 : memref<625x80xf32, #tpu.memory_space<vmem_shared>>) dst(%dma_wait3A_22 : memref<625x80xf32, #tpu.memory_space<hbm>>)
      tpu.yield
    }) : () -> ()
    return
  }
}

#map = affine_map<(d0, d1) -> (0, 0)>
#map1 = affine_map<(d0, d1) -> (0, 0, 0)>
module attributes {stable_mosaic.version = 14 : i64} {
  func.func @k(%arg0: i32, %arg1: i32, %arg2: memref<10000x80xf32, #tpu.memory_space<hbm>>, %arg3: memref<32x40x128xi32, #tpu.memory_space<hbm>>, %arg4: memref<163840x80xf32, #tpu.memory_space<hbm>>, %arg5: memref<40x128xi32, #tpu.memory_space<vmem>>, %arg6: memref<128x80xf32, #tpu.memory_space<vmem>>, %arg7: memref<!tpu.dma_semaphore, #tpu.memory_space<semaphore_mem>>) attributes {dimension_semantics = [#tpu.dimension_semantics<core_parallel>, #tpu.dimension_semantics<subcore_parallel>], iteration_bounds = array<i64: 2, 16>, scalar_prefetch = 0 : i64, scratch_operands = 3 : i64, tpu.core_type = #tpu.core_type<sc_vector_subcore>, window_params = [{transform_indices = #map}, {transform_indices = #map1}, {transform_indices = #map}]} {
    %mul3A = arith.constant 2 : i32
    %mul3A_0 = arith.muli %arg1, %mul3A : i32
    %add3A = arith.addi %mul3A_0, %arg0 : i32
    %mul3A_1 = arith.constant 5120 : i32
    %mul3A_2 = arith.muli %add3A, %mul3A_1 : i32
    "tpu.region"() ({
      %run_scoped3A = tpu.sem_alloc : memref<!tpu.dma_semaphore, #tpu.memory_space<semaphore_mem>>
      %dma_start3A = arith.constant 0 : i32
      %dma_start3A_8 = arith.constant 0 : i32
      %dma_start3A_9 = tpu.memref_slice %arg3[%add3A, %dma_start3A, %dma_start3A_8] : memref<32x40x128xi32, #tpu.memory_space<hbm>> -> memref<1x40x128xi32, #tpu.memory_space<hbm>>
      %dma_start3A_10 = tpu.memref_squeeze %dma_start3A_9 : memref<1x40x128xi32, #tpu.memory_space<hbm>> -> memref<40x128xi32, #tpu.memory_space<hbm>>
      %dma_start3A_11 = arith.constant 0 : i32
      %dma_start3A_12 = arith.constant 0 : i32
      %dma_start3A_13 = tpu.memref_slice %arg3[%add3A, %dma_start3A_11, %dma_start3A_12] : memref<32x40x128xi32, #tpu.memory_space<hbm>> -> memref<1x40x128xi32, #tpu.memory_space<hbm>>
      %dma_start3A_14 = tpu.memref_squeeze %dma_start3A_13 : memref<1x40x128xi32, #tpu.memory_space<hbm>> -> memref<40x128xi32, #tpu.memory_space<hbm>>
      tpu.enqueue_dma source(%dma_start3A_14 : memref<40x128xi32, #tpu.memory_space<hbm>>) target(%arg5 : memref<40x128xi32, #tpu.memory_space<vmem>>) target_semaphore(%run_scoped3A : memref<!tpu.dma_semaphore, #tpu.memory_space<semaphore_mem>>)
      %dma_wait3A = arith.constant 0 : i32
      %dma_wait3A_15 = arith.constant 0 : i32
      %dma_wait3A_16 = tpu.memref_slice %arg3[%add3A, %dma_wait3A, %dma_wait3A_15] : memref<32x40x128xi32, #tpu.memory_space<hbm>> -> memref<1x40x128xi32, #tpu.memory_space<hbm>>
      %dma_wait3A_17 = tpu.memref_squeeze %dma_wait3A_16 : memref<1x40x128xi32, #tpu.memory_space<hbm>> -> memref<40x128xi32, #tpu.memory_space<hbm>>
      %dma_wait3A_18 = arith.constant 0 : i32
      %dma_wait3A_19 = arith.constant 0 : i32
      %dma_wait3A_20 = tpu.memref_slice %arg3[%add3A, %dma_wait3A_18, %dma_wait3A_19] : memref<32x40x128xi32, #tpu.memory_space<hbm>> -> memref<1x40x128xi32, #tpu.memory_space<hbm>>
      %dma_wait3A_21 = tpu.memref_squeeze %dma_wait3A_20 : memref<1x40x128xi32, #tpu.memory_space<hbm>> -> memref<40x128xi32, #tpu.memory_space<hbm>>
      tpu.wait_dma2 semaphore(%run_scoped3A : memref<!tpu.dma_semaphore, #tpu.memory_space<semaphore_mem>>) src(%dma_wait3A_21 : memref<40x128xi32, #tpu.memory_space<hbm>>) dst(%arg5 : memref<40x128xi32, #tpu.memory_space<vmem>>)
      tpu.yield
    }) : () -> ()
    %scan3A = arith.constant 0 : i32
    %scan3A_3 = arith.constant 0 : i32
    %scan3A_4 = arith.constant 40 : i32
    %scan3A_5 = arith.addi %scan3A_3, %scan3A_4 : i32
    %scan3A_6 = arith.constant 1 : i32
    scf.for %scan3A_8 = %scan3A_3 to %scan3A_5 step %scan3A_6  : i32 {
      %dma_start3A = arith.constant 0 : i32
      %dma_start3A_9 = tpu.memref_slice %arg5[%scan3A_8, %dma_start3A] : memref<40x128xi32, #tpu.memory_space<vmem>> -> memref<1x128xi32, #tpu.memory_space<vmem>>
      %dma_start3A_10 = tpu.memref_squeeze %dma_start3A_9 : memref<1x128xi32, #tpu.memory_space<vmem>> -> memref<128xi32, #tpu.memory_space<vmem>>
      %dma_start3A_11 = arith.constant 0 : i32
      %dma_start3A_12 = arith.constant 0 : i32
      %dma_start3A_13 = tpu.memref_slice %arg2[%dma_start3A_11, %dma_start3A_12] : memref<10000x80xf32, #tpu.memory_space<hbm>> -> memref<10000x80xf32, #tpu.memory_space<hbm>>
      tpu.enqueue_indirect_dma source(%dma_start3A_13 : memref<10000x80xf32, #tpu.memory_space<hbm>>) target(%arg6 : memref<128x80xf32, #tpu.memory_space<vmem>>) offsets(%dma_start3A_10 : memref<128xi32, #tpu.memory_space<vmem>>) semaphore(%arg7 : memref<!tpu.dma_semaphore, #tpu.memory_space<semaphore_mem>>)
      %dma_wait3A = arith.constant 0 : i32
      %dma_wait3A_14 = tpu.memref_slice %arg5[%scan3A_8, %dma_wait3A] : memref<40x128xi32, #tpu.memory_space<vmem>> -> memref<1x128xi32, #tpu.memory_space<vmem>>
      %dma_wait3A_15 = tpu.memref_squeeze %dma_wait3A_14 : memref<1x128xi32, #tpu.memory_space<vmem>> -> memref<128xi32, #tpu.memory_space<vmem>>
      %dma_wait3A_16 = arith.constant 0 : i32
      %dma_wait3A_17 = arith.constant 0 : i32
      %dma_wait3A_18 = tpu.memref_slice %arg2[%dma_wait3A_16, %dma_wait3A_17] : memref<10000x80xf32, #tpu.memory_space<hbm>> -> memref<10000x80xf32, #tpu.memory_space<hbm>>
      tpu.wait_indirect_dma semaphore(%arg7 : memref<!tpu.dma_semaphore, #tpu.memory_space<semaphore_mem>>) src(%dma_wait3A_18 : memref<10000x80xf32, #tpu.memory_space<hbm>>) dst(%arg6 : memref<128x80xf32, #tpu.memory_space<vmem>>)
      %mul3A_19 = arith.constant 128 : i32
      %mul3A_20 = arith.muli %scan3A_8, %mul3A_19 : i32
      %add3A_21 = arith.addi %mul3A_2, %mul3A_20 : i32
      "tpu.region"() ({
        %run_scoped3A = tpu.sem_alloc : memref<!tpu.dma_semaphore, #tpu.memory_space<semaphore_mem>>
        %dma_start3A_22 = arith.constant 0 : i32
        %dma_start3A_23 = tpu.memref_slice %arg4[%add3A_21, %dma_start3A_22] : memref<163840x80xf32, #tpu.memory_space<hbm>> -> memref<128x80xf32, #tpu.memory_space<hbm>>
        %dma_start3A_24 = arith.constant 0 : i32
        %dma_start3A_25 = tpu.memref_slice %arg4[%add3A_21, %dma_start3A_24] : memref<163840x80xf32, #tpu.memory_space<hbm>> -> memref<128x80xf32, #tpu.memory_space<hbm>>
        tpu.enqueue_dma source(%arg6 : memref<128x80xf32, #tpu.memory_space<vmem>>) target(%dma_start3A_25 : memref<128x80xf32, #tpu.memory_space<hbm>>) target_semaphore(%run_scoped3A : memref<!tpu.dma_semaphore, #tpu.memory_space<semaphore_mem>>)
        %dma_wait3A_26 = arith.constant 0 : i32
        %dma_wait3A_27 = tpu.memref_slice %arg4[%add3A_21, %dma_wait3A_26] : memref<163840x80xf32, #tpu.memory_space<hbm>> -> memref<128x80xf32, #tpu.memory_space<hbm>>
        %dma_wait3A_28 = arith.constant 0 : i32
        %dma_wait3A_29 = tpu.memref_slice %arg4[%add3A_21, %dma_wait3A_28] : memref<163840x80xf32, #tpu.memory_space<hbm>> -> memref<128x80xf32, #tpu.memory_space<hbm>>
        tpu.wait_dma2 semaphore(%run_scoped3A : memref<!tpu.dma_semaphore, #tpu.memory_space<semaphore_mem>>) src(%arg6 : memref<128x80xf32, #tpu.memory_space<vmem>>) dst(%dma_wait3A_29 : memref<128x80xf32, #tpu.memory_space<hbm>>)
        tpu.yield
      }) : () -> ()
    }
    %scan3A_7 = arith.constant 40 : i32
    return
  }
}

#map = affine_map<(d0, d1) -> (0, 0)>
#map1 = affine_map<(d0, d1) -> (0, 0, 0)>
module attributes {stable_mosaic.version = 14 : i64} {
  func.func @k(%arg0: i32, %arg1: i32, %arg2: memref<163840x80xf32, #tpu.memory_space<hbm>>, %arg3: memref<32x40x128xi32, #tpu.memory_space<hbm>>, %arg4: memref<10000x80xf32, #tpu.memory_space<hbm>>, %arg5: memref<2x10000x80xf32, #tpu.memory_space<hbm>>, %arg6: memref<40x128xi32, #tpu.memory_space<vmem>>, %arg7: memref<128x80xf32, #tpu.memory_space<vmem>>, %arg8: memref<10000x80xf32, #tpu.memory_space<vmem_shared>>) attributes {dimension_semantics = [#tpu.dimension_semantics<core_parallel>, #tpu.dimension_semantics<subcore_parallel>], iteration_bounds = array<i64: 2, 16>, scalar_prefetch = 0 : i64, scratch_operands = 3 : i64, tpu.core_type = #tpu.core_type<sc_vector_subcore>, window_params = [{transform_indices = #map}, {transform_indices = #map1}, {transform_indices = #map}, {transform_indices = #map1}]} {
    %mul3A = arith.constant 2 : i32
    %mul3A_0 = arith.muli %arg1, %mul3A : i32
    %add3A = arith.addi %mul3A_0, %arg0 : i32
    %mul3A_1 = arith.constant 5120 : i32
    %mul3A_2 = arith.muli %add3A, %mul3A_1 : i32
    "tpu.region"() ({
      %run_scoped3A = tpu.sem_alloc : memref<!tpu.dma_semaphore, #tpu.memory_space<semaphore_mem>>
      %dma_start3A = arith.constant 0 : i32
      %dma_start3A_17 = arith.constant 0 : i32
      %dma_start3A_18 = tpu.memref_slice %arg3[%add3A, %dma_start3A, %dma_start3A_17] : memref<32x40x128xi32, #tpu.memory_space<hbm>> -> memref<1x40x128xi32, #tpu.memory_space<hbm>>
      %dma_start3A_19 = tpu.memref_squeeze %dma_start3A_18 : memref<1x40x128xi32, #tpu.memory_space<hbm>> -> memref<40x128xi32, #tpu.memory_space<hbm>>
      %dma_start3A_20 = arith.constant 0 : i32
      %dma_start3A_21 = arith.constant 0 : i32
      %dma_start3A_22 = tpu.memref_slice %arg3[%add3A, %dma_start3A_20, %dma_start3A_21] : memref<32x40x128xi32, #tpu.memory_space<hbm>> -> memref<1x40x128xi32, #tpu.memory_space<hbm>>
      %dma_start3A_23 = tpu.memref_squeeze %dma_start3A_22 : memref<1x40x128xi32, #tpu.memory_space<hbm>> -> memref<40x128xi32, #tpu.memory_space<hbm>>
      tpu.enqueue_dma source(%dma_start3A_23 : memref<40x128xi32, #tpu.memory_space<hbm>>) target(%arg6 : memref<40x128xi32, #tpu.memory_space<vmem>>) target_semaphore(%run_scoped3A : memref<!tpu.dma_semaphore, #tpu.memory_space<semaphore_mem>>)
      %dma_wait3A = arith.constant 0 : i32
      %dma_wait3A_24 = arith.constant 0 : i32
      %dma_wait3A_25 = tpu.memref_slice %arg3[%add3A, %dma_wait3A, %dma_wait3A_24] : memref<32x40x128xi32, #tpu.memory_space<hbm>> -> memref<1x40x128xi32, #tpu.memory_space<hbm>>
      %dma_wait3A_26 = tpu.memref_squeeze %dma_wait3A_25 : memref<1x40x128xi32, #tpu.memory_space<hbm>> -> memref<40x128xi32, #tpu.memory_space<hbm>>
      %dma_wait3A_27 = arith.constant 0 : i32
      %dma_wait3A_28 = arith.constant 0 : i32
      %dma_wait3A_29 = tpu.memref_slice %arg3[%add3A, %dma_wait3A_27, %dma_wait3A_28] : memref<32x40x128xi32, #tpu.memory_space<hbm>> -> memref<1x40x128xi32, #tpu.memory_space<hbm>>
      %dma_wait3A_30 = tpu.memref_squeeze %dma_wait3A_29 : memref<1x40x128xi32, #tpu.memory_space<hbm>> -> memref<40x128xi32, #tpu.memory_space<hbm>>
      tpu.wait_dma2 semaphore(%run_scoped3A : memref<!tpu.dma_semaphore, #tpu.memory_space<semaphore_mem>>) src(%dma_wait3A_30 : memref<40x128xi32, #tpu.memory_space<hbm>>) dst(%arg6 : memref<40x128xi32, #tpu.memory_space<vmem>>)
      tpu.yield
    }) : () -> ()
    %mul3A_3 = arith.constant 625 : i32
    %mul3A_4 = arith.muli %arg1, %mul3A_3 : i32
    %mul3A_5 = arith.constant 625 : i32
    %mul3A_6 = arith.muli %arg1, %mul3A_5 : i32
    "tpu.region"() ({
      %run_scoped3A = tpu.sem_alloc : memref<!tpu.dma_semaphore, #tpu.memory_space<semaphore_mem>>
      %dma_start3A = arith.constant 0 : i32
      %dma_start3A_17 = tpu.memref_slice %arg8[%mul3A_6, %dma_start3A] : memref<10000x80xf32, #tpu.memory_space<vmem_shared>> -> memref<625x80xf32, #tpu.memory_space<vmem_shared>>
      %dma_start3A_18 = arith.constant 0 : i32
      %dma_start3A_19 = tpu.memref_slice %arg4[%mul3A_4, %dma_start3A_18] : memref<10000x80xf32, #tpu.memory_space<hbm>> -> memref<625x80xf32, #tpu.memory_space<hbm>>
      tpu.enqueue_dma source(%dma_start3A_19 : memref<625x80xf32, #tpu.memory_space<hbm>>) target(%dma_start3A_17 : memref<625x80xf32, #tpu.memory_space<vmem_shared>>) target_semaphore(%run_scoped3A : memref<!tpu.dma_semaphore, #tpu.memory_space<semaphore_mem>>)
      %dma_wait3A = arith.constant 0 : i32
      %dma_wait3A_20 = tpu.memref_slice %arg8[%mul3A_6, %dma_wait3A] : memref<10000x80xf32, #tpu.memory_space<vmem_shared>> -> memref<625x80xf32, #tpu.memory_space<vmem_shared>>
      %dma_wait3A_21 = arith.constant 0 : i32
      %dma_wait3A_22 = tpu.memref_slice %arg4[%mul3A_4, %dma_wait3A_21] : memref<10000x80xf32, #tpu.memory_space<hbm>> -> memref<625x80xf32, #tpu.memory_space<hbm>>
      tpu.wait_dma2 semaphore(%run_scoped3A : memref<!tpu.dma_semaphore, #tpu.memory_space<semaphore_mem>>) src(%dma_wait3A_22 : memref<625x80xf32, #tpu.memory_space<hbm>>) dst(%dma_wait3A_20 : memref<625x80xf32, #tpu.memory_space<vmem_shared>>)
      tpu.yield
    }) : () -> ()
    %barrier3A = arith.constant 0 : index
    tpu.barrier barrier_id(%barrier3A)
    %scan3A = arith.constant 0 : i32
    %scan3A_7 = arith.constant 0 : i32
    %scan3A_8 = arith.constant 40 : i32
    %scan3A_9 = arith.addi %scan3A_7, %scan3A_8 : i32
    %scan3A_10 = arith.constant 1 : i32
    scf.for %scan3A_17 = %scan3A_7 to %scan3A_9 step %scan3A_10  : i32 {
      %mul3A_18 = arith.constant 128 : i32
      %mul3A_19 = arith.muli %scan3A_17, %mul3A_18 : i32
      %add3A_20 = arith.addi %mul3A_2, %mul3A_19 : i32
      "tpu.region"() ({
        %run_scoped3A = tpu.sem_alloc : memref<!tpu.dma_semaphore, #tpu.memory_space<semaphore_mem>>
        %dma_start3A = arith.constant 0 : i32
        %dma_start3A_21 = tpu.memref_slice %arg2[%add3A_20, %dma_start3A] : memref<163840x80xf32, #tpu.memory_space<hbm>> -> memref<128x80xf32, #tpu.memory_space<hbm>>
        %dma_start3A_22 = arith.constant 0 : i32
        %dma_start3A_23 = tpu.memref_slice %arg2[%add3A_20, %dma_start3A_22] : memref<163840x80xf32, #tpu.memory_space<hbm>> -> memref<128x80xf32, #tpu.memory_space<hbm>>
        tpu.enqueue_dma source(%dma_start3A_23 : memref<128x80xf32, #tpu.memory_space<hbm>>) target(%arg7 : memref<128x80xf32, #tpu.memory_space<vmem>>) target_semaphore(%run_scoped3A : memref<!tpu.dma_semaphore, #tpu.memory_space<semaphore_mem>>)
        %dma_wait3A = arith.constant 0 : i32
        %dma_wait3A_24 = tpu.memref_slice %arg2[%add3A_20, %dma_wait3A] : memref<163840x80xf32, #tpu.memory_space<hbm>> -> memref<128x80xf32, #tpu.memory_space<hbm>>
        %dma_wait3A_25 = arith.constant 0 : i32
        %dma_wait3A_26 = tpu.memref_slice %arg2[%add3A_20, %dma_wait3A_25] : memref<163840x80xf32, #tpu.memory_space<hbm>> -> memref<128x80xf32, #tpu.memory_space<hbm>>
        tpu.wait_dma2 semaphore(%run_scoped3A : memref<!tpu.dma_semaphore, #tpu.memory_space<semaphore_mem>>) src(%dma_wait3A_26 : memref<128x80xf32, #tpu.memory_space<hbm>>) dst(%arg7 : memref<128x80xf32, #tpu.memory_space<vmem>>)
        tpu.yield
      }) : () -> ()
      "tpu.region"() ({
        %run_scoped3A = tpu.sem_alloc : memref<!tpu.dma_semaphore, #tpu.memory_space<semaphore_mem>>
        %dma_start3A = arith.constant 0 : i32
        %dma_start3A_21 = tpu.memref_slice %arg6[%scan3A_17, %dma_start3A] : memref<40x128xi32, #tpu.memory_space<vmem>> -> memref<1x128xi32, #tpu.memory_space<vmem>>
        %dma_start3A_22 = tpu.memref_squeeze %dma_start3A_21 : memref<1x128xi32, #tpu.memory_space<vmem>> -> memref<128xi32, #tpu.memory_space<vmem>>
        %dma_start3A_23 = arith.constant 0 : i32
        %dma_start3A_24 = arith.constant 0 : i32
        %dma_start3A_25 = tpu.memref_slice %arg8[%dma_start3A_23, %dma_start3A_24] : memref<10000x80xf32, #tpu.memory_space<vmem_shared>> -> memref<10000x80xf32, #tpu.memory_space<vmem_shared>>
        tpu.enqueue_indirect_dma source(%arg7 : memref<128x80xf32, #tpu.memory_space<vmem>>) target(%dma_start3A_25 : memref<10000x80xf32, #tpu.memory_space<vmem_shared>>) offsets(%dma_start3A_22 : memref<128xi32, #tpu.memory_space<vmem>>) semaphore(%run_scoped3A : memref<!tpu.dma_semaphore, #tpu.memory_space<semaphore_mem>>) {add = true}
        %dma_wait3A = arith.constant 0 : i32
        %dma_wait3A_26 = tpu.memref_slice %arg6[%scan3A_17, %dma_wait3A] : memref<40x128xi32, #tpu.memory_space<vmem>> -> memref<1x128xi32, #tpu.memory_space<vmem>>
        %dma_wait3A_27 = tpu.memref_squeeze %dma_wait3A_26 : memref<1x128xi32, #tpu.memory_space<vmem>> -> memref<128xi32, #tpu.memory_space<vmem>>
        %dma_wait3A_28 = arith.constant 0 : i32
        %dma_wait3A_29 = arith.constant 0 : i32
        %dma_wait3A_30 = tpu.memref_slice %arg8[%dma_wait3A_28, %dma_wait3A_29] : memref<10000x80xf32, #tpu.memory_space<vmem_shared>> -> memref<10000x80xf32, #tpu.memory_space<vmem_shared>>
        tpu.wait_indirect_dma semaphore(%run_scoped3A : memref<!tpu.dma_semaphore, #tpu.memory_space<semaphore_mem>>) src(%arg7 : memref<128x80xf32, #tpu.memory_space<vmem>>) dst(%dma_wait3A_30 : memref<10000x80xf32, #tpu.memory_space<vmem_shared>>)
        tpu.yield
      }) : () -> ()
    }
    %scan3A_11 = arith.constant 40 : i32
    %barrier3A_12 = arith.constant 0 : index
    tpu.barrier barrier_id(%barrier3A_12)
    %mul3A_13 = arith.constant 625 : i32
    %mul3A_14 = arith.muli %arg1, %mul3A_13 : i32
    %mul3A_15 = arith.constant 625 : i32
    %mul3A_16 = arith.muli %arg1, %mul3A_15 : i32
    "tpu.region"() ({
      %run_scoped3A = tpu.sem_alloc : memref<!tpu.dma_semaphore, #tpu.memory_space<semaphore_mem>>
      %dma_start3A = arith.constant 0 : i32
      %dma_start3A_17 = tpu.memref_slice %arg5[%arg0, %mul3A_16, %dma_start3A] : memref<2x10000x80xf32, #tpu.memory_space<hbm>> -> memref<1x625x80xf32, #tpu.memory_space<hbm>>
      %dma_start3A_18 = tpu.memref_squeeze %dma_start3A_17 : memref<1x625x80xf32, #tpu.memory_space<hbm>> -> memref<625x80xf32, #tpu.memory_space<hbm>>
      %dma_start3A_19 = arith.constant 0 : i32
      %dma_start3A_20 = tpu.memref_slice %arg8[%mul3A_14, %dma_start3A_19] : memref<10000x80xf32, #tpu.memory_space<vmem_shared>> -> memref<625x80xf32, #tpu.memory_space<vmem_shared>>
      tpu.enqueue_dma source(%dma_start3A_20 : memref<625x80xf32, #tpu.memory_space<vmem_shared>>) target(%dma_start3A_18 : memref<625x80xf32, #tpu.memory_space<hbm>>) target_semaphore(%run_scoped3A : memref<!tpu.dma_semaphore, #tpu.memory_space<semaphore_mem>>)
      %dma_wait3A = arith.constant 0 : i32
      %dma_wait3A_21 = tpu.memref_slice %arg5[%arg0, %mul3A_16, %dma_wait3A] : memref<2x10000x80xf32, #tpu.memory_space<hbm>> -> memref<1x625x80xf32, #tpu.memory_space<hbm>>
      %dma_wait3A_22 = tpu.memref_squeeze %dma_wait3A_21 : memref<1x625x80xf32, #tpu.memory_space<hbm>> -> memref<625x80xf32, #tpu.memory_space<hbm>>
      %dma_wait3A_23 = arith.constant 0 : i32
      %dma_wait3A_24 = tpu.memref_slice %arg8[%mul3A_14, %dma_wait3A_23] : memref<10000x80xf32, #tpu.memory_space<vmem_shared>> -> memref<625x80xf32, #tpu.memory_space<vmem_shared>>
      tpu.wait_dma2 semaphore(%run_scoped3A : memref<!tpu.dma_semaphore, #tpu.memory_space<semaphore_mem>>) src(%dma_wait3A_24 : memref<625x80xf32, #tpu.memory_space<vmem_shared>>) dst(%dma_wait3A_22 : memref<625x80xf32, #tpu.memory_space<hbm>>)
      tpu.yield
    }) : () -> ()
    return
  }
}

module attributes {stable_mosaic.version = 14 : i64} {
  func.func @_edge_body(%arg0: i32, %arg1: memref<256x16xf32, #tpu.memory_space<vmem>>, %arg2: memref<256x32xf32, #tpu.memory_space<vmem>>, %arg3: memref<16x256xf32, #tpu.memory_space<vmem>>, %arg4: memref<1x256xf32, #tpu.memory_space<vmem>>, %arg5: memref<256x768xf32, #tpu.memory_space<vmem>>, %arg6: memref<1x768xf32, #tpu.memory_space<vmem>>, %arg7: memref<256x80xf32, #tpu.memory_space<vmem>>) attributes {dimension_semantics = [#tpu.dimension_semantics<arbitrary>], iteration_bounds = array<i64: 640>, scalar_prefetch = 0 : i64, scratch_operands = 0 : i64, tpu.core_type = #tpu.core_type<tc>, window_params = [{transform_indices = @transform_0, window_bounds = array<i64: 256, 16>}, {transform_indices = @transform_1, window_bounds = array<i64: 256, 32>}, {pipeline_mode = #tpu.pipeline_mode<synchronous>, transform_indices = @transform_2, window_bounds = array<i64: 16, 256>}, {pipeline_mode = #tpu.pipeline_mode<synchronous>, transform_indices = @transform_3, window_bounds = array<i64: 1, 256>}, {pipeline_mode = #tpu.pipeline_mode<synchronous>, transform_indices = @transform_4, window_bounds = array<i64: 256, 768>}, {pipeline_mode = #tpu.pipeline_mode<synchronous>, transform_indices = @transform_5, window_bounds = array<i64: 1, 768>}, {transform_indices = @transform_6, window_bounds = array<i64: 256, 80>}]} {
    %iota3A = tpu.iota {dimensions = array<i32: 1>} : vector<16x256xi32>
    %iota3A_0 = tpu.iota {dimensions = array<i32: 0>} : vector<16x256xi32>
    %jit3A = arith.constant 16 : i32
    %div3A = vector.broadcast %jit3A : i32 to vector<16x256xi32>
    %div3A_1 = arith.divsi %iota3A, %div3A : vector<16x256xi32>
    %sign3A = arith.constant 0 : i32
    %sign3A_2 = vector.broadcast %sign3A : i32 to vector<16x256xi32>
    %sign3A_3 = arith.cmpi sgt, %iota3A, %sign3A_2 : vector<16x256xi32>
    %sign3A_4 = arith.extui %sign3A_3 : vector<16x256xi1> to vector<16x256xi32>
    %sign3A_5 = arith.constant 0 : i32
    %sign3A_6 = vector.broadcast %sign3A_5 : i32 to vector<16x256xi32>
    %sign3A_7 = arith.cmpi slt, %iota3A, %sign3A_6 : vector<16x256xi32>
    %sign3A_8 = arith.extui %sign3A_7 : vector<16x256xi1> to vector<16x256xi32>
    %sign3A_9 = arith.subi %sign3A_4, %sign3A_8 : vector<16x256xi32>
    %sign3A_10 = arith.constant 0 : i32
    %sign3A_11 = arith.cmpi sgt, %jit3A, %sign3A_10 : i32
    %sign3A_12 = arith.extui %sign3A_11 : i1 to i32
    %sign3A_13 = arith.constant 0 : i32
    %sign3A_14 = arith.cmpi slt, %jit3A, %sign3A_13 : i32
    %sign3A_15 = arith.extui %sign3A_14 : i1 to i32
    %sign3A_16 = arith.subi %sign3A_12, %sign3A_15 : i32
    %ne3A = vector.broadcast %sign3A_16 : i32 to vector<16x256xi32>
    %ne3A_17 = arith.cmpi ne, %sign3A_9, %ne3A : vector<16x256xi32>
    %rem3A = vector.broadcast %jit3A : i32 to vector<16x256xi32>
    %rem3A_18 = arith.remsi %iota3A, %rem3A : vector<16x256xi32>
    %ne3A_19 = arith.constant 0 : i32
    %ne3A_20 = vector.broadcast %ne3A_19 : i32 to vector<16x256xi32>
    %ne3A_21 = arith.cmpi ne, %rem3A_18, %ne3A_20 : vector<16x256xi32>
    %and3A = arith.andi %ne3A_17, %ne3A_21 : vector<16x256xi1>
    %sub3A = arith.constant 1 : i32
    %sub3A_22 = vector.broadcast %sub3A : i32 to vector<16x256xi32>
    %sub3A_23 = arith.subi %div3A_1, %sub3A_22 : vector<16x256xi32>
    %select_n3A = arith.select %and3A, %sub3A_23, %div3A_1 : vector<16x256xi1>, vector<16x256xi32>
    %eq3A = arith.cmpi eq, %select_n3A, %iota3A_0 : vector<16x256xi32>
    %convert_element_type3A = arith.extui %eq3A : vector<16x256xi1> to vector<16x256xi32>
    %convert_element_type3A_24 = arith.sitofp %convert_element_type3A : vector<16x256xi32> to vector<16x256xf32>
    %iota3A_25 = tpu.iota {dimensions = array<i32: 0>} : vector<256x16xi32>
    %iota3A_26 = tpu.iota {dimensions = array<i32: 1>} : vector<256x16xi32>
    %jit3A_27 = arith.constant 16 : i32
    %eq3A_28 = arith.constant 0 : i32
    %eq3A_29 = arith.cmpi eq, %jit3A_27, %eq3A_28 : i32
    %jit3A_30 = arith.constant 1 : i32
    %select_n3A_31 = arith.select %eq3A_29, %jit3A_30, %jit3A_27 : i32
    %rem3A_32 = vector.broadcast %select_n3A_31 : i32 to vector<256x16xi32>
    %rem3A_33 = arith.remsi %iota3A_25, %rem3A_32 : vector<256x16xi32>
    %ne3A_34 = arith.constant 0 : i32
    %ne3A_35 = vector.broadcast %ne3A_34 : i32 to vector<256x16xi32>
    %ne3A_36 = arith.cmpi ne, %rem3A_33, %ne3A_35 : vector<256x16xi32>
    %lt3A = arith.constant 0 : i32
    %lt3A_37 = vector.broadcast %lt3A : i32 to vector<256x16xi32>
    %lt3A_38 = arith.cmpi slt, %rem3A_33, %lt3A_37 : vector<256x16xi32>
    %lt3A_39 = arith.constant 0 : i32
    %lt3A_40 = arith.cmpi slt, %select_n3A_31, %lt3A_39 : i32
    %ne3A_41 = vector.broadcast %lt3A_40 : i1 to vector<256x16xi1>
    %ne3A_42 = vector.broadcast %ne3A_41 : vector<256x16xi1> to vector<256x16xi1>
    %ne3A_43 = arith.xori %lt3A_38, %ne3A_42 : vector<256x16xi1>
    %and3A_44 = arith.andi %ne3A_43, %ne3A_36 : vector<256x16xi1>
    %add3A = vector.broadcast %select_n3A_31 : i32 to vector<256x16xi32>
    %add3A_45 = arith.addi %rem3A_33, %add3A : vector<256x16xi32>
    %select_n3A_46 = arith.select %and3A_44, %add3A_45, %rem3A_33 : vector<256x16xi1>, vector<256x16xi32>
    %eq3A_47 = arith.cmpi eq, %select_n3A_46, %iota3A_26 : vector<256x16xi32>
    %convert_element_type3A_48 = arith.extui %eq3A_47 : vector<256x16xi1> to vector<256x16xi32>
    %convert_element_type3A_49 = arith.sitofp %convert_element_type3A_48 : vector<256x16xi32> to vector<256x16xf32>
    %iota3A_50 = tpu.iota {dimensions = array<i32: 1>} : vector<16x48xi32>
    %iota3A_51 = tpu.iota {dimensions = array<i32: 0>} : vector<16x48xi32>
    %jit3A_52 = arith.constant 3 : i32
    %div3A_53 = vector.broadcast %jit3A_52 : i32 to vector<16x48xi32>
    %div3A_54 = arith.divsi %iota3A_50, %div3A_53 : vector<16x48xi32>
    %sign3A_55 = arith.constant 0 : i32
    %sign3A_56 = vector.broadcast %sign3A_55 : i32 to vector<16x48xi32>
    %sign3A_57 = arith.cmpi sgt, %iota3A_50, %sign3A_56 : vector<16x48xi32>
    %sign3A_58 = arith.extui %sign3A_57 : vector<16x48xi1> to vector<16x48xi32>
    %sign3A_59 = arith.constant 0 : i32
    %sign3A_60 = vector.broadcast %sign3A_59 : i32 to vector<16x48xi32>
    %sign3A_61 = arith.cmpi slt, %iota3A_50, %sign3A_60 : vector<16x48xi32>
    %sign3A_62 = arith.extui %sign3A_61 : vector<16x48xi1> to vector<16x48xi32>
    %sign3A_63 = arith.subi %sign3A_58, %sign3A_62 : vector<16x48xi32>
    %sign3A_64 = arith.constant 0 : i32
    %sign3A_65 = arith.cmpi sgt, %jit3A_52, %sign3A_64 : i32
    %sign3A_66 = arith.extui %sign3A_65 : i1 to i32
    %sign3A_67 = arith.constant 0 : i32
    %sign3A_68 = arith.cmpi slt, %jit3A_52, %sign3A_67 : i32
    %sign3A_69 = arith.extui %sign3A_68 : i1 to i32
    %sign3A_70 = arith.subi %sign3A_66, %sign3A_69 : i32
    %ne3A_71 = vector.broadcast %sign3A_70 : i32 to vector<16x48xi32>
    %ne3A_72 = arith.cmpi ne, %sign3A_63, %ne3A_71 : vector<16x48xi32>
    %rem3A_73 = vector.broadcast %jit3A_52 : i32 to vector<16x48xi32>
    %rem3A_74 = arith.remsi %iota3A_50, %rem3A_73 : vector<16x48xi32>
    %ne3A_75 = arith.constant 0 : i32
    %ne3A_76 = vector.broadcast %ne3A_75 : i32 to vector<16x48xi32>
    %ne3A_77 = arith.cmpi ne, %rem3A_74, %ne3A_76 : vector<16x48xi32>
    %and3A_78 = arith.andi %ne3A_72, %ne3A_77 : vector<16x48xi1>
    %sub3A_79 = arith.constant 1 : i32
    %sub3A_80 = vector.broadcast %sub3A_79 : i32 to vector<16x48xi32>
    %sub3A_81 = arith.subi %div3A_54, %sub3A_80 : vector<16x48xi32>
    %select_n3A_82 = arith.select %and3A_78, %sub3A_81, %div3A_54 : vector<16x48xi1>, vector<16x48xi32>
    %eq3A_83 = arith.cmpi eq, %select_n3A_82, %iota3A_51 : vector<16x48xi32>
    %convert_element_type3A_84 = arith.extui %eq3A_83 : vector<16x48xi1> to vector<16x48xi32>
    %convert_element_type3A_85 = arith.sitofp %convert_element_type3A_84 : vector<16x48xi32> to vector<16x48xf32>
    %jit3A_86 = arith.constant 3 : i32
    %eq3A_87 = arith.constant 0 : i32
    %eq3A_88 = arith.cmpi eq, %jit3A_86, %eq3A_87 : i32
    %jit3A_89 = arith.constant 1 : i32
    %select_n3A_90 = arith.select %eq3A_88, %jit3A_89, %jit3A_86 : i32
    %rem3A_91 = vector.broadcast %select_n3A_90 : i32 to vector<16x48xi32>
    %rem3A_92 = arith.remsi %iota3A_50, %rem3A_91 : vector<16x48xi32>
    %ne3A_93 = arith.constant 0 : i32
    %ne3A_94 = vector.broadcast %ne3A_93 : i32 to vector<16x48xi32>
    %ne3A_95 = arith.cmpi ne, %rem3A_92, %ne3A_94 : vector<16x48xi32>
    %lt3A_96 = arith.constant 0 : i32
    %lt3A_97 = vector.broadcast %lt3A_96 : i32 to vector<16x48xi32>
    %lt3A_98 = arith.cmpi slt, %rem3A_92, %lt3A_97 : vector<16x48xi32>
    %lt3A_99 = arith.constant 0 : i32
    %lt3A_100 = arith.cmpi slt, %select_n3A_90, %lt3A_99 : i32
    %ne3A_101 = vector.broadcast %lt3A_100 : i1 to vector<16x48xi1>
    %ne3A_102 = vector.broadcast %ne3A_101 : vector<16x48xi1> to vector<16x48xi1>
    %ne3A_103 = arith.xori %lt3A_98, %ne3A_102 : vector<16x48xi1>
    %and3A_104 = arith.andi %ne3A_103, %ne3A_95 : vector<16x48xi1>
    %add3A_105 = vector.broadcast %select_n3A_90 : i32 to vector<16x48xi32>
    %add3A_106 = arith.addi %rem3A_92, %add3A_105 : vector<16x48xi32>
    %select_n3A_107 = arith.select %and3A_104, %add3A_106, %rem3A_92 : vector<16x48xi1>, vector<16x48xi32>
    %add3A_108 = arith.constant 1 : i32
    %add3A_109 = vector.broadcast %add3A_108 : i32 to vector<16x48xi32>
    %add3A_110 = arith.addi %select_n3A_107, %add3A_109 : vector<16x48xi32>
    %jit3A_111 = arith.constant 3 : i32
    %eq3A_112 = arith.constant 0 : i32
    %eq3A_113 = arith.cmpi eq, %jit3A_111, %eq3A_112 : i32
    %jit3A_114 = arith.constant 1 : i32
    %select_n3A_115 = arith.select %eq3A_113, %jit3A_114, %jit3A_111 : i32
    %rem3A_116 = vector.broadcast %select_n3A_115 : i32 to vector<16x48xi32>
    %rem3A_117 = arith.remsi %add3A_110, %rem3A_116 : vector<16x48xi32>
    %ne3A_118 = arith.constant 0 : i32
    %ne3A_119 = vector.broadcast %ne3A_118 : i32 to vector<16x48xi32>
    %ne3A_120 = arith.cmpi ne, %rem3A_117, %ne3A_119 : vector<16x48xi32>
    %lt3A_121 = arith.constant 0 : i32
    %lt3A_122 = vector.broadcast %lt3A_121 : i32 to vector<16x48xi32>
    %lt3A_123 = arith.cmpi slt, %rem3A_117, %lt3A_122 : vector<16x48xi32>
    %lt3A_124 = arith.constant 0 : i32
    %lt3A_125 = arith.cmpi slt, %select_n3A_115, %lt3A_124 : i32
    %ne3A_126 = vector.broadcast %lt3A_125 : i1 to vector<16x48xi1>
    %ne3A_127 = vector.broadcast %ne3A_126 : vector<16x48xi1> to vector<16x48xi1>
    %ne3A_128 = arith.xori %lt3A_123, %ne3A_127 : vector<16x48xi1>
    %and3A_129 = arith.andi %ne3A_128, %ne3A_120 : vector<16x48xi1>
    %add3A_130 = vector.broadcast %select_n3A_115 : i32 to vector<16x48xi32>
    %add3A_131 = arith.addi %rem3A_117, %add3A_130 : vector<16x48xi32>
    %select_n3A_132 = arith.select %and3A_129, %add3A_131, %rem3A_117 : vector<16x48xi1>, vector<16x48xi32>
    %eq3A_133 = arith.cmpi eq, %select_n3A_132, %iota3A_51 : vector<16x48xi32>
    %convert_element_type3A_134 = arith.extui %eq3A_133 : vector<16x48xi1> to vector<16x48xi32>
    %convert_element_type3A_135 = arith.sitofp %convert_element_type3A_134 : vector<16x48xi32> to vector<16x48xf32>
    %get3A = arith.constant 0 : index
    %get3A_136 = arith.constant 0 : index
    %get3A_137 = vector.load %arg1[%get3A, %get3A_136] : memref<256x16xf32, #tpu.memory_space<vmem>>, vector<256x16xf32>
    %get3A_138 = arith.constant 0 : index
    %get3A_139 = arith.constant 0 : index
    %get3A_140 = vector.load %arg2[%get3A_138, %get3A_139] : memref<256x32xf32, #tpu.memory_space<vmem>>, vector<256x32xf32>
    %slice3A = vector.extract_strided_slice %get3A_140 {offsets = [0, 0], sizes = [256, 16], strides = [1, 1]} : vector<256x32xf32> to vector<256x16xf32>
    %slice3A_141 = vector.extract_strided_slice %get3A_140 {offsets = [0, 16], sizes = [256, 16], strides = [1, 1]} : vector<256x32xf32> to vector<256x16xf32>
    %sub3A_142 = arith.subf %get3A_137, %slice3A : vector<256x16xf32>
    %mul3A = arith.mulf %sub3A_142, %sub3A_142 : vector<256x16xf32>
    %reduce_sum3A = arith.constant dense<0.000000e+00> : vector<256xf32>
    %reduce_sum3A_143 = vector.multi_reduction <add>, %mul3A, %reduce_sum3A [1] : vector<256x16xf32> to vector<256xf32>
    %broadcast_in_dim3A = vector.shape_cast %reduce_sum3A_143 : vector<256xf32> to vector<256x1xf32>
    %sqrt3A = math.sqrt %broadcast_in_dim3A : vector<256x1xf32>
    %max3A = arith.constant 9.99999968E-21 : f32
    %max3A_144 = vector.broadcast %max3A : f32 to vector<256x1xf32>
    %max3A_145 = arith.maximumf %sqrt3A, %max3A_144 : vector<256x1xf32>
    %div3A_146 = vector.broadcast %max3A_145 : vector<256x1xf32> to vector<256x16xf32>
    %div3A_147 = arith.divf %sub3A_142, %div3A_146 : vector<256x16xf32>
    %mul3A_148 = arith.constant 1.000000e-01 : f32
    %mul3A_149 = vector.broadcast %mul3A_148 : f32 to vector<256x1xf32>
    %mul3A_150 = arith.mulf %max3A_145, %mul3A_149 : vector<256x1xf32>
    %iota3A_151 = tpu.iota {dimensions = array<i32: 1>} : vector<1x16xi32>
    %lt3A_152 = arith.constant 8 : i32
    %lt3A_153 = vector.broadcast %lt3A_152 : i32 to vector<1x16xi32>
    %lt3A_154 = arith.cmpi slt, %iota3A_151, %lt3A_153 : vector<1x16xi32>
    %add3A_155 = arith.constant 1 : i32
    %add3A_156 = vector.broadcast %add3A_155 : i32 to vector<1x16xi32>
    %add3A_157 = arith.addi %iota3A_151, %add3A_156 : vector<1x16xi32>
    %convert_element_type3A_158 = arith.sitofp %add3A_157 : vector<1x16xi32> to vector<1x16xf32>
    %mul3A_159 = arith.constant 3.14159274 : f32
    %mul3A_160 = vector.broadcast %mul3A_159 : f32 to vector<1x16xf32>
    %mul3A_161 = arith.mulf %convert_element_type3A_158, %mul3A_160 : vector<1x16xf32>
    %jit3A_162 = arith.constant 0.000000e+00 : f32
    %broadcast_in_dim3A_163 = vector.broadcast %jit3A_162 : f32 to vector<1x16xf32>
    %select_n3A_164 = arith.select %lt3A_154, %mul3A_161, %broadcast_in_dim3A_163 : vector<1x16xi1>, vector<1x16xf32>
    %mul3A_165 = arith.mulf %mul3A_150, %mul3A_150 : vector<256x1xf32>
    %mul3A_166 = arith.mulf %mul3A_165, %mul3A_165 : vector<256x1xf32>
    %mul3A_167 = arith.mulf %mul3A_166, %mul3A_150 : vector<256x1xf32>
    %mul3A_168 = arith.constant 2.100000e+01 : f32
    %mul3A_169 = vector.broadcast %mul3A_168 : f32 to vector<256x1xf32>
    %mul3A_170 = arith.mulf %mul3A_169, %mul3A_167 : vector<256x1xf32>
    %sub3A_171 = arith.constant 1.000000e+00 : f32
    %sub3A_172 = vector.broadcast %sub3A_171 : f32 to vector<256x1xf32>
    %sub3A_173 = arith.subf %sub3A_172, %mul3A_170 : vector<256x1xf32>
    %mul3A_174 = arith.constant 3.500000e+01 : f32
    %mul3A_175 = vector.broadcast %mul3A_174 : f32 to vector<256x1xf32>
    %mul3A_176 = arith.mulf %mul3A_175, %mul3A_167 : vector<256x1xf32>
    %mul3A_177 = arith.mulf %mul3A_176, %mul3A_150 : vector<256x1xf32>
    %add3A_178 = arith.addf %sub3A_173, %mul3A_177 : vector<256x1xf32>
    %mul3A_179 = arith.constant 1.500000e+01 : f32
    %mul3A_180 = vector.broadcast %mul3A_179 : f32 to vector<256x1xf32>
    %mul3A_181 = arith.mulf %mul3A_180, %mul3A_167 : vector<256x1xf32>
    %mul3A_182 = arith.mulf %mul3A_181, %mul3A_165 : vector<256x1xf32>
    %sub3A_183 = arith.subf %add3A_178, %mul3A_182 : vector<256x1xf32>
    %lt3A_184 = arith.constant 1.000000e+00 : f32
    %lt3A_185 = vector.broadcast %lt3A_184 : f32 to vector<256x1xf32>
    %lt3A_186 = arith.cmpf olt, %mul3A_150, %lt3A_185 : vector<256x1xf32>
    %jit3A_187 = arith.constant 0.000000e+00 : f32
    %broadcast_in_dim3A_188 = vector.broadcast %jit3A_187 : f32 to vector<256x1xf32>
    %select_n3A_189 = arith.select %lt3A_186, %sub3A_183, %broadcast_in_dim3A_188 : vector<256x1xi1>, vector<256x1xf32>
    %mul3A_190 = arith.constant 0.44721359 : f32
    %mul3A_191 = vector.broadcast %mul3A_190 : f32 to vector<256x1xf32>
    %mul3A_192 = arith.mulf %mul3A_191, %select_n3A_189 : vector<256x1xf32>
    %div3A_193 = arith.divf %mul3A_192, %max3A_145 : vector<256x1xf32>
    %mul3A_194 = vector.broadcast %select_n3A_164 : vector<1x16xf32> to vector<256x16xf32>
    %mul3A_195 = vector.broadcast %mul3A_150 : vector<256x1xf32> to vector<256x16xf32>
    %mul3A_196 = arith.mulf %mul3A_194, %mul3A_195 : vector<256x16xf32>
    %sin3A = math.sin %mul3A_196 : vector<256x16xf32>
    %mul3A_197 = vector.broadcast %div3A_193 : vector<256x1xf32> to vector<256x16xf32>
    %mul3A_198 = arith.mulf %mul3A_197, %sin3A : vector<256x16xf32>
    %get3A_199 = arith.constant 0 : index
    %get3A_200 = arith.constant 0 : index
    %get3A_201 = vector.load %arg3[%get3A_199, %get3A_200] : memref<16x256xf32, #tpu.memory_space<vmem>>, vector<16x256xf32>
    %dot_general3A = arith.constant dense<0.000000e+00> : vector<256x256xf32>
    %dot_general3A_202 = tpu.matmul %mul3A_198, %get3A_201, %dot_general3A {dimension_numbers = #tpu.dot_dimension_numbers<[1], [0], [0], [1], [0, 0, 1, 1], [], []>, transpose_lhs_hint = false} : vector<256x16xf32>, vector<16x256xf32>, vector<256x256xf32> -> vector<256x256xf32>
    %get3A_203 = arith.constant 0 : index
    %get3A_204 = arith.constant 0 : index
    %get3A_205 = vector.load %arg4[%get3A_203, %get3A_204] : memref<1x256xf32, #tpu.memory_space<vmem>>, vector<1x256xf32>
    %add3A_206 = vector.broadcast %get3A_205 : vector<1x256xf32> to vector<256x256xf32>
    %add3A_207 = arith.addf %dot_general3A_202, %add3A_206 : vector<256x256xf32>
    %max3A_208 = arith.constant 0.000000e+00 : f32
    %max3A_209 = vector.broadcast %max3A_208 : f32 to vector<256x256xf32>
    %max3A_210 = arith.maximumf %add3A_207, %max3A_209 : vector<256x256xf32>
    %get3A_211 = arith.constant 0 : index
    %get3A_212 = arith.constant 0 : index
    %get3A_213 = vector.load %arg5[%get3A_211, %get3A_212] : memref<256x768xf32, #tpu.memory_space<vmem>>, vector<256x768xf32>
    %dot_general3A_214 = arith.constant dense<0.000000e+00> : vector<256x768xf32>
    %dot_general3A_215 = tpu.matmul %max3A_210, %get3A_213, %dot_general3A_214 {dimension_numbers = #tpu.dot_dimension_numbers<[1], [0], [0], [1], [0, 0, 1, 1], [], []>, transpose_lhs_hint = false} : vector<256x256xf32>, vector<256x768xf32>, vector<256x768xf32> -> vector<256x768xf32>
    %get3A_216 = arith.constant 0 : index
    %get3A_217 = arith.constant 0 : index
    %get3A_218 = vector.load %arg6[%get3A_216, %get3A_217] : memref<1x768xf32, #tpu.memory_space<vmem>>, vector<1x768xf32>
    %add3A_219 = vector.broadcast %get3A_218 : vector<1x768xf32> to vector<256x768xf32>
    %add3A_220 = arith.addf %dot_general3A_215, %add3A_219 : vector<256x768xf32>
    %dot_general3A_221 = arith.constant dense<0.000000e+00> : vector<256x48xf32>
    %dot_general3A_222 = tpu.matmul %div3A_147, %convert_element_type3A_135, %dot_general3A_221 {dimension_numbers = #tpu.dot_dimension_numbers<[1], [0], [0], [1], [0, 0, 1, 1], [], []>, transpose_lhs_hint = false} : vector<256x16xf32>, vector<16x48xf32>, vector<256x48xf32> -> vector<256x48xf32>
    %mul3A_223 = arith.constant 1.73205078 : f32
    %mul3A_224 = vector.broadcast %mul3A_223 : f32 to vector<256x48xf32>
    %mul3A_225 = arith.mulf %mul3A_224, %dot_general3A_222 : vector<256x48xf32>
    %slice3A_226 = vector.extract_strided_slice %add3A_220 {offsets = [0, 0], sizes = [256, 256], strides = [1, 1]} : vector<256x768xf32> to vector<256x256xf32>
    %dot_general3A_227 = arith.constant dense<0.000000e+00> : vector<256x256xf32>
    %dot_general3A_228 = tpu.matmul %slice3A_141, %convert_element_type3A_24, %dot_general3A_227 {dimension_numbers = #tpu.dot_dimension_numbers<[1], [0], [0], [1], [0, 0, 1, 1], [], []>, transpose_lhs_hint = false} : vector<256x16xf32>, vector<16x256xf32>, vector<256x256xf32> -> vector<256x256xf32>
    %mul3A_229 = arith.mulf %dot_general3A_228, %slice3A_226 : vector<256x256xf32>
    %dot_general3A_230 = arith.constant dense<0.000000e+00> : vector<256x16xf32>
    %dot_general3A_231 = tpu.matmul %mul3A_229, %convert_element_type3A_49, %dot_general3A_230 {dimension_numbers = #tpu.dot_dimension_numbers<[1], [0], [0], [1], [0, 0, 1, 1], [], []>, transpose_lhs_hint = false} : vector<256x256xf32>, vector<256x16xf32>, vector<256x16xf32> -> vector<256x16xf32>
    %mul3A_232 = arith.constant 2.500000e-01 : f32
    %mul3A_233 = vector.broadcast %mul3A_232 : f32 to vector<256x16xf32>
    %mul3A_234 = arith.mulf %mul3A_233, %dot_general3A_231 : vector<256x16xf32>
    %slice3A_235 = vector.extract_strided_slice %add3A_220 {offsets = [0, 256], sizes = [256, 256], strides = [1, 1]} : vector<256x768xf32> to vector<256x256xf32>
    %dot_general3A_236 = arith.constant dense<0.000000e+00> : vector<256x256xf32>
    %dot_general3A_237 = tpu.matmul %slice3A_141, %convert_element_type3A_24, %dot_general3A_236 {dimension_numbers = #tpu.dot_dimension_numbers<[1], [0], [0], [1], [0, 0, 1, 1], [], []>, transpose_lhs_hint = false} : vector<256x16xf32>, vector<16x256xf32>, vector<256x256xf32> -> vector<256x256xf32>
    %mul3A_238 = arith.mulf %dot_general3A_237, %slice3A_235 : vector<256x256xf32>
    %dot_general3A_239 = arith.constant dense<0.000000e+00> : vector<256x16xf32>
    %dot_general3A_240 = tpu.matmul %mul3A_238, %convert_element_type3A_49, %dot_general3A_239 {dimension_numbers = #tpu.dot_dimension_numbers<[1], [0], [0], [1], [0, 0, 1, 1], [], []>, transpose_lhs_hint = false} : vector<256x256xf32>, vector<256x16xf32>, vector<256x16xf32> -> vector<256x16xf32>
    %mul3A_241 = arith.constant 2.500000e-01 : f32
    %mul3A_242 = vector.broadcast %mul3A_241 : f32 to vector<256x16xf32>
    %mul3A_243 = arith.mulf %mul3A_242, %dot_general3A_240 : vector<256x16xf32>
    %slice3A_244 = vector.extract_strided_slice %add3A_220 {offsets = [0, 512], sizes = [256, 256], strides = [1, 1]} : vector<256x768xf32> to vector<256x256xf32>
    %dot_general3A_245 = arith.constant dense<0.000000e+00> : vector<256x256xf32>
    %dot_general3A_246 = tpu.matmul %slice3A_141, %convert_element_type3A_24, %dot_general3A_245 {dimension_numbers = #tpu.dot_dimension_numbers<[1], [0], [0], [1], [0, 0, 1, 1], [], []>, transpose_lhs_hint = false} : vector<256x16xf32>, vector<16x256xf32>, vector<256x256xf32> -> vector<256x256xf32>
    %mul3A_247 = arith.mulf %dot_general3A_246, %slice3A_244 : vector<256x256xf32>
    %dot_general3A_248 = arith.constant dense<0.000000e+00> : vector<256x16xf32>
    %dot_general3A_249 = tpu.matmul %mul3A_247, %convert_element_type3A_49, %dot_general3A_248 {dimension_numbers = #tpu.dot_dimension_numbers<[1], [0], [0], [1], [0, 0, 1, 1], [], []>, transpose_lhs_hint = false} : vector<256x256xf32>, vector<256x16xf32>, vector<256x16xf32> -> vector<256x16xf32>
    %dot_general3A_250 = arith.constant dense<0.000000e+00> : vector<256x48xf32>
    %dot_general3A_251 = tpu.matmul %dot_general3A_249, %convert_element_type3A_85, %dot_general3A_250 {dimension_numbers = #tpu.dot_dimension_numbers<[1], [0], [0], [1], [0, 0, 1, 1], [], []>, transpose_lhs_hint = false} : vector<256x16xf32>, vector<16x48xf32>, vector<256x48xf32> -> vector<256x48xf32>
    %mul3A_252 = arith.mulf %dot_general3A_251, %mul3A_225 : vector<256x48xf32>
    %mul3A_253 = arith.constant 2.500000e-01 : f32
    %mul3A_254 = vector.broadcast %mul3A_253 : f32 to vector<256x48xf32>
    %mul3A_255 = arith.mulf %mul3A_254, %mul3A_252 : vector<256x48xf32>
    %mul3A_256 = arith.constant 256 : i32
    %mul3A_257 = arith.muli %arg0, %mul3A_256 : i32
    %iota3A_258 = tpu.iota {dimensions = array<i32: 0>} : vector<256x1xi32>
    %add3A_259 = vector.broadcast %mul3A_257 : i32 to vector<256x1xi32>
    %add3A_260 = arith.addi %add3A_259, %iota3A_258 : vector<256x1xi32>
    %lt3A_261 = arith.constant 160000 : i32
    %lt3A_262 = vector.broadcast %lt3A_261 : i32 to vector<256x1xi32>
    %lt3A_263 = arith.cmpi slt, %add3A_260, %lt3A_262 : vector<256x1xi32>
    %convert_element_type3A_264 = arith.extui %lt3A_263 : vector<256x1xi1> to vector<256x1xi32>
    %convert_element_type3A_265 = arith.sitofp %convert_element_type3A_264 : vector<256x1xi32> to vector<256x1xf32>
    %concatenate3A = tpu.concatenate %mul3A_234, %mul3A_243, %mul3A_255 in 1 : vector<256x16xf32>, vector<256x16xf32>, vector<256x48xf32> -> vector<256x80xf32>
    %mul3A_266 = vector.broadcast %convert_element_type3A_265 : vector<256x1xf32> to vector<256x80xf32>
    %mul3A_267 = arith.mulf %concatenate3A, %mul3A_266 : vector<256x80xf32>
    %swap3A = arith.constant 0 : index
    %swap3A_268 = arith.constant 0 : index
    %swap3A_269 = vector.load %arg7[%swap3A, %swap3A_268] : memref<256x80xf32, #tpu.memory_space<vmem>>, vector<256x80xf32>
    tpu.vector_store %arg7[%swap3A, %swap3A_268], %mul3A_267 {strides = array<i32>} : memref<256x80xf32, #tpu.memory_space<vmem>>, vector<256x80xf32>,
    return
  }
  func.func @transform_0(%arg0: i32) -> (i32, i32) {
    %c0_i32 = arith.constant 0 : i32
    %c0_i32_0 = arith.constant 0 : i32
    return %arg0, %c0_i32 : i32, i32
  }
  func.func @transform_1(%arg0: i32) -> (i32, i32) {
    %c0_i32 = arith.constant 0 : i32
    %c0_i32_0 = arith.constant 0 : i32
    return %arg0, %c0_i32 : i32, i32
  }
  func.func @transform_2(%arg0: i32) -> (i32, i32) {
    %c0_i32 = arith.constant 0 : i32
    %c0_i32_0 = arith.constant 0 : i32
    %c0_i32_1 = arith.constant 0 : i32
    return %c0_i32, %c0_i32_0 : i32, i32
  }
  func.func @transform_3(%arg0: i32) -> (i32, i32) {
    %c0_i32 = arith.constant 0 : i32
    %c0_i32_0 = arith.constant 0 : i32
    %c0_i32_1 = arith.constant 0 : i32
    return %c0_i32, %c0_i32_0 : i32, i32
  }
  func.func @transform_4(%arg0: i32) -> (i32, i32) {
    %c0_i32 = arith.constant 0 : i32
    %c0_i32_0 = arith.constant 0 : i32
    %c0_i32_1 = arith.constant 0 : i32
    return %c0_i32, %c0_i32_0 : i32, i32
  }
  func.func @transform_5(%arg0: i32) -> (i32, i32) {
    %c0_i32 = arith.constant 0 : i32
    %c0_i32_0 = arith.constant 0 : i32
    %c0_i32_1 = arith.constant 0 : i32
    return %c0_i32, %c0_i32_0 : i32, i32
  }
  func.func @transform_6(%arg0: i32) -> (i32, i32) {
    %c0_i32 = arith.constant 0 : i32
    %c0_i32_0 = arith.constant 0 : i32
    return %arg0, %c0_i32 : i32, i32
  }
}

module attributes {stable_mosaic.version = 14 : i64} {
  func.func @_node_body(%arg0: i32, %arg1: memref<400x80xf32, #tpu.memory_space<vmem>>, %arg2: memref<400x80xf32, #tpu.memory_space<vmem>>, %arg3: memref<400x64xf32, #tpu.memory_space<vmem>>, %arg4: memref<400x64xf32, #tpu.memory_space<vmem>>) attributes {dimension_semantics = [#tpu.dimension_semantics<arbitrary>], iteration_bounds = array<i64: 25>, scalar_prefetch = 0 : i64, scratch_operands = 0 : i64, tpu.core_type = #tpu.core_type<tc>, window_params = [{transform_indices = @transform_0, window_bounds = array<i64: 400, 80>}, {transform_indices = @transform_1, window_bounds = array<i64: 400, 80>}, {transform_indices = @transform_2, window_bounds = array<i64: 400, 64>}, {transform_indices = @transform_3, window_bounds = array<i64: 400, 64>}]} {
    %get3A = arith.constant 0 : index
    %get3A_0 = arith.constant 0 : index
    %get3A_1 = vector.load %arg1[%get3A, %get3A_0] : memref<400x80xf32, #tpu.memory_space<vmem>>, vector<400x80xf32>
    %get3A_2 = arith.constant 0 : index
    %get3A_3 = arith.constant 0 : index
    %get3A_4 = vector.load %arg2[%get3A_2, %get3A_3] : memref<400x80xf32, #tpu.memory_space<vmem>>, vector<400x80xf32>
    %add3A = arith.addf %get3A_1, %get3A_4 : vector<400x80xf32>
    %slice3A = vector.extract_strided_slice %add3A {offsets = [0, 0], sizes = [400, 16], strides = [1, 1]} : vector<400x80xf32> to vector<400x16xf32>
    %logistic3A = arith.negf %slice3A : vector<400x16xf32>
    %logistic3A_5 = math.exp %logistic3A : vector<400x16xf32>
    %logistic3A_6 = arith.constant 1.000000e+00 : f32
    %logistic3A_7 = vector.broadcast %logistic3A_6 : f32 to vector<400x16xf32>
    %logistic3A_8 = arith.addf %logistic3A_7, %logistic3A_5 : vector<400x16xf32>
    %logistic3A_9 = arith.divf %logistic3A_7, %logistic3A_8 : vector<400x16xf32>
    %mul3A = arith.mulf %slice3A, %logistic3A_9 : vector<400x16xf32>
    %slice3A_10 = vector.extract_strided_slice %add3A {offsets = [0, 16], sizes = [400, 16], strides = [1, 1]} : vector<400x80xf32> to vector<400x16xf32>
    %logistic3A_11 = arith.negf %slice3A_10 : vector<400x16xf32>
    %logistic3A_12 = math.exp %logistic3A_11 : vector<400x16xf32>
    %logistic3A_13 = arith.constant 1.000000e+00 : f32
    %logistic3A_14 = vector.broadcast %logistic3A_13 : f32 to vector<400x16xf32>
    %logistic3A_15 = arith.addf %logistic3A_14, %logistic3A_12 : vector<400x16xf32>
    %logistic3A_16 = arith.divf %logistic3A_14, %logistic3A_15 : vector<400x16xf32>
    %iota3A = tpu.iota {dimensions = array<i32: 1>} : vector<16x48xi32>
    %iota3A_17 = tpu.iota {dimensions = array<i32: 0>} : vector<16x48xi32>
    %jit3A = arith.constant 3 : i32
    %div3A = vector.broadcast %jit3A : i32 to vector<16x48xi32>
    %div3A_18 = arith.divsi %iota3A, %div3A : vector<16x48xi32>
    %sign3A = arith.constant 0 : i32
    %sign3A_19 = vector.broadcast %sign3A : i32 to vector<16x48xi32>
    %sign3A_20 = arith.cmpi sgt, %iota3A, %sign3A_19 : vector<16x48xi32>
    %sign3A_21 = arith.extui %sign3A_20 : vector<16x48xi1> to vector<16x48xi32>
    %sign3A_22 = arith.constant 0 : i32
    %sign3A_23 = vector.broadcast %sign3A_22 : i32 to vector<16x48xi32>
    %sign3A_24 = arith.cmpi slt, %iota3A, %sign3A_23 : vector<16x48xi32>
    %sign3A_25 = arith.extui %sign3A_24 : vector<16x48xi1> to vector<16x48xi32>
    %sign3A_26 = arith.subi %sign3A_21, %sign3A_25 : vector<16x48xi32>
    %sign3A_27 = arith.constant 0 : i32
    %sign3A_28 = arith.cmpi sgt, %jit3A, %sign3A_27 : i32
    %sign3A_29 = arith.extui %sign3A_28 : i1 to i32
    %sign3A_30 = arith.constant 0 : i32
    %sign3A_31 = arith.cmpi slt, %jit3A, %sign3A_30 : i32
    %sign3A_32 = arith.extui %sign3A_31 : i1 to i32
    %sign3A_33 = arith.subi %sign3A_29, %sign3A_32 : i32
    %ne3A = vector.broadcast %sign3A_33 : i32 to vector<16x48xi32>
    %ne3A_34 = arith.cmpi ne, %sign3A_26, %ne3A : vector<16x48xi32>
    %rem3A = vector.broadcast %jit3A : i32 to vector<16x48xi32>
    %rem3A_35 = arith.remsi %iota3A, %rem3A : vector<16x48xi32>
    %ne3A_36 = arith.constant 0 : i32
    %ne3A_37 = vector.broadcast %ne3A_36 : i32 to vector<16x48xi32>
    %ne3A_38 = arith.cmpi ne, %rem3A_35, %ne3A_37 : vector<16x48xi32>
    %and3A = arith.andi %ne3A_34, %ne3A_38 : vector<16x48xi1>
    %sub3A = arith.constant 1 : i32
    %sub3A_39 = vector.broadcast %sub3A : i32 to vector<16x48xi32>
    %sub3A_40 = arith.subi %div3A_18, %sub3A_39 : vector<16x48xi32>
    %select_n3A = arith.select %and3A, %sub3A_40, %div3A_18 : vector<16x48xi1>, vector<16x48xi32>
    %eq3A = arith.cmpi eq, %select_n3A, %iota3A_17 : vector<16x48xi32>
    %convert_element_type3A = arith.extui %eq3A : vector<16x48xi1> to vector<16x48xi32>
    %convert_element_type3A_41 = arith.sitofp %convert_element_type3A : vector<16x48xi32> to vector<16x48xf32>
    %slice3A_42 = vector.extract_strided_slice %add3A {offsets = [0, 32], sizes = [400, 48], strides = [1, 1]} : vector<400x80xf32> to vector<400x48xf32>
    %dot_general3A = arith.constant dense<0.000000e+00> : vector<400x48xf32>
    %dot_general3A_43 = tpu.matmul %logistic3A_16, %convert_element_type3A_41, %dot_general3A {dimension_numbers = #tpu.dot_dimension_numbers<[1], [0], [0], [1], [0, 0, 1, 1], [], []>, transpose_lhs_hint = false} : vector<400x16xf32>, vector<16x48xf32>, vector<400x48xf32> -> vector<400x48xf32>
    %mul3A_44 = arith.mulf %slice3A_42, %dot_general3A_43 : vector<400x48xf32>
    %concatenate3A = tpu.concatenate %mul3A, %mul3A_44 in 1 : vector<400x16xf32>, vector<400x48xf32> -> vector<400x64xf32>
    %get3A_45 = arith.constant 0 : index
    %get3A_46 = arith.constant 0 : index
    %get3A_47 = vector.load %arg3[%get3A_45, %get3A_46] : memref<400x64xf32, #tpu.memory_space<vmem>>, vector<400x64xf32>
    %add3A_48 = arith.addf %concatenate3A, %get3A_47 : vector<400x64xf32>
    %swap3A = arith.constant 0 : index
    %swap3A_49 = arith.constant 0 : index
    %swap3A_50 = vector.load %arg4[%swap3A, %swap3A_49] : memref<400x64xf32, #tpu.memory_space<vmem>>, vector<400x64xf32>
    tpu.vector_store %arg4[%swap3A, %swap3A_49], %add3A_48 {strides = array<i32>} : memref<400x64xf32, #tpu.memory_space<vmem>>, vector<400x64xf32>,
    return
  }
  func.func @transform_0(%arg0: i32) -> (i32, i32) {
    %c0_i32 = arith.constant 0 : i32
    %c0_i32_0 = arith.constant 0 : i32
    return %arg0, %c0_i32 : i32, i32
  }
  func.func @transform_1(%arg0: i32) -> (i32, i32) {
    %c0_i32 = arith.constant 0 : i32
    %c0_i32_0 = arith.constant 0 : i32
    return %arg0, %c0_i32 : i32, i32
  }
  func.func @transform_2(%arg0: i32) -> (i32, i32) {
    %c0_i32 = arith.constant 0 : i32
    %c0_i32_0 = arith.constant 0 : i32
    return %arg0, %c0_i32 : i32, i32
  }
  func.func @transform_3(%arg0: i32) -> (i32, i32) {
    %c0_i32 = arith.constant 0 : i32
    %c0_i32_0 = arith.constant 0 : i32
    return %arg0, %c0_i32 : i32, i32
  }
}

module attributes {stable_mosaic.version = 14 : i64} {
  func.func @_edge_body(%arg0: i32, %arg1: memref<256x16xf32, #tpu.memory_space<vmem>>, %arg2: memref<256x80xf32, #tpu.memory_space<vmem>>, %arg3: memref<16x256xf32, #tpu.memory_space<vmem>>, %arg4: memref<1x256xf32, #tpu.memory_space<vmem>>, %arg5: memref<256x1536xf32, #tpu.memory_space<vmem>>, %arg6: memref<1x1536xf32, #tpu.memory_space<vmem>>, %arg7: memref<256x80xf32, #tpu.memory_space<vmem>>) attributes {dimension_semantics = [#tpu.dimension_semantics<arbitrary>], iteration_bounds = array<i64: 640>, scalar_prefetch = 0 : i64, scratch_operands = 0 : i64, tpu.core_type = #tpu.core_type<tc>, window_params = [{transform_indices = @transform_0, window_bounds = array<i64: 256, 16>}, {transform_indices = @transform_1, window_bounds = array<i64: 256, 80>}, {pipeline_mode = #tpu.pipeline_mode<synchronous>, transform_indices = @transform_2, window_bounds = array<i64: 16, 256>}, {pipeline_mode = #tpu.pipeline_mode<synchronous>, transform_indices = @transform_3, window_bounds = array<i64: 1, 256>}, {pipeline_mode = #tpu.pipeline_mode<synchronous>, transform_indices = @transform_4, window_bounds = array<i64: 256, 1536>}, {pipeline_mode = #tpu.pipeline_mode<synchronous>, transform_indices = @transform_5, window_bounds = array<i64: 1, 1536>}, {transform_indices = @transform_6, window_bounds = array<i64: 256, 80>}]} {
    %iota3A = tpu.iota {dimensions = array<i32: 1>} : vector<16x256xi32>
    %iota3A_0 = tpu.iota {dimensions = array<i32: 0>} : vector<16x256xi32>
    %jit3A = arith.constant 16 : i32
    %div3A = vector.broadcast %jit3A : i32 to vector<16x256xi32>
    %div3A_1 = arith.divsi %iota3A, %div3A : vector<16x256xi32>
    %sign3A = arith.constant 0 : i32
    %sign3A_2 = vector.broadcast %sign3A : i32 to vector<16x256xi32>
    %sign3A_3 = arith.cmpi sgt, %iota3A, %sign3A_2 : vector<16x256xi32>
    %sign3A_4 = arith.extui %sign3A_3 : vector<16x256xi1> to vector<16x256xi32>
    %sign3A_5 = arith.constant 0 : i32
    %sign3A_6 = vector.broadcast %sign3A_5 : i32 to vector<16x256xi32>
    %sign3A_7 = arith.cmpi slt, %iota3A, %sign3A_6 : vector<16x256xi32>
    %sign3A_8 = arith.extui %sign3A_7 : vector<16x256xi1> to vector<16x256xi32>
    %sign3A_9 = arith.subi %sign3A_4, %sign3A_8 : vector<16x256xi32>
    %sign3A_10 = arith.constant 0 : i32
    %sign3A_11 = arith.cmpi sgt, %jit3A, %sign3A_10 : i32
    %sign3A_12 = arith.extui %sign3A_11 : i1 to i32
    %sign3A_13 = arith.constant 0 : i32
    %sign3A_14 = arith.cmpi slt, %jit3A, %sign3A_13 : i32
    %sign3A_15 = arith.extui %sign3A_14 : i1 to i32
    %sign3A_16 = arith.subi %sign3A_12, %sign3A_15 : i32
    %ne3A = vector.broadcast %sign3A_16 : i32 to vector<16x256xi32>
    %ne3A_17 = arith.cmpi ne, %sign3A_9, %ne3A : vector<16x256xi32>
    %rem3A = vector.broadcast %jit3A : i32 to vector<16x256xi32>
    %rem3A_18 = arith.remsi %iota3A, %rem3A : vector<16x256xi32>
    %ne3A_19 = arith.constant 0 : i32
    %ne3A_20 = vector.broadcast %ne3A_19 : i32 to vector<16x256xi32>
    %ne3A_21 = arith.cmpi ne, %rem3A_18, %ne3A_20 : vector<16x256xi32>
    %and3A = arith.andi %ne3A_17, %ne3A_21 : vector<16x256xi1>
    %sub3A = arith.constant 1 : i32
    %sub3A_22 = vector.broadcast %sub3A : i32 to vector<16x256xi32>
    %sub3A_23 = arith.subi %div3A_1, %sub3A_22 : vector<16x256xi32>
    %select_n3A = arith.select %and3A, %sub3A_23, %div3A_1 : vector<16x256xi1>, vector<16x256xi32>
    %eq3A = arith.cmpi eq, %select_n3A, %iota3A_0 : vector<16x256xi32>
    %convert_element_type3A = arith.extui %eq3A : vector<16x256xi1> to vector<16x256xi32>
    %convert_element_type3A_24 = arith.sitofp %convert_element_type3A : vector<16x256xi32> to vector<16x256xf32>
    %iota3A_25 = tpu.iota {dimensions = array<i32: 0>} : vector<256x16xi32>
    %iota3A_26 = tpu.iota {dimensions = array<i32: 1>} : vector<256x16xi32>
    %jit3A_27 = arith.constant 16 : i32
    %eq3A_28 = arith.constant 0 : i32
    %eq3A_29 = arith.cmpi eq, %jit3A_27, %eq3A_28 : i32
    %jit3A_30 = arith.constant 1 : i32
    %select_n3A_31 = arith.select %eq3A_29, %jit3A_30, %jit3A_27 : i32
    %rem3A_32 = vector.broadcast %select_n3A_31 : i32 to vector<256x16xi32>
    %rem3A_33 = arith.remsi %iota3A_25, %rem3A_32 : vector<256x16xi32>
    %ne3A_34 = arith.constant 0 : i32
    %ne3A_35 = vector.broadcast %ne3A_34 : i32 to vector<256x16xi32>
    %ne3A_36 = arith.cmpi ne, %rem3A_33, %ne3A_35 : vector<256x16xi32>
    %lt3A = arith.constant 0 : i32
    %lt3A_37 = vector.broadcast %lt3A : i32 to vector<256x16xi32>
    %lt3A_38 = arith.cmpi slt, %rem3A_33, %lt3A_37 : vector<256x16xi32>
    %lt3A_39 = arith.constant 0 : i32
    %lt3A_40 = arith.cmpi slt, %select_n3A_31, %lt3A_39 : i32
    %ne3A_41 = vector.broadcast %lt3A_40 : i1 to vector<256x16xi1>
    %ne3A_42 = vector.broadcast %ne3A_41 : vector<256x16xi1> to vector<256x16xi1>
    %ne3A_43 = arith.xori %lt3A_38, %ne3A_42 : vector<256x16xi1>
    %and3A_44 = arith.andi %ne3A_43, %ne3A_36 : vector<256x16xi1>
    %add3A = vector.broadcast %select_n3A_31 : i32 to vector<256x16xi32>
    %add3A_45 = arith.addi %rem3A_33, %add3A : vector<256x16xi32>
    %select_n3A_46 = arith.select %and3A_44, %add3A_45, %rem3A_33 : vector<256x16xi1>, vector<256x16xi32>
    %eq3A_47 = arith.cmpi eq, %select_n3A_46, %iota3A_26 : vector<256x16xi32>
    %convert_element_type3A_48 = arith.extui %eq3A_47 : vector<256x16xi1> to vector<256x16xi32>
    %convert_element_type3A_49 = arith.sitofp %convert_element_type3A_48 : vector<256x16xi32> to vector<256x16xf32>
    %iota3A_50 = tpu.iota {dimensions = array<i32: 1>} : vector<16x48xi32>
    %iota3A_51 = tpu.iota {dimensions = array<i32: 0>} : vector<16x48xi32>
    %jit3A_52 = arith.constant 3 : i32
    %div3A_53 = vector.broadcast %jit3A_52 : i32 to vector<16x48xi32>
    %div3A_54 = arith.divsi %iota3A_50, %div3A_53 : vector<16x48xi32>
    %sign3A_55 = arith.constant 0 : i32
    %sign3A_56 = vector.broadcast %sign3A_55 : i32 to vector<16x48xi32>
    %sign3A_57 = arith.cmpi sgt, %iota3A_50, %sign3A_56 : vector<16x48xi32>
    %sign3A_58 = arith.extui %sign3A_57 : vector<16x48xi1> to vector<16x48xi32>
    %sign3A_59 = arith.constant 0 : i32
    %sign3A_60 = vector.broadcast %sign3A_59 : i32 to vector<16x48xi32>
    %sign3A_61 = arith.cmpi slt, %iota3A_50, %sign3A_60 : vector<16x48xi32>
    %sign3A_62 = arith.extui %sign3A_61 : vector<16x48xi1> to vector<16x48xi32>
    %sign3A_63 = arith.subi %sign3A_58, %sign3A_62 : vector<16x48xi32>
    %sign3A_64 = arith.constant 0 : i32
    %sign3A_65 = arith.cmpi sgt, %jit3A_52, %sign3A_64 : i32
    %sign3A_66 = arith.extui %sign3A_65 : i1 to i32
    %sign3A_67 = arith.constant 0 : i32
    %sign3A_68 = arith.cmpi slt, %jit3A_52, %sign3A_67 : i32
    %sign3A_69 = arith.extui %sign3A_68 : i1 to i32
    %sign3A_70 = arith.subi %sign3A_66, %sign3A_69 : i32
    %ne3A_71 = vector.broadcast %sign3A_70 : i32 to vector<16x48xi32>
    %ne3A_72 = arith.cmpi ne, %sign3A_63, %ne3A_71 : vector<16x48xi32>
    %rem3A_73 = vector.broadcast %jit3A_52 : i32 to vector<16x48xi32>
    %rem3A_74 = arith.remsi %iota3A_50, %rem3A_73 : vector<16x48xi32>
    %ne3A_75 = arith.constant 0 : i32
    %ne3A_76 = vector.broadcast %ne3A_75 : i32 to vector<16x48xi32>
    %ne3A_77 = arith.cmpi ne, %rem3A_74, %ne3A_76 : vector<16x48xi32>
    %and3A_78 = arith.andi %ne3A_72, %ne3A_77 : vector<16x48xi1>
    %sub3A_79 = arith.constant 1 : i32
    %sub3A_80 = vector.broadcast %sub3A_79 : i32 to vector<16x48xi32>
    %sub3A_81 = arith.subi %div3A_54, %sub3A_80 : vector<16x48xi32>
    %select_n3A_82 = arith.select %and3A_78, %sub3A_81, %div3A_54 : vector<16x48xi1>, vector<16x48xi32>
    %eq3A_83 = arith.cmpi eq, %select_n3A_82, %iota3A_51 : vector<16x48xi32>
    %convert_element_type3A_84 = arith.extui %eq3A_83 : vector<16x48xi1> to vector<16x48xi32>
    %convert_element_type3A_85 = arith.sitofp %convert_element_type3A_84 : vector<16x48xi32> to vector<16x48xf32>
    %jit3A_86 = arith.constant 3 : i32
    %eq3A_87 = arith.constant 0 : i32
    %eq3A_88 = arith.cmpi eq, %jit3A_86, %eq3A_87 : i32
    %jit3A_89 = arith.constant 1 : i32
    %select_n3A_90 = arith.select %eq3A_88, %jit3A_89, %jit3A_86 : i32
    %rem3A_91 = vector.broadcast %select_n3A_90 : i32 to vector<16x48xi32>
    %rem3A_92 = arith.remsi %iota3A_50, %rem3A_91 : vector<16x48xi32>
    %ne3A_93 = arith.constant 0 : i32
    %ne3A_94 = vector.broadcast %ne3A_93 : i32 to vector<16x48xi32>
    %ne3A_95 = arith.cmpi ne, %rem3A_92, %ne3A_94 : vector<16x48xi32>
    %lt3A_96 = arith.constant 0 : i32
    %lt3A_97 = vector.broadcast %lt3A_96 : i32 to vector<16x48xi32>
    %lt3A_98 = arith.cmpi slt, %rem3A_92, %lt3A_97 : vector<16x48xi32>
    %lt3A_99 = arith.constant 0 : i32
    %lt3A_100 = arith.cmpi slt, %select_n3A_90, %lt3A_99 : i32
    %ne3A_101 = vector.broadcast %lt3A_100 : i1 to vector<16x48xi1>
    %ne3A_102 = vector.broadcast %ne3A_101 : vector<16x48xi1> to vector<16x48xi1>
    %ne3A_103 = arith.xori %lt3A_98, %ne3A_102 : vector<16x48xi1>
    %and3A_104 = arith.andi %ne3A_103, %ne3A_95 : vector<16x48xi1>
    %add3A_105 = vector.broadcast %select_n3A_90 : i32 to vector<16x48xi32>
    %add3A_106 = arith.addi %rem3A_92, %add3A_105 : vector<16x48xi32>
    %select_n3A_107 = arith.select %and3A_104, %add3A_106, %rem3A_92 : vector<16x48xi1>, vector<16x48xi32>
    %add3A_108 = arith.constant 1 : i32
    %add3A_109 = vector.broadcast %add3A_108 : i32 to vector<16x48xi32>
    %add3A_110 = arith.addi %select_n3A_107, %add3A_109 : vector<16x48xi32>
    %jit3A_111 = arith.constant 3 : i32
    %eq3A_112 = arith.constant 0 : i32
    %eq3A_113 = arith.cmpi eq, %jit3A_111, %eq3A_112 : i32
    %jit3A_114 = arith.constant 1 : i32
    %select_n3A_115 = arith.select %eq3A_113, %jit3A_114, %jit3A_111 : i32
    %rem3A_116 = vector.broadcast %select_n3A_115 : i32 to vector<16x48xi32>
    %rem3A_117 = arith.remsi %add3A_110, %rem3A_116 : vector<16x48xi32>
    %ne3A_118 = arith.constant 0 : i32
    %ne3A_119 = vector.broadcast %ne3A_118 : i32 to vector<16x48xi32>
    %ne3A_120 = arith.cmpi ne, %rem3A_117, %ne3A_119 : vector<16x48xi32>
    %lt3A_121 = arith.constant 0 : i32
    %lt3A_122 = vector.broadcast %lt3A_121 : i32 to vector<16x48xi32>
    %lt3A_123 = arith.cmpi slt, %rem3A_117, %lt3A_122 : vector<16x48xi32>
    %lt3A_124 = arith.constant 0 : i32
    %lt3A_125 = arith.cmpi slt, %select_n3A_115, %lt3A_124 : i32
    %ne3A_126 = vector.broadcast %lt3A_125 : i1 to vector<16x48xi1>
    %ne3A_127 = vector.broadcast %ne3A_126 : vector<16x48xi1> to vector<16x48xi1>
    %ne3A_128 = arith.xori %lt3A_123, %ne3A_127 : vector<16x48xi1>
    %and3A_129 = arith.andi %ne3A_128, %ne3A_120 : vector<16x48xi1>
    %add3A_130 = vector.broadcast %select_n3A_115 : i32 to vector<16x48xi32>
    %add3A_131 = arith.addi %rem3A_117, %add3A_130 : vector<16x48xi32>
    %select_n3A_132 = arith.select %and3A_129, %add3A_131, %rem3A_117 : vector<16x48xi1>, vector<16x48xi32>
    %eq3A_133 = arith.cmpi eq, %select_n3A_132, %iota3A_51 : vector<16x48xi32>
    %convert_element_type3A_134 = arith.extui %eq3A_133 : vector<16x48xi1> to vector<16x48xi32>
    %convert_element_type3A_135 = arith.sitofp %convert_element_type3A_134 : vector<16x48xi32> to vector<16x48xf32>
    %iota3A_136 = tpu.iota {dimensions = array<i32: 0>} : vector<48x16xi32>
    %iota3A_137 = tpu.iota {dimensions = array<i32: 1>} : vector<48x16xi32>
    %jit3A_138 = arith.constant 3 : i32
    %div3A_139 = vector.broadcast %jit3A_138 : i32 to vector<48x16xi32>
    %div3A_140 = arith.divsi %iota3A_136, %div3A_139 : vector<48x16xi32>
    %sign3A_141 = arith.constant 0 : i32
    %sign3A_142 = vector.broadcast %sign3A_141 : i32 to vector<48x16xi32>
    %sign3A_143 = arith.cmpi sgt, %iota3A_136, %sign3A_142 : vector<48x16xi32>
    %sign3A_144 = arith.extui %sign3A_143 : vector<48x16xi1> to vector<48x16xi32>
    %sign3A_145 = arith.constant 0 : i32
    %sign3A_146 = vector.broadcast %sign3A_145 : i32 to vector<48x16xi32>
    %sign3A_147 = arith.cmpi slt, %iota3A_136, %sign3A_146 : vector<48x16xi32>
    %sign3A_148 = arith.extui %sign3A_147 : vector<48x16xi1> to vector<48x16xi32>
    %sign3A_149 = arith.subi %sign3A_144, %sign3A_148 : vector<48x16xi32>
    %sign3A_150 = arith.constant 0 : i32
    %sign3A_151 = arith.cmpi sgt, %jit3A_138, %sign3A_150 : i32
    %sign3A_152 = arith.extui %sign3A_151 : i1 to i32
    %sign3A_153 = arith.constant 0 : i32
    %sign3A_154 = arith.cmpi slt, %jit3A_138, %sign3A_153 : i32
    %sign3A_155 = arith.extui %sign3A_154 : i1 to i32
    %sign3A_156 = arith.subi %sign3A_152, %sign3A_155 : i32
    %ne3A_157 = vector.broadcast %sign3A_156 : i32 to vector<48x16xi32>
    %ne3A_158 = arith.cmpi ne, %sign3A_149, %ne3A_157 : vector<48x16xi32>
    %rem3A_159 = vector.broadcast %jit3A_138 : i32 to vector<48x16xi32>
    %rem3A_160 = arith.remsi %iota3A_136, %rem3A_159 : vector<48x16xi32>
    %ne3A_161 = arith.constant 0 : i32
    %ne3A_162 = vector.broadcast %ne3A_161 : i32 to vector<48x16xi32>
    %ne3A_163 = arith.cmpi ne, %rem3A_160, %ne3A_162 : vector<48x16xi32>
    %and3A_164 = arith.andi %ne3A_158, %ne3A_163 : vector<48x16xi1>
    %sub3A_165 = arith.constant 1 : i32
    %sub3A_166 = vector.broadcast %sub3A_165 : i32 to vector<48x16xi32>
    %sub3A_167 = arith.subi %div3A_140, %sub3A_166 : vector<48x16xi32>
    %select_n3A_168 = arith.select %and3A_164, %sub3A_167, %div3A_140 : vector<48x16xi1>, vector<48x16xi32>
    %eq3A_169 = arith.cmpi eq, %select_n3A_168, %iota3A_137 : vector<48x16xi32>
    %convert_element_type3A_170 = arith.extui %eq3A_169 : vector<48x16xi1> to vector<48x16xi32>
    %convert_element_type3A_171 = arith.sitofp %convert_element_type3A_170 : vector<48x16xi32> to vector<48x16xf32>
    %get3A = arith.constant 0 : index
    %get3A_172 = arith.constant 0 : index
    %get3A_173 = vector.load %arg1[%get3A, %get3A_172] : memref<256x16xf32, #tpu.memory_space<vmem>>, vector<256x16xf32>
    %get3A_174 = arith.constant 0 : index
    %get3A_175 = arith.constant 0 : index
    %get3A_176 = vector.load %arg2[%get3A_174, %get3A_175] : memref<256x80xf32, #tpu.memory_space<vmem>>, vector<256x80xf32>
    %slice3A = vector.extract_strided_slice %get3A_176 {offsets = [0, 0], sizes = [256, 16], strides = [1, 1]} : vector<256x80xf32> to vector<256x16xf32>
    %slice3A_177 = vector.extract_strided_slice %get3A_176 {offsets = [0, 16], sizes = [256, 64], strides = [1, 1]} : vector<256x80xf32> to vector<256x64xf32>
    %sub3A_178 = arith.subf %get3A_173, %slice3A : vector<256x16xf32>
    %mul3A = arith.mulf %sub3A_178, %sub3A_178 : vector<256x16xf32>
    %reduce_sum3A = arith.constant dense<0.000000e+00> : vector<256xf32>
    %reduce_sum3A_179 = vector.multi_reduction <add>, %mul3A, %reduce_sum3A [1] : vector<256x16xf32> to vector<256xf32>
    %broadcast_in_dim3A = vector.shape_cast %reduce_sum3A_179 : vector<256xf32> to vector<256x1xf32>
    %sqrt3A = math.sqrt %broadcast_in_dim3A : vector<256x1xf32>
    %max3A = arith.constant 9.99999968E-21 : f32
    %max3A_180 = vector.broadcast %max3A : f32 to vector<256x1xf32>
    %max3A_181 = arith.maximumf %sqrt3A, %max3A_180 : vector<256x1xf32>
    %div3A_182 = vector.broadcast %max3A_181 : vector<256x1xf32> to vector<256x16xf32>
    %div3A_183 = arith.divf %sub3A_178, %div3A_182 : vector<256x16xf32>
    %mul3A_184 = arith.constant 1.000000e-01 : f32
    %mul3A_185 = vector.broadcast %mul3A_184 : f32 to vector<256x1xf32>
    %mul3A_186 = arith.mulf %max3A_181, %mul3A_185 : vector<256x1xf32>
    %iota3A_187 = tpu.iota {dimensions = array<i32: 1>} : vector<1x16xi32>
    %lt3A_188 = arith.constant 8 : i32
    %lt3A_189 = vector.broadcast %lt3A_188 : i32 to vector<1x16xi32>
    %lt3A_190 = arith.cmpi slt, %iota3A_187, %lt3A_189 : vector<1x16xi32>
    %add3A_191 = arith.constant 1 : i32
    %add3A_192 = vector.broadcast %add3A_191 : i32 to vector<1x16xi32>
    %add3A_193 = arith.addi %iota3A_187, %add3A_192 : vector<1x16xi32>
    %convert_element_type3A_194 = arith.sitofp %add3A_193 : vector<1x16xi32> to vector<1x16xf32>
    %mul3A_195 = arith.constant 3.14159274 : f32
    %mul3A_196 = vector.broadcast %mul3A_195 : f32 to vector<1x16xf32>
    %mul3A_197 = arith.mulf %convert_element_type3A_194, %mul3A_196 : vector<1x16xf32>
    %jit3A_198 = arith.constant 0.000000e+00 : f32
    %broadcast_in_dim3A_199 = vector.broadcast %jit3A_198 : f32 to vector<1x16xf32>
    %select_n3A_200 = arith.select %lt3A_190, %mul3A_197, %broadcast_in_dim3A_199 : vector<1x16xi1>, vector<1x16xf32>
    %mul3A_201 = arith.mulf %mul3A_186, %mul3A_186 : vector<256x1xf32>
    %mul3A_202 = arith.mulf %mul3A_201, %mul3A_201 : vector<256x1xf32>
    %mul3A_203 = arith.mulf %mul3A_202, %mul3A_186 : vector<256x1xf32>
    %mul3A_204 = arith.constant 2.100000e+01 : f32
    %mul3A_205 = vector.broadcast %mul3A_204 : f32 to vector<256x1xf32>
    %mul3A_206 = arith.mulf %mul3A_205, %mul3A_203 : vector<256x1xf32>
    %sub3A_207 = arith.constant 1.000000e+00 : f32
    %sub3A_208 = vector.broadcast %sub3A_207 : f32 to vector<256x1xf32>
    %sub3A_209 = arith.subf %sub3A_208, %mul3A_206 : vector<256x1xf32>
    %mul3A_210 = arith.constant 3.500000e+01 : f32
    %mul3A_211 = vector.broadcast %mul3A_210 : f32 to vector<256x1xf32>
    %mul3A_212 = arith.mulf %mul3A_211, %mul3A_203 : vector<256x1xf32>
    %mul3A_213 = arith.mulf %mul3A_212, %mul3A_186 : vector<256x1xf32>
    %add3A_214 = arith.addf %sub3A_209, %mul3A_213 : vector<256x1xf32>
    %mul3A_215 = arith.constant 1.500000e+01 : f32
    %mul3A_216 = vector.broadcast %mul3A_215 : f32 to vector<256x1xf32>
    %mul3A_217 = arith.mulf %mul3A_216, %mul3A_203 : vector<256x1xf32>
    %mul3A_218 = arith.mulf %mul3A_217, %mul3A_201 : vector<256x1xf32>
    %sub3A_219 = arith.subf %add3A_214, %mul3A_218 : vector<256x1xf32>
    %lt3A_220 = arith.constant 1.000000e+00 : f32
    %lt3A_221 = vector.broadcast %lt3A_220 : f32 to vector<256x1xf32>
    %lt3A_222 = arith.cmpf olt, %mul3A_186, %lt3A_221 : vector<256x1xf32>
    %jit3A_223 = arith.constant 0.000000e+00 : f32
    %broadcast_in_dim3A_224 = vector.broadcast %jit3A_223 : f32 to vector<256x1xf32>
    %select_n3A_225 = arith.select %lt3A_222, %sub3A_219, %broadcast_in_dim3A_224 : vector<256x1xi1>, vector<256x1xf32>
    %mul3A_226 = arith.constant 0.44721359 : f32
    %mul3A_227 = vector.broadcast %mul3A_226 : f32 to vector<256x1xf32>
    %mul3A_228 = arith.mulf %mul3A_227, %select_n3A_225 : vector<256x1xf32>
    %div3A_229 = arith.divf %mul3A_228, %max3A_181 : vector<256x1xf32>
    %mul3A_230 = vector.broadcast %select_n3A_200 : vector<1x16xf32> to vector<256x16xf32>
    %mul3A_231 = vector.broadcast %mul3A_186 : vector<256x1xf32> to vector<256x16xf32>
    %mul3A_232 = arith.mulf %mul3A_230, %mul3A_231 : vector<256x16xf32>
    %sin3A = math.sin %mul3A_232 : vector<256x16xf32>
    %mul3A_233 = vector.broadcast %div3A_229 : vector<256x1xf32> to vector<256x16xf32>
    %mul3A_234 = arith.mulf %mul3A_233, %sin3A : vector<256x16xf32>
    %get3A_235 = arith.constant 0 : index
    %get3A_236 = arith.constant 0 : index
    %get3A_237 = vector.load %arg3[%get3A_235, %get3A_236] : memref<16x256xf32, #tpu.memory_space<vmem>>, vector<16x256xf32>
    %dot_general3A = arith.constant dense<0.000000e+00> : vector<256x256xf32>
    %dot_general3A_238 = tpu.matmul %mul3A_234, %get3A_237, %dot_general3A {dimension_numbers = #tpu.dot_dimension_numbers<[1], [0], [0], [1], [0, 0, 1, 1], [], []>, transpose_lhs_hint = false} : vector<256x16xf32>, vector<16x256xf32>, vector<256x256xf32> -> vector<256x256xf32>
    %get3A_239 = arith.constant 0 : index
    %get3A_240 = arith.constant 0 : index
    %get3A_241 = vector.load %arg4[%get3A_239, %get3A_240] : memref<1x256xf32, #tpu.memory_space<vmem>>, vector<1x256xf32>
    %add3A_242 = vector.broadcast %get3A_241 : vector<1x256xf32> to vector<256x256xf32>
    %add3A_243 = arith.addf %dot_general3A_238, %add3A_242 : vector<256x256xf32>
    %max3A_244 = arith.constant 0.000000e+00 : f32
    %max3A_245 = vector.broadcast %max3A_244 : f32 to vector<256x256xf32>
    %max3A_246 = arith.maximumf %add3A_243, %max3A_245 : vector<256x256xf32>
    %get3A_247 = arith.constant 0 : index
    %get3A_248 = arith.constant 0 : index
    %get3A_249 = vector.load %arg5[%get3A_247, %get3A_248] : memref<256x1536xf32, #tpu.memory_space<vmem>>, vector<256x1536xf32>
    %dot_general3A_250 = arith.constant dense<0.000000e+00> : vector<256x1536xf32>
    %dot_general3A_251 = tpu.matmul %max3A_246, %get3A_249, %dot_general3A_250 {dimension_numbers = #tpu.dot_dimension_numbers<[1], [0], [0], [1], [0, 0, 1, 1], [], []>, transpose_lhs_hint = false} : vector<256x256xf32>, vector<256x1536xf32>, vector<256x1536xf32> -> vector<256x1536xf32>
    %get3A_252 = arith.constant 0 : index
    %get3A_253 = arith.constant 0 : index
    %get3A_254 = vector.load %arg6[%get3A_252, %get3A_253] : memref<1x1536xf32, #tpu.memory_space<vmem>>, vector<1x1536xf32>
    %add3A_255 = vector.broadcast %get3A_254 : vector<1x1536xf32> to vector<256x1536xf32>
    %add3A_256 = arith.addf %dot_general3A_251, %add3A_255 : vector<256x1536xf32>
    %dot_general3A_257 = arith.constant dense<0.000000e+00> : vector<256x48xf32>
    %dot_general3A_258 = tpu.matmul %div3A_183, %convert_element_type3A_135, %dot_general3A_257 {dimension_numbers = #tpu.dot_dimension_numbers<[1], [0], [0], [1], [0, 0, 1, 1], [], []>, transpose_lhs_hint = false} : vector<256x16xf32>, vector<16x48xf32>, vector<256x48xf32> -> vector<256x48xf32>
    %mul3A_259 = arith.constant 1.73205078 : f32
    %mul3A_260 = vector.broadcast %mul3A_259 : f32 to vector<256x48xf32>
    %mul3A_261 = arith.mulf %mul3A_260, %dot_general3A_258 : vector<256x48xf32>
    %slice3A_262 = vector.extract_strided_slice %slice3A_177 {offsets = [0, 0], sizes = [256, 16], strides = [1, 1]} : vector<256x64xf32> to vector<256x16xf32>
    %slice3A_263 = vector.extract_strided_slice %slice3A_177 {offsets = [0, 16], sizes = [256, 48], strides = [1, 1]} : vector<256x64xf32> to vector<256x48xf32>
    %mul3A_264 = arith.mulf %slice3A_263, %dot_general3A_258 : vector<256x48xf32>
    %dot_general3A_265 = arith.constant dense<0.000000e+00> : vector<256x16xf32>
    %dot_general3A_266 = tpu.matmul %mul3A_264, %convert_element_type3A_171, %dot_general3A_265 {dimension_numbers = #tpu.dot_dimension_numbers<[1], [0], [0], [1], [0, 0, 1, 1], [], []>, transpose_lhs_hint = false} : vector<256x48xf32>, vector<48x16xf32>, vector<256x16xf32> -> vector<256x16xf32>
    %slice3A_267 = vector.extract_strided_slice %add3A_256 {offsets = [0, 0], sizes = [256, 256], strides = [1, 1]} : vector<256x1536xf32> to vector<256x256xf32>
    %dot_general3A_268 = arith.constant dense<0.000000e+00> : vector<256x256xf32>
    %dot_general3A_269 = tpu.matmul %slice3A_262, %convert_element_type3A_24, %dot_general3A_268 {dimension_numbers = #tpu.dot_dimension_numbers<[1], [0], [0], [1], [0, 0, 1, 1], [], []>, transpose_lhs_hint = false} : vector<256x16xf32>, vector<16x256xf32>, vector<256x256xf32> -> vector<256x256xf32>
    %mul3A_270 = arith.mulf %dot_general3A_269, %slice3A_267 : vector<256x256xf32>
    %dot_general3A_271 = arith.constant dense<0.000000e+00> : vector<256x16xf32>
    %dot_general3A_272 = tpu.matmul %mul3A_270, %convert_element_type3A_49, %dot_general3A_271 {dimension_numbers = #tpu.dot_dimension_numbers<[1], [0], [0], [1], [0, 0, 1, 1], [], []>, transpose_lhs_hint = false} : vector<256x256xf32>, vector<256x16xf32>, vector<256x16xf32> -> vector<256x16xf32>
    %slice3A_273 = vector.extract_strided_slice %add3A_256 {offsets = [0, 256], sizes = [256, 256], strides = [1, 1]} : vector<256x1536xf32> to vector<256x256xf32>
    %dot_general3A_274 = arith.constant dense<0.000000e+00> : vector<256x256xf32>
    %dot_general3A_275 = tpu.matmul %dot_general3A_266, %convert_element_type3A_24, %dot_general3A_274 {dimension_numbers = #tpu.dot_dimension_numbers<[1], [0], [0], [1], [0, 0, 1, 1], [], []>, transpose_lhs_hint = false} : vector<256x16xf32>, vector<16x256xf32>, vector<256x256xf32> -> vector<256x256xf32>
    %mul3A_276 = arith.mulf %dot_general3A_275, %slice3A_273 : vector<256x256xf32>
    %dot_general3A_277 = arith.constant dense<0.000000e+00> : vector<256x16xf32>
    %dot_general3A_278 = tpu.matmul %mul3A_276, %convert_element_type3A_49, %dot_general3A_277 {dimension_numbers = #tpu.dot_dimension_numbers<[1], [0], [0], [1], [0, 0, 1, 1], [], []>, transpose_lhs_hint = false} : vector<256x256xf32>, vector<256x16xf32>, vector<256x16xf32> -> vector<256x16xf32>
    %add3A_279 = arith.addf %dot_general3A_272, %dot_general3A_278 : vector<256x16xf32>
    %mul3A_280 = arith.constant 0.176776692 : f32
    %mul3A_281 = vector.broadcast %mul3A_280 : f32 to vector<256x16xf32>
    %mul3A_282 = arith.mulf %mul3A_281, %add3A_279 : vector<256x16xf32>
    %slice3A_283 = vector.extract_strided_slice %add3A_256 {offsets = [0, 512], sizes = [256, 256], strides = [1, 1]} : vector<256x1536xf32> to vector<256x256xf32>
    %dot_general3A_284 = arith.constant dense<0.000000e+00> : vector<256x256xf32>
    %dot_general3A_285 = tpu.matmul %slice3A_262, %convert_element_type3A_24, %dot_general3A_284 {dimension_numbers = #tpu.dot_dimension_numbers<[1], [0], [0], [1], [0, 0, 1, 1], [], []>, transpose_lhs_hint = false} : vector<256x16xf32>, vector<16x256xf32>, vector<256x256xf32> -> vector<256x256xf32>
    %mul3A_286 = arith.mulf %dot_general3A_285, %slice3A_283 : vector<256x256xf32>
    %dot_general3A_287 = arith.constant dense<0.000000e+00> : vector<256x16xf32>
    %dot_general3A_288 = tpu.matmul %mul3A_286, %convert_element_type3A_49, %dot_general3A_287 {dimension_numbers = #tpu.dot_dimension_numbers<[1], [0], [0], [1], [0, 0, 1, 1], [], []>, transpose_lhs_hint = false} : vector<256x256xf32>, vector<256x16xf32>, vector<256x16xf32> -> vector<256x16xf32>
    %slice3A_289 = vector.extract_strided_slice %add3A_256 {offsets = [0, 768], sizes = [256, 256], strides = [1, 1]} : vector<256x1536xf32> to vector<256x256xf32>
    %dot_general3A_290 = arith.constant dense<0.000000e+00> : vector<256x256xf32>
    %dot_general3A_291 = tpu.matmul %dot_general3A_266, %convert_element_type3A_24, %dot_general3A_290 {dimension_numbers = #tpu.dot_dimension_numbers<[1], [0], [0], [1], [0, 0, 1, 1], [], []>, transpose_lhs_hint = false} : vector<256x16xf32>, vector<16x256xf32>, vector<256x256xf32> -> vector<256x256xf32>
    %mul3A_292 = arith.mulf %dot_general3A_291, %slice3A_289 : vector<256x256xf32>
    %dot_general3A_293 = arith.constant dense<0.000000e+00> : vector<256x16xf32>
    %dot_general3A_294 = tpu.matmul %mul3A_292, %convert_element_type3A_49, %dot_general3A_293 {dimension_numbers = #tpu.dot_dimension_numbers<[1], [0], [0], [1], [0, 0, 1, 1], [], []>, transpose_lhs_hint = false} : vector<256x256xf32>, vector<256x16xf32>, vector<256x16xf32> -> vector<256x16xf32>
    %add3A_295 = arith.addf %dot_general3A_288, %dot_general3A_294 : vector<256x16xf32>
    %mul3A_296 = arith.constant 0.176776692 : f32
    %mul3A_297 = vector.broadcast %mul3A_296 : f32 to vector<256x16xf32>
    %mul3A_298 = arith.mulf %mul3A_297, %add3A_295 : vector<256x16xf32>
    %slice3A_299 = vector.extract_strided_slice %add3A_256 {offsets = [0, 1024], sizes = [256, 256], strides = [1, 1]} : vector<256x1536xf32> to vector<256x256xf32>
    %dot_general3A_300 = arith.constant dense<0.000000e+00> : vector<256x256xf32>
    %dot_general3A_301 = tpu.matmul %slice3A_262, %convert_element_type3A_24, %dot_general3A_300 {dimension_numbers = #tpu.dot_dimension_numbers<[1], [0], [0], [1], [0, 0, 1, 1], [], []>, transpose_lhs_hint = false} : vector<256x16xf32>, vector<16x256xf32>, vector<256x256xf32> -> vector<256x256xf32>
    %mul3A_302 = arith.mulf %dot_general3A_301, %slice3A_299 : vector<256x256xf32>
    %dot_general3A_303 = arith.constant dense<0.000000e+00> : vector<256x16xf32>
    %dot_general3A_304 = tpu.matmul %mul3A_302, %convert_element_type3A_49, %dot_general3A_303 {dimension_numbers = #tpu.dot_dimension_numbers<[1], [0], [0], [1], [0, 0, 1, 1], [], []>, transpose_lhs_hint = false} : vector<256x256xf32>, vector<256x16xf32>, vector<256x16xf32> -> vector<256x16xf32>
    %dot_general3A_305 = arith.constant dense<0.000000e+00> : vector<256x48xf32>
    %dot_general3A_306 = tpu.matmul %dot_general3A_304, %convert_element_type3A_85, %dot_general3A_305 {dimension_numbers = #tpu.dot_dimension_numbers<[1], [0], [0], [1], [0, 0, 1, 1], [], []>, transpose_lhs_hint = false} : vector<256x16xf32>, vector<16x48xf32>, vector<256x48xf32> -> vector<256x48xf32>
    %mul3A_307 = arith.mulf %dot_general3A_306, %mul3A_261 : vector<256x48xf32>
    %iota3A_308 = tpu.iota {dimensions = array<i32: 0>} : vector<48x16xi32>
    %iota3A_309 = tpu.iota {dimensions = array<i32: 1>} : vector<16x48xi32>
    %broadcast_in_dim3A_310 = arith.constant 0.000000e+00 : f32
    %broadcast_in_dim3A_311 = vector.broadcast %broadcast_in_dim3A_310 : f32 to vector<256x48xf32>
    %jit3A_312 = arith.constant 3 : i32
    %eq3A_313 = arith.constant 0 : i32
    %eq3A_314 = arith.cmpi eq, %jit3A_312, %eq3A_313 : i32
    %jit3A_315 = arith.constant 1 : i32
    %select_n3A_316 = arith.select %eq3A_314, %jit3A_315, %jit3A_312 : i32
    %rem3A_317 = vector.broadcast %select_n3A_316 : i32 to vector<48x16xi32>
    %rem3A_318 = arith.remsi %iota3A_308, %rem3A_317 : vector<48x16xi32>
    %ne3A_319 = arith.constant 0 : i32
    %ne3A_320 = vector.broadcast %ne3A_319 : i32 to vector<48x16xi32>
    %ne3A_321 = arith.cmpi ne, %rem3A_318, %ne3A_320 : vector<48x16xi32>
    %lt3A_322 = arith.constant 0 : i32
    %lt3A_323 = vector.broadcast %lt3A_322 : i32 to vector<48x16xi32>
    %lt3A_324 = arith.cmpi slt, %rem3A_318, %lt3A_323 : vector<48x16xi32>
    %lt3A_325 = arith.constant 0 : i32
    %lt3A_326 = arith.cmpi slt, %select_n3A_316, %lt3A_325 : i32
    %ne3A_327 = vector.broadcast %lt3A_326 : i1 to vector<48x16xi1>
    %ne3A_328 = vector.broadcast %ne3A_327 : vector<48x16xi1> to vector<48x16xi1>
    %ne3A_329 = arith.xori %lt3A_324, %ne3A_328 : vector<48x16xi1>
    %and3A_330 = arith.andi %ne3A_329, %ne3A_321 : vector<48x16xi1>
    %add3A_331 = vector.broadcast %select_n3A_316 : i32 to vector<48x16xi32>
    %add3A_332 = arith.addi %rem3A_318, %add3A_331 : vector<48x16xi32>
    %select_n3A_333 = arith.select %and3A_330, %add3A_332, %rem3A_318 : vector<48x16xi1>, vector<48x16xi32>
    %eq3A_334 = arith.constant 0 : i32
    %eq3A_335 = vector.broadcast %eq3A_334 : i32 to vector<48x16xi32>
    %eq3A_336 = arith.cmpi eq, %select_n3A_333, %eq3A_335 : vector<48x16xi32>
    %convert_element_type3A_337 = arith.extui %eq3A_336 : vector<48x16xi1> to vector<48x16xi32>
    %convert_element_type3A_338 = arith.sitofp %convert_element_type3A_337 : vector<48x16xi32> to vector<48x16xf32>
    %mul3A_339 = arith.mulf %convert_element_type3A_171, %convert_element_type3A_338 : vector<48x16xf32>
    %jit3A_340 = arith.constant 3 : i32
    %eq3A_341 = arith.constant 0 : i32
    %eq3A_342 = arith.cmpi eq, %jit3A_340, %eq3A_341 : i32
    %jit3A_343 = arith.constant 1 : i32
    %select_n3A_344 = arith.select %eq3A_342, %jit3A_343, %jit3A_340 : i32
    %rem3A_345 = vector.broadcast %select_n3A_344 : i32 to vector<16x48xi32>
    %rem3A_346 = arith.remsi %iota3A_309, %rem3A_345 : vector<16x48xi32>
    %ne3A_347 = arith.constant 0 : i32
    %ne3A_348 = vector.broadcast %ne3A_347 : i32 to vector<16x48xi32>
    %ne3A_349 = arith.cmpi ne, %rem3A_346, %ne3A_348 : vector<16x48xi32>
    %lt3A_350 = arith.constant 0 : i32
    %lt3A_351 = vector.broadcast %lt3A_350 : i32 to vector<16x48xi32>
    %lt3A_352 = arith.cmpi slt, %rem3A_346, %lt3A_351 : vector<16x48xi32>
    %lt3A_353 = arith.constant 0 : i32
    %lt3A_354 = arith.cmpi slt, %select_n3A_344, %lt3A_353 : i32
    %ne3A_355 = vector.broadcast %lt3A_354 : i1 to vector<16x48xi1>
    %ne3A_356 = vector.broadcast %ne3A_355 : vector<16x48xi1> to vector<16x48xi1>
    %ne3A_357 = arith.xori %lt3A_352, %ne3A_356 : vector<16x48xi1>
    %and3A_358 = arith.andi %ne3A_357, %ne3A_349 : vector<16x48xi1>
    %add3A_359 = vector.broadcast %select_n3A_344 : i32 to vector<16x48xi32>
    %add3A_360 = arith.addi %rem3A_346, %add3A_359 : vector<16x48xi32>
    %select_n3A_361 = arith.select %and3A_358, %add3A_360, %rem3A_346 : vector<16x48xi1>, vector<16x48xi32>
    %eq3A_362 = arith.constant 0 : i32
    %eq3A_363 = vector.broadcast %eq3A_362 : i32 to vector<16x48xi32>
    %eq3A_364 = arith.cmpi eq, %select_n3A_361, %eq3A_363 : vector<16x48xi32>
    %convert_element_type3A_365 = arith.extui %eq3A_364 : vector<16x48xi1> to vector<16x48xi32>
    %convert_element_type3A_366 = arith.sitofp %convert_element_type3A_365 : vector<16x48xi32> to vector<16x48xf32>
    %mul3A_367 = arith.mulf %convert_element_type3A_85, %convert_element_type3A_366 : vector<16x48xf32>
    %dot_general3A_368 = arith.constant dense<0.000000e+00> : vector<256x16xf32>
    %dot_general3A_369 = tpu.matmul %slice3A_263, %mul3A_339, %dot_general3A_368 {dimension_numbers = #tpu.dot_dimension_numbers<[1], [0], [0], [1], [0, 0, 1, 1], [], []>, transpose_lhs_hint = false} : vector<256x48xf32>, vector<48x16xf32>, vector<256x16xf32> -> vector<256x16xf32>
    %slice3A_370 = vector.extract_strided_slice %add3A_256 {offsets = [0, 1280], sizes = [256, 256], strides = [1, 1]} : vector<256x1536xf32> to vector<256x256xf32>
    %dot_general3A_371 = arith.constant dense<0.000000e+00> : vector<256x256xf32>
    %dot_general3A_372 = tpu.matmul %dot_general3A_369, %convert_element_type3A_24, %dot_general3A_371 {dimension_numbers = #tpu.dot_dimension_numbers<[1], [0], [0], [1], [0, 0, 1, 1], [], []>, transpose_lhs_hint = false} : vector<256x16xf32>, vector<16x256xf32>, vector<256x256xf32> -> vector<256x256xf32>
    %mul3A_373 = arith.mulf %dot_general3A_372, %slice3A_370 : vector<256x256xf32>
    %dot_general3A_374 = arith.constant dense<0.000000e+00> : vector<256x16xf32>
    %dot_general3A_375 = tpu.matmul %mul3A_373, %convert_element_type3A_49, %dot_general3A_374 {dimension_numbers = #tpu.dot_dimension_numbers<[1], [0], [0], [1], [0, 0, 1, 1], [], []>, transpose_lhs_hint = false} : vector<256x256xf32>, vector<256x16xf32>, vector<256x16xf32> -> vector<256x16xf32>
    %dot_general3A_376 = arith.constant dense<0.000000e+00> : vector<256x48xf32>
    %dot_general3A_377 = tpu.matmul %dot_general3A_375, %mul3A_367, %dot_general3A_376 {dimension_numbers = #tpu.dot_dimension_numbers<[1], [0], [0], [1], [0, 0, 1, 1], [], []>, transpose_lhs_hint = false} : vector<256x16xf32>, vector<16x48xf32>, vector<256x48xf32> -> vector<256x48xf32>
    %add3A_378 = arith.addf %broadcast_in_dim3A_311, %dot_general3A_377 : vector<256x48xf32>
    %jit3A_379 = arith.constant 3 : i32
    %eq3A_380 = arith.constant 0 : i32
    %eq3A_381 = arith.cmpi eq, %jit3A_379, %eq3A_380 : i32
    %jit3A_382 = arith.constant 1 : i32
    %select_n3A_383 = arith.select %eq3A_381, %jit3A_382, %jit3A_379 : i32
    %rem3A_384 = vector.broadcast %select_n3A_383 : i32 to vector<48x16xi32>
    %rem3A_385 = arith.remsi %iota3A_308, %rem3A_384 : vector<48x16xi32>
    %ne3A_386 = arith.constant 0 : i32
    %ne3A_387 = vector.broadcast %ne3A_386 : i32 to vector<48x16xi32>
    %ne3A_388 = arith.cmpi ne, %rem3A_385, %ne3A_387 : vector<48x16xi32>
    %lt3A_389 = arith.constant 0 : i32
    %lt3A_390 = vector.broadcast %lt3A_389 : i32 to vector<48x16xi32>
    %lt3A_391 = arith.cmpi slt, %rem3A_385, %lt3A_390 : vector<48x16xi32>
    %lt3A_392 = arith.constant 0 : i32
    %lt3A_393 = arith.cmpi slt, %select_n3A_383, %lt3A_392 : i32
    %ne3A_394 = vector.broadcast %lt3A_393 : i1 to vector<48x16xi1>
    %ne3A_395 = vector.broadcast %ne3A_394 : vector<48x16xi1> to vector<48x16xi1>
    %ne3A_396 = arith.xori %lt3A_391, %ne3A_395 : vector<48x16xi1>
    %and3A_397 = arith.andi %ne3A_396, %ne3A_388 : vector<48x16xi1>
    %add3A_398 = vector.broadcast %select_n3A_383 : i32 to vector<48x16xi32>
    %add3A_399 = arith.addi %rem3A_385, %add3A_398 : vector<48x16xi32>
    %select_n3A_400 = arith.select %and3A_397, %add3A_399, %rem3A_385 : vector<48x16xi1>, vector<48x16xi32>
    %eq3A_401 = arith.constant 1 : i32
    %eq3A_402 = vector.broadcast %eq3A_401 : i32 to vector<48x16xi32>
    %eq3A_403 = arith.cmpi eq, %select_n3A_400, %eq3A_402 : vector<48x16xi32>
    %convert_element_type3A_404 = arith.extui %eq3A_403 : vector<48x16xi1> to vector<48x16xi32>
    %convert_element_type3A_405 = arith.sitofp %convert_element_type3A_404 : vector<48x16xi32> to vector<48x16xf32>
    %mul3A_406 = arith.mulf %convert_element_type3A_171, %convert_element_type3A_405 : vector<48x16xf32>
    %jit3A_407 = arith.constant 3 : i32
    %eq3A_408 = arith.constant 0 : i32
    %eq3A_409 = arith.cmpi eq, %jit3A_407, %eq3A_408 : i32
    %jit3A_410 = arith.constant 1 : i32
    %select_n3A_411 = arith.select %eq3A_409, %jit3A_410, %jit3A_407 : i32
    %rem3A_412 = vector.broadcast %select_n3A_411 : i32 to vector<16x48xi32>
    %rem3A_413 = arith.remsi %iota3A_309, %rem3A_412 : vector<16x48xi32>
    %ne3A_414 = arith.constant 0 : i32
    %ne3A_415 = vector.broadcast %ne3A_414 : i32 to vector<16x48xi32>
    %ne3A_416 = arith.cmpi ne, %rem3A_413, %ne3A_415 : vector<16x48xi32>
    %lt3A_417 = arith.constant 0 : i32
    %lt3A_418 = vector.broadcast %lt3A_417 : i32 to vector<16x48xi32>
    %lt3A_419 = arith.cmpi slt, %rem3A_413, %lt3A_418 : vector<16x48xi32>
    %lt3A_420 = arith.constant 0 : i32
    %lt3A_421 = arith.cmpi slt, %select_n3A_411, %lt3A_420 : i32
    %ne3A_422 = vector.broadcast %lt3A_421 : i1 to vector<16x48xi1>
    %ne3A_423 = vector.broadcast %ne3A_422 : vector<16x48xi1> to vector<16x48xi1>
    %ne3A_424 = arith.xori %lt3A_419, %ne3A_423 : vector<16x48xi1>
    %and3A_425 = arith.andi %ne3A_424, %ne3A_416 : vector<16x48xi1>
    %add3A_426 = vector.broadcast %select_n3A_411 : i32 to vector<16x48xi32>
    %add3A_427 = arith.addi %rem3A_413, %add3A_426 : vector<16x48xi32>
    %select_n3A_428 = arith.select %and3A_425, %add3A_427, %rem3A_413 : vector<16x48xi1>, vector<16x48xi32>
    %eq3A_429 = arith.constant 1 : i32
    %eq3A_430 = vector.broadcast %eq3A_429 : i32 to vector<16x48xi32>
    %eq3A_431 = arith.cmpi eq, %select_n3A_428, %eq3A_430 : vector<16x48xi32>
    %convert_element_type3A_432 = arith.extui %eq3A_431 : vector<16x48xi1> to vector<16x48xi32>
    %convert_element_type3A_433 = arith.sitofp %convert_element_type3A_432 : vector<16x48xi32> to vector<16x48xf32>
    %mul3A_434 = arith.mulf %convert_element_type3A_85, %convert_element_type3A_433 : vector<16x48xf32>
    %dot_general3A_435 = arith.constant dense<0.000000e+00> : vector<256x16xf32>
    %dot_general3A_436 = tpu.matmul %slice3A_263, %mul3A_406, %dot_general3A_435 {dimension_numbers = #tpu.dot_dimension_numbers<[1], [0], [0], [1], [0, 0, 1, 1], [], []>, transpose_lhs_hint = false} : vector<256x48xf32>, vector<48x16xf32>, vector<256x16xf32> -> vector<256x16xf32>
    %slice3A_437 = vector.extract_strided_slice %add3A_256 {offsets = [0, 1280], sizes = [256, 256], strides = [1, 1]} : vector<256x1536xf32> to vector<256x256xf32>
    %dot_general3A_438 = arith.constant dense<0.000000e+00> : vector<256x256xf32>
    %dot_general3A_439 = tpu.matmul %dot_general3A_436, %convert_element_type3A_24, %dot_general3A_438 {dimension_numbers = #tpu.dot_dimension_numbers<[1], [0], [0], [1], [0, 0, 1, 1], [], []>, transpose_lhs_hint = false} : vector<256x16xf32>, vector<16x256xf32>, vector<256x256xf32> -> vector<256x256xf32>
    %mul3A_440 = arith.mulf %dot_general3A_439, %slice3A_437 : vector<256x256xf32>
    %dot_general3A_441 = arith.constant dense<0.000000e+00> : vector<256x16xf32>
    %dot_general3A_442 = tpu.matmul %mul3A_440, %convert_element_type3A_49, %dot_general3A_441 {dimension_numbers = #tpu.dot_dimension_numbers<[1], [0], [0], [1], [0, 0, 1, 1], [], []>, transpose_lhs_hint = false} : vector<256x256xf32>, vector<256x16xf32>, vector<256x16xf32> -> vector<256x16xf32>
    %dot_general3A_443 = arith.constant dense<0.000000e+00> : vector<256x48xf32>
    %dot_general3A_444 = tpu.matmul %dot_general3A_442, %mul3A_434, %dot_general3A_443 {dimension_numbers = #tpu.dot_dimension_numbers<[1], [0], [0], [1], [0, 0, 1, 1], [], []>, transpose_lhs_hint = false} : vector<256x16xf32>, vector<16x48xf32>, vector<256x48xf32> -> vector<256x48xf32>
    %add3A_445 = arith.addf %add3A_378, %dot_general3A_444 : vector<256x48xf32>
    %jit3A_446 = arith.constant 3 : i32
    %eq3A_447 = arith.constant 0 : i32
    %eq3A_448 = arith.cmpi eq, %jit3A_446, %eq3A_447 : i32
    %jit3A_449 = arith.constant 1 : i32
    %select_n3A_450 = arith.select %eq3A_448, %jit3A_449, %jit3A_446 : i32
    %rem3A_451 = vector.broadcast %select_n3A_450 : i32 to vector<48x16xi32>
    %rem3A_452 = arith.remsi %iota3A_308, %rem3A_451 : vector<48x16xi32>
    %ne3A_453 = arith.constant 0 : i32
    %ne3A_454 = vector.broadcast %ne3A_453 : i32 to vector<48x16xi32>
    %ne3A_455 = arith.cmpi ne, %rem3A_452, %ne3A_454 : vector<48x16xi32>
    %lt3A_456 = arith.constant 0 : i32
    %lt3A_457 = vector.broadcast %lt3A_456 : i32 to vector<48x16xi32>
    %lt3A_458 = arith.cmpi slt, %rem3A_452, %lt3A_457 : vector<48x16xi32>
    %lt3A_459 = arith.constant 0 : i32
    %lt3A_460 = arith.cmpi slt, %select_n3A_450, %lt3A_459 : i32
    %ne3A_461 = vector.broadcast %lt3A_460 : i1 to vector<48x16xi1>
    %ne3A_462 = vector.broadcast %ne3A_461 : vector<48x16xi1> to vector<48x16xi1>
    %ne3A_463 = arith.xori %lt3A_458, %ne3A_462 : vector<48x16xi1>
    %and3A_464 = arith.andi %ne3A_463, %ne3A_455 : vector<48x16xi1>
    %add3A_465 = vector.broadcast %select_n3A_450 : i32 to vector<48x16xi32>
    %add3A_466 = arith.addi %rem3A_452, %add3A_465 : vector<48x16xi32>
    %select_n3A_467 = arith.select %and3A_464, %add3A_466, %rem3A_452 : vector<48x16xi1>, vector<48x16xi32>
    %eq3A_468 = arith.constant 2 : i32
    %eq3A_469 = vector.broadcast %eq3A_468 : i32 to vector<48x16xi32>
    %eq3A_470 = arith.cmpi eq, %select_n3A_467, %eq3A_469 : vector<48x16xi32>
    %convert_element_type3A_471 = arith.extui %eq3A_470 : vector<48x16xi1> to vector<48x16xi32>
    %convert_element_type3A_472 = arith.sitofp %convert_element_type3A_471 : vector<48x16xi32> to vector<48x16xf32>
    %mul3A_473 = arith.mulf %convert_element_type3A_171, %convert_element_type3A_472 : vector<48x16xf32>
    %jit3A_474 = arith.constant 3 : i32
    %eq3A_475 = arith.constant 0 : i32
    %eq3A_476 = arith.cmpi eq, %jit3A_474, %eq3A_475 : i32
    %jit3A_477 = arith.constant 1 : i32
    %select_n3A_478 = arith.select %eq3A_476, %jit3A_477, %jit3A_474 : i32
    %rem3A_479 = vector.broadcast %select_n3A_478 : i32 to vector<16x48xi32>
    %rem3A_480 = arith.remsi %iota3A_309, %rem3A_479 : vector<16x48xi32>
    %ne3A_481 = arith.constant 0 : i32
    %ne3A_482 = vector.broadcast %ne3A_481 : i32 to vector<16x48xi32>
    %ne3A_483 = arith.cmpi ne, %rem3A_480, %ne3A_482 : vector<16x48xi32>
    %lt3A_484 = arith.constant 0 : i32
    %lt3A_485 = vector.broadcast %lt3A_484 : i32 to vector<16x48xi32>
    %lt3A_486 = arith.cmpi slt, %rem3A_480, %lt3A_485 : vector<16x48xi32>
    %lt3A_487 = arith.constant 0 : i32
    %lt3A_488 = arith.cmpi slt, %select_n3A_478, %lt3A_487 : i32
    %ne3A_489 = vector.broadcast %lt3A_488 : i1 to vector<16x48xi1>
    %ne3A_490 = vector.broadcast %ne3A_489 : vector<16x48xi1> to vector<16x48xi1>
    %ne3A_491 = arith.xori %lt3A_486, %ne3A_490 : vector<16x48xi1>
    %and3A_492 = arith.andi %ne3A_491, %ne3A_483 : vector<16x48xi1>
    %add3A_493 = vector.broadcast %select_n3A_478 : i32 to vector<16x48xi32>
    %add3A_494 = arith.addi %rem3A_480, %add3A_493 : vector<16x48xi32>
    %select_n3A_495 = arith.select %and3A_492, %add3A_494, %rem3A_480 : vector<16x48xi1>, vector<16x48xi32>
    %eq3A_496 = arith.constant 2 : i32
    %eq3A_497 = vector.broadcast %eq3A_496 : i32 to vector<16x48xi32>
    %eq3A_498 = arith.cmpi eq, %select_n3A_495, %eq3A_497 : vector<16x48xi32>
    %convert_element_type3A_499 = arith.extui %eq3A_498 : vector<16x48xi1> to vector<16x48xi32>
    %convert_element_type3A_500 = arith.sitofp %convert_element_type3A_499 : vector<16x48xi32> to vector<16x48xf32>
    %mul3A_501 = arith.mulf %convert_element_type3A_85, %convert_element_type3A_500 : vector<16x48xf32>
    %dot_general3A_502 = arith.constant dense<0.000000e+00> : vector<256x16xf32>
    %dot_general3A_503 = tpu.matmul %slice3A_263, %mul3A_473, %dot_general3A_502 {dimension_numbers = #tpu.dot_dimension_numbers<[1], [0], [0], [1], [0, 0, 1, 1], [], []>, transpose_lhs_hint = false} : vector<256x48xf32>, vector<48x16xf32>, vector<256x16xf32> -> vector<256x16xf32>
    %slice3A_504 = vector.extract_strided_slice %add3A_256 {offsets = [0, 1280], sizes = [256, 256], strides = [1, 1]} : vector<256x1536xf32> to vector<256x256xf32>
    %dot_general3A_505 = arith.constant dense<0.000000e+00> : vector<256x256xf32>
    %dot_general3A_506 = tpu.matmul %dot_general3A_503, %convert_element_type3A_24, %dot_general3A_505 {dimension_numbers = #tpu.dot_dimension_numbers<[1], [0], [0], [1], [0, 0, 1, 1], [], []>, transpose_lhs_hint = false} : vector<256x16xf32>, vector<16x256xf32>, vector<256x256xf32> -> vector<256x256xf32>
    %mul3A_507 = arith.mulf %dot_general3A_506, %slice3A_504 : vector<256x256xf32>
    %dot_general3A_508 = arith.constant dense<0.000000e+00> : vector<256x16xf32>
    %dot_general3A_509 = tpu.matmul %mul3A_507, %convert_element_type3A_49, %dot_general3A_508 {dimension_numbers = #tpu.dot_dimension_numbers<[1], [0], [0], [1], [0, 0, 1, 1], [], []>, transpose_lhs_hint = false} : vector<256x256xf32>, vector<256x16xf32>, vector<256x16xf32> -> vector<256x16xf32>
    %dot_general3A_510 = arith.constant dense<0.000000e+00> : vector<256x48xf32>
    %dot_general3A_511 = tpu.matmul %dot_general3A_509, %mul3A_501, %dot_general3A_510 {dimension_numbers = #tpu.dot_dimension_numbers<[1], [0], [0], [1], [0, 0, 1, 1], [], []>, transpose_lhs_hint = false} : vector<256x16xf32>, vector<16x48xf32>, vector<256x48xf32> -> vector<256x48xf32>
    %add3A_512 = arith.addf %add3A_445, %dot_general3A_511 : vector<256x48xf32>
    %add3A_513 = arith.addf %mul3A_307, %add3A_512 : vector<256x48xf32>
    %mul3A_514 = arith.constant 0.176776692 : f32
    %mul3A_515 = vector.broadcast %mul3A_514 : f32 to vector<256x48xf32>
    %mul3A_516 = arith.mulf %mul3A_515, %add3A_513 : vector<256x48xf32>
    %mul3A_517 = arith.constant 256 : i32
    %mul3A_518 = arith.muli %arg0, %mul3A_517 : i32
    %iota3A_519 = tpu.iota {dimensions = array<i32: 0>} : vector<256x1xi32>
    %add3A_520 = vector.broadcast %mul3A_518 : i32 to vector<256x1xi32>
    %add3A_521 = arith.addi %add3A_520, %iota3A_519 : vector<256x1xi32>
    %lt3A_522 = arith.constant 160000 : i32
    %lt3A_523 = vector.broadcast %lt3A_522 : i32 to vector<256x1xi32>
    %lt3A_524 = arith.cmpi slt, %add3A_521, %lt3A_523 : vector<256x1xi32>
    %convert_element_type3A_525 = arith.extui %lt3A_524 : vector<256x1xi1> to vector<256x1xi32>
    %convert_element_type3A_526 = arith.sitofp %convert_element_type3A_525 : vector<256x1xi32> to vector<256x1xf32>
    %concatenate3A = tpu.concatenate %mul3A_282, %mul3A_298, %mul3A_516 in 1 : vector<256x16xf32>, vector<256x16xf32>, vector<256x48xf32> -> vector<256x80xf32>
    %mul3A_527 = vector.broadcast %convert_element_type3A_526 : vector<256x1xf32> to vector<256x80xf32>
    %mul3A_528 = arith.mulf %concatenate3A, %mul3A_527 : vector<256x80xf32>
    %swap3A = arith.constant 0 : index
    %swap3A_529 = arith.constant 0 : index
    %swap3A_530 = vector.load %arg7[%swap3A, %swap3A_529] : memref<256x80xf32, #tpu.memory_space<vmem>>, vector<256x80xf32>
    tpu.vector_store %arg7[%swap3A, %swap3A_529], %mul3A_528 {strides = array<i32>} : memref<256x80xf32, #tpu.memory_space<vmem>>, vector<256x80xf32>,
    return
  }
  func.func @transform_0(%arg0: i32) -> (i32, i32) {
    %c0_i32 = arith.constant 0 : i32
    %c0_i32_0 = arith.constant 0 : i32
    return %arg0, %c0_i32 : i32, i32
  }
  func.func @transform_1(%arg0: i32) -> (i32, i32) {
    %c0_i32 = arith.constant 0 : i32
    %c0_i32_0 = arith.constant 0 : i32
    return %arg0, %c0_i32 : i32, i32
  }
  func.func @transform_2(%arg0: i32) -> (i32, i32) {
    %c0_i32 = arith.constant 0 : i32
    %c0_i32_0 = arith.constant 0 : i32
    %c0_i32_1 = arith.constant 0 : i32
    return %c0_i32, %c0_i32_0 : i32, i32
  }
  func.func @transform_3(%arg0: i32) -> (i32, i32) {
    %c0_i32 = arith.constant 0 : i32
    %c0_i32_0 = arith.constant 0 : i32
    %c0_i32_1 = arith.constant 0 : i32
    return %c0_i32, %c0_i32_0 : i32, i32
  }
  func.func @transform_4(%arg0: i32) -> (i32, i32) {
    %c0_i32 = arith.constant 0 : i32
    %c0_i32_0 = arith.constant 0 : i32
    %c0_i32_1 = arith.constant 0 : i32
    return %c0_i32, %c0_i32_0 : i32, i32
  }
  func.func @transform_5(%arg0: i32) -> (i32, i32) {
    %c0_i32 = arith.constant 0 : i32
    %c0_i32_0 = arith.constant 0 : i32
    %c0_i32_1 = arith.constant 0 : i32
    return %c0_i32, %c0_i32_0 : i32, i32
  }
  func.func @transform_6(%arg0: i32) -> (i32, i32) {
    %c0_i32 = arith.constant 0 : i32
    %c0_i32_0 = arith.constant 0 : i32
    return %arg0, %c0_i32 : i32, i32
  }
}

module attributes {stable_mosaic.version = 14 : i64} {
  func.func @_readout_body(%arg0: memref<10000x64xf32, #tpu.memory_space<vmem>>, %arg1: memref<1x10000xi32, #tpu.memory_space<vmem>>, %arg2: memref<16x16xf32, #tpu.memory_space<vmem>>, %arg3: memref<1x16xf32, #tpu.memory_space<vmem>>, %arg4: memref<16x1xf32, #tpu.memory_space<vmem>>, %arg5: memref<1x1xf32, #tpu.memory_space<vmem>>, %arg6: memref<64x1xf32, #tpu.memory_space<vmem>>) attributes {dimension_semantics = [], scalar_prefetch = 0 : i64, scratch_operands = 0 : i64, tpu.core_type = #tpu.core_type<tc>} {
    %get3A = arith.constant 0 : index
    %get3A_0 = arith.constant 0 : index
    %get3A_1 = vector.load %arg1[%get3A, %get3A_0] : memref<1x10000xi32, #tpu.memory_space<vmem>>, vector<1x10000xi32>
    %iota3A = tpu.iota {dimensions = array<i32: 0>} : vector<64x1xi32>
    %eq3A = vector.broadcast %get3A_1 : vector<1x10000xi32> to vector<64x10000xi32>
    %eq3A_2 = vector.broadcast %iota3A : vector<64x1xi32> to vector<64x10000xi32>
    %eq3A_3 = arith.cmpi eq, %eq3A, %eq3A_2 : vector<64x10000xi32>
    %convert_element_type3A = arith.extui %eq3A_3 : vector<64x10000xi1> to vector<64x10000xi32>
    %convert_element_type3A_4 = arith.sitofp %convert_element_type3A : vector<64x10000xi32> to vector<64x10000xf32>
    %get3A_5 = arith.constant 0 : index
    %get3A_6 = arith.constant 0 : index
    %get3A_7 = vector.load %arg0[%get3A_5, %get3A_6] : memref<10000x64xf32, #tpu.memory_space<vmem>>, vector<10000x64xf32>
    %slice3A = vector.extract_strided_slice %get3A_7 {offsets = [0, 0], sizes = [10000, 16], strides = [1, 1]} : vector<10000x64xf32> to vector<10000x16xf32>
    %dot_general3A = arith.constant dense<0.000000e+00> : vector<64x16xf32>
    %dot_general3A_8 = tpu.matmul %convert_element_type3A_4, %slice3A, %dot_general3A {dimension_numbers = #tpu.dot_dimension_numbers<[1], [0], [0], [1], [0, 0, 1, 1], [], []>, transpose_lhs_hint = false} : vector<64x10000xf32>, vector<10000x16xf32>, vector<64x16xf32> -> vector<64x16xf32>
    %get3A_9 = arith.constant 0 : index
    %get3A_10 = arith.constant 0 : index
    %get3A_11 = vector.load %arg2[%get3A_9, %get3A_10] : memref<16x16xf32, #tpu.memory_space<vmem>>, vector<16x16xf32>
    %dot_general3A_12 = arith.constant dense<0.000000e+00> : vector<64x16xf32>
    %dot_general3A_13 = tpu.matmul %dot_general3A_8, %get3A_11, %dot_general3A_12 {dimension_numbers = #tpu.dot_dimension_numbers<[1], [0], [0], [1], [0, 0, 1, 1], [], []>, transpose_lhs_hint = false} : vector<64x16xf32>, vector<16x16xf32>, vector<64x16xf32> -> vector<64x16xf32>
    %get3A_14 = arith.constant 0 : index
    %get3A_15 = arith.constant 0 : index
    %get3A_16 = vector.load %arg3[%get3A_14, %get3A_15] : memref<1x16xf32, #tpu.memory_space<vmem>>, vector<1x16xf32>
    %add3A = vector.broadcast %get3A_16 : vector<1x16xf32> to vector<64x16xf32>
    %add3A_17 = arith.addf %dot_general3A_13, %add3A : vector<64x16xf32>
    %max3A = arith.constant 0.000000e+00 : f32
    %max3A_18 = vector.broadcast %max3A : f32 to vector<64x16xf32>
    %max3A_19 = arith.maximumf %add3A_17, %max3A_18 : vector<64x16xf32>
    %get3A_20 = arith.constant 0 : index
    %get3A_21 = arith.constant 0 : index
    %get3A_22 = vector.load %arg4[%get3A_20, %get3A_21] : memref<16x1xf32, #tpu.memory_space<vmem>>, vector<16x1xf32>
    %dot_general3A_23 = arith.constant dense<0.000000e+00> : vector<64x1xf32>
    %dot_general3A_24 = tpu.matmul %max3A_19, %get3A_22, %dot_general3A_23 {dimension_numbers = #tpu.dot_dimension_numbers<[1], [0], [0], [1], [0, 0, 1, 1], [], []>, transpose_lhs_hint = false} : vector<64x16xf32>, vector<16x1xf32>, vector<64x1xf32> -> vector<64x1xf32>
    %get3A_25 = arith.constant 0 : index
    %get3A_26 = arith.constant 0 : index
    %get3A_27 = vector.load %arg5[%get3A_25, %get3A_26] : memref<1x1xf32, #tpu.memory_space<vmem>>, vector<1x1xf32>
    %add3A_28 = vector.broadcast %get3A_27 : vector<1x1xf32> to vector<64x1xf32>
    %add3A_29 = arith.addf %dot_general3A_24, %add3A_28 : vector<64x1xf32>
    %swap3A = arith.constant 0 : index
    %swap3A_30 = arith.constant 0 : index
    %swap3A_31 = vector.load %arg6[%swap3A, %swap3A_30] : memref<64x1xf32, #tpu.memory_space<vmem>>, vector<64x1xf32>
    tpu.vector_store %arg6[%swap3A, %swap3A_30], %add3A_29 {strides = array<i32>} : memref<64x1xf32, #tpu.memory_space<vmem>>, vector<64x1xf32>,
    return
  }
}

</mosaic_0001>

<sc_bundles>
// kernel: kernel.13.cloned.1.call-start
scs
__scs_entry_jumppad:
0x0: {  	(pc) =	sbr.rel $0x88, $3  }
0x1: {  	(tag) =	ssettag $0x0;
	lr =	simm.s32 $0x1  }
0x2: {  	[smem:$0x3F90] =	sst lr;
	_ =	strace $0xD0000000  }
0x3: {  	_ = 	snop  }
0x4: {  	_ = 	snop  }
0x5: {  	_ = 	snop  }
0x6: {  	_ = 	snop  }
0x7: {  	_ = 	snop  }
__scs_overlays_trampoline_lowered:
0x8: {  	[smem:$0x3F9F] =	sst s0  }
0x9: {  	[smem:$0x3FA0] =	sst s1  }
0xa: {  	[smem:$0x3FA1] =	sst s2  }
0xb: {  	[smem:$0x3FA2] =	sst s3  }
0xc: {  	[smem:$0x3FA3] =	sst s4  }
0xd: {  	[smem:$0x3FA4] =	sst s5  }
0xe: {  	[smem:$0x3FA5] =	sst s6  }
0xf: {  	[smem:$0x3FA6] =	sst s7  }
0x10: {  	[smem:$0x3FA7] =	sst s8  }
0x11: {  	[smem:$0x3FA8] =	sst s9;
	s0 =	simm.s32 @!p0 $0x0  }
0x12: {  	s1 =	sld [smem:$0x3F8E];
	s0 =	simm.s32 @p0 $0x1  }
0x13: {  	[smem:$0x3FA9] =	sst s0;
	s0 =	simm.s32 @!p1 $0x0  }
0x14: {  	s2 =	sld [smem:$0x3F8D];
	s0 =	simm.s32 @p1 $0x1  }
0x15: {  	[smem:$0x3FAA] =	sst s0;
	s0 =	simm.s32 @!p2 $0x0  }
0x16: {  	s3 =	sld [smem:$0x3FDB];
	s0 =	simm.s32 @p2 $0x1  }
0x17: {  	s4 =	simm.s32 $0x1BF5;
	[smem:$0x3FAC] =	sst s0  }
0x18: {  	s0 =	sld [smem:$0x3F8F];
	_ =	swait.ge [sflag:s4], $0x0  }
0x19: {  	s7 =	sld [smem:$0x3F90]  }
0x1a: {  	s8 =	sadd.s32 $0xFFFFE003, lr  }
0x1b: {  	s9 =	sadd.s32 $0xFFFFFEF7, lr;
	s5 =	simm.s32 $0xFFFFFFFF;
	p2 =	slt.u32 s8, $0xFFFFF086  }
0x1c: {  	p1 =	slt.u32 s9, $0xF7A;
	s5 =	simm.s32 @!p2 $0x0  }
0x1d: {  	s5 =	simm.s32 @p1 $0x1;
	p0 =	seq.s32 s7, s2  }
0x1e: {  	s7 =	smul.u32 @!p0 $0xF7A, s2;
	p2 =	seq.s32 @!p0 s5, $0x0  }
0x1f: {  	s9 =	smul.u32 $0xF7A, s1;
	s8 =	simm.s32 @!p0 $0x1BF5;
	p2 =	por !p2, p0  }
0x20: {  	[sflag:s8] =	ssyncset.s32 @!p0 $0xFFFFF086;
	s6 =	sadd.s32 @!p0 s3, s7;
	s7 =	simm.s32 @!p0 $0x108  }
0x21: {  	s3 =	sadd.s32 s3, s9;
	s6 =	sadd.s32 @!p0 $0x88, s6;
	s7 =	simm.s32 @p2 $0x1082  }
0x22: {  	[simem:s7], [sflag:s8] =	dma.local @!p0 [hbm:s6], $0xF7A  }
0x23: {  	s9 =	sor.u32 $0xD0000000, s2;
	s6 =	simm.s32 $0x108;
	_ =	swait.ge @!p0 [sflag:s8], $0x0  }
0x24: {  	s3 =	sadd.s32 $0x88, s3;
	s6 =	simm.s32 @!p1 $0x1082;
	[sflag:s4] =	ssyncset.s32 $0xFFFFF086  }
0x25: {  	[simem:s6], [sflag:s4] =	dma.local [hbm:s3], $0xF7A  }
0x26: {  	[smem:$0x3F90] =	sst s1;
	(tag) =	ssettag s2;
	_ =	strace s9  }
0x27: {  	s1 =	sld [smem:$0x3FA0]  }
0x28: {  	s2 =	sld [smem:$0x3FA1]  }
0x29: {  	s4 =	sld [smem:$0x3FA3]  }
0x2a: {  	p0 =	seq.s32 s5, $0x0;
	s5 =	sld [smem:$0x3FA4]  }
0x2b: {  	s6 =	sld [smem:$0x3FA5]  }
0x2c: {  	s7 =	sld [smem:$0x3FA6]  }
0x2d: {  	s3 =	simm.s32 $0x108;
	s8 =	sld [smem:$0x3FA7]  }
0x2e: {  	s3 =	simm.s32 @!p0 $0x1082;
	s9 =	sld [smem:$0x3FA8]  }
0x2f: {  	lr =	sadd.s32 s0, s3;
	s0 =	sld [smem:$0x3F9F]  }
0x30: {  	s3 =	sld [smem:$0x3FA2]  }
0x31: {  	[smem:$0x3FAB] =	sst s10  }
0x32: {  	s10 =	sld [smem:$0x3FA9];
	_ =	sdelay $0x3  }
0x33: {  	p0 =	seq.s32 s10, $0x1;
	s10 =	sld [smem:$0x3FAB];
	_ =	sdelay $0x3  }
0x34: {  	[smem:$0x3FAB] =	sst s10  }
0x35: {  	s10 =	sld [smem:$0x3FAA];
	_ =	sdelay $0x3  }
0x36: {  	p1 =	seq.s32 s10, $0x1;
	s10 =	sld [smem:$0x3FAB];
	_ =	sdelay $0x3  }
0x37: {  	[smem:$0x3FAB] =	sst s10  }
0x38: {  	s10 =	sld [smem:$0x3FAC]  }
0x39: {  	_ = 	snop;
	(pc) =	sbr.ind lr, $3  }
0x3a: {  	_ = 	snop  }
0x3b: {  	_ = 	snop  }
0x3c: {  	p2 =	seq.s32 s10, $0x1;
	s10 =	sld [smem:$0x3FAB]  }
0x3d: {  	_ =	shalt  }
0x3e: {  	_ =	shalt  }
0x3f: {  	_ =	shalt  }
0x40: {  	_ =	shalt  }
0x41: {  	_ =	shalt  }
0x42: {  	_ =	shalt  }
0x43: {  	_ =	shalt  }
0x44: {  	_ =	shalt  }
0x45: {  	_ =	shalt  }
0x46: {  	_ =	shalt  }
0x47: {  	_ =	shalt  }
0x48: {  	_ =	shalt  }
0x49: {  	_ =	shalt  }
0x4a: {  	_ =	shalt  }
0x4b: {  	_ =	shalt  }
0x4c: {  	_ =	shalt  }
0x4d: {  	_ =	shalt  }
0x4e: {  	_ =	shalt  }
0x4f: {  	_ =	shalt  }
0x50: {  	_ =	shalt  }
0x51: {  	_ =	shalt  }
0x52: {  	_ =	shalt  }
0x53: {  	_ =	shalt  }
0x54: {  	_ =	shalt  }
0x55: {  	_ =	shalt  }
0x56: {  	_ =	shalt  }
0x57: {  	_ =	shalt  }
0x58: {  	_ =	shalt  }
0x59: {  	_ =	shalt  }
0x5a: {  	_ =	shalt  }
0x5b: {  	_ =	shalt  }
0x5c: {  	_ =	shalt  }
0x5d: {  	_ =	shalt  }
0x5e: {  	_ =	shalt  }
0x5f: {  	_ =	shalt  }
0x60: {  	_ =	shalt  }
0x61: {  	_ =	shalt  }
0x62: {  	_ =	shalt  }
0x63: {  	_ =	shalt  }
0x64: {  	_ =	shalt  }
0x65: {  	_ =	shalt  }
0x66: {  	_ =	shalt  }
0x67: {  	_ =	shalt  }
0x68: {  	_ =	shalt  }
0x69: {  	_ =	shalt  }
0x6a: {  	_ =	shalt  }
0x6b: {  	_ =	shalt  }
0x6c: {  	_ =	shalt  }
0x6d: {  	_ =	shalt  }
0x6e: {  	_ =	shalt  }
0x6f: {  	_ =	shalt  }
0x70: {  	_ =	shalt  }
0x71: {  	_ =	shalt  }
0x72: {  	_ =	shalt  }
0x73: {  	_ =	shalt  }
0x74: {  	_ =	shalt  }
0x75: {  	_ =	shalt  }
0x76: {  	_ =	shalt  }
0x77: {  	_ =	shalt  }
0x78: {  	_ =	shalt  }
0x79: {  	_ =	shalt  }
0x7a: {  	_ =	shalt  }
0x7b: {  	_ =	shalt  }
0x7c: {  	_ =	shalt  }
0x7d: {  	_ =	shalt  }
0x7e: {  	_ =	shalt  }
0x7f: {  	_ =	shalt  }
0x80: {  	_ =	shalt  }
0x81: {  	_ =	shalt  }
0x82: {  	_ =	shalt  }
0x83: {  	_ =	shalt  }
0x84: {  	_ =	shalt  }
0x85: {  	_ =	shalt  }
0x86: {  	_ =	shalt  }
0x87: {  	_ =	shalt  }
.Lfunc_end0:
.L_simem_size_0:
called_computation_lowered:
.L_overlay_start_0:
0x88: {  	s2 =	sld [smem:$0x3FD9]  }
0x89: {  	s3 =	sld [smem:$0x3FFE];
	_ =	sdelay $0x1  }
0x8a: {  	s1 =	srdreg.scid  }
0x8b: {  	s0 =	sand.u32 $0x1, s1  }
0x8c: {  	s16 =	sshll.u32 s0, $0xA;
	s2 =	sadd.s32 s3, s2  }
0x8d: {  	s2 =	sadd.s32 s2, s16  }
0x8e: {  	[smem:$0x3FB7] =	sst s2  }
0x8f: {  	_ = 	snop  }
0x90: {  	(tm) =	ssettm $0x1  }
0x91: {  	s17 =	sld [smem:$0x3FFB];
	_ =	sdelay $0x3  }
0x92: {  	_ =	strace s17  }
0x93: {  	s2 =	sld [smem:$0x3FFC];
	_ =	sdelay $0x3  }
0x94: {  	_ =	strace s2  }
0x95: {  	s2 =	sld [smem:$0x3FFD];
	_ =	sdelay $0x3  }
0x96: {  	_ =	strace s2  }
0x97: {  	_ =	strace $0x8FFFFFFF  }
0x98: {  	s18 =	sld [smem:$0x3FDB];
	_ =	sdelay $0x1  }
0x99: {  	s19 =	simm.s32 $_scs_section_size  }
0x9a: {  	s4 =	simm.s32 $_size__tile_overlayer_lowered;
	s5 =	simm.s32 $_tile_overlayer_lowered  }
0x9b: {  	s22 =	simm.s32 $0x1BFF;
	s21 =	sshll.u32 s5, $0x1;
	s2 =	sadd.s32 s19, s18  }
0x9c: {  	s6 =	simm.s32 $0x0;
	s20 =	sshll.u32 s4, $0x1;
	s4 =	sadd.s32 s21, s2  }
0x9d: {  	[timem:s6], [sflag:s22] =	dma.local [hbm:s4], s20  }
0x9e: {  	_ =	swait.ge [sflag:s22], s20  }
0x9f: {  	s3 =	ssub.s32 $0x0, s20;
	[sflag:s22] =	ssyncset.done $0x0  }
0xa0: {  	[sflag:s22] =	ssyncadd.s32 s3;
	_ =	sdelay $0x1  }
0xa1: {  	s23 =	simm.s32 $0x1B8B  }
0xa2: {  	_ =	swait.ge [sflag:s23], $0x1  }
0xa3: {  	[sflag:s23] =	ssyncset.done $0x0  }
0xa4: {  	s25 =	simm.s32 $0x1B8E;
	s24 =	sld [smem:$0x3FFE];
	[sflag:s23] =	ssyncadd.s32 $0xFFFFFFFF  }
0xa5: {  	s26 =	simm.s32 $execute0_lowered;
	[smem:$0x3FD2] =	sst s25  }
0xa6: {  	s4 =	sshll.u32 s26, $0x1;
	_ =	strace $0x80000046;
	[dreg:$0x1] =	wrdreg $0xFFFFFFFF  }
0xa7: {  	s28 =	simm.s32 $_size_execute0_lowered;
	s2 =	sadd.s32 s2, s4;
	[dreg:$0x0] =	wrdreg $0x0  }
0xa8: {  	s4 =	sshll.u32 s28, $0x1;
	[dreg:$0x2] =	wrdreg s2  }
0xa9: {  	[dreg:$0x3] =	wrdreg s4  }
0xaa: {  	[dreg:$0x4] =	wrdreg $0xC0  }
0xab: {  	_ =	task [dreg:s6], $0x5FFFF  }
0xac: {  	[dreg:$0x1] =	wrdreg $0xFFFFFFFF  }
0xad: {  	[dreg:$0x0] =	wrdreg $0x60  }
0xae: {  	[dreg:$0x2] =	wrdreg s24  }
0xaf: {  	[dreg:$0x3] =	wrdreg $0xA  }
0xb0: {  	_ =	task.clear_ibuf [dreg:s6], $0x4FFFF;
	_ =	strace $0x90000046  }
0xb1: {  	s29 =	simm.s32 $0xA;
	_ =	strace $0x80000048  }
0xb2: {  	_ =	swait.ge [sflag:s29], $0x1  }
0xb3: {  	[sflag:s29] =	ssyncadd.s32 $0xFFFFFFFF  }
0xb4: {  	_ =	strace $0x90000048  }
0xb5: {  	_ =	sfence  }
0xb6: {  	s30 =	sld [smem:$0x0];
	_ =	sdelay $0x2  }
0xb7: {  	s31 =	sshll.u32 s1, $0xD;
	s1 =	sshrl.u32 s1, $0x2  }
0xb8: {  	s3 =	sand.u32 $0x4000, s31;
	s1 =	sadd.s32 s1, s30  }
0xb9: {  	s0 =	sor.u32 s3, s0;
	s1 =	sshll.u32 s1, $0x11  }
0xba: {  	s0 =	sor.u32 s1, s0  }
0xbb: {  	s0 =	sadd.s32 $0x8F2B, s0  }
0xbc: {  	[sflag:s0] =	ssyncadd.remote.s32 $0x1  }
0xbd: {  	_ =	sfence.sel $0xFFFF  }
0xbe: {  	[dreg:$0x0] =	wrdreg $0xFFFFFFFF;
	(pc) =	sbr.abs _section_cstart, $3  }
0xbf: {  	[dreg:$0x1] =	wrdreg $0xFFFFFFFF  }
0xc0: {  	_ =	task.clear_ibuf [dreg:s6], $0x2FFFF;
	_ =	strace $0x9FFFFFFF  }
0xc1: {  	(tm) =	ssettm $0x7FFFFFFF  }
tec
execute0_lowered:
.L_overlay_start_1:
0x0: {  	(tag) =	ssettag $0x1  }
0x1: {  	s1 =	srdreg.scid;
	s0 =	stileid.u32  }
0x2: {  	s15 =	sand.u32 $0x1, s1;
	s31 =	sshll.u32 s0, $0x1  }
0x3: {  	s6 =	sor.u32 s15, s31  }
0x4: {  	s9 =	rddreg [dreg:$0x0];
	s3 =	smul.u32 $0x28, s6  }
0x5: {  	s2 =	simm.s32 $0x0;
	s1 =	rddreg [dreg:$0x1]  }
0x6: {  	[smem:$0x7FF] =	sst s2;
	s3 =	sadd.s32 s3, s9  }
0x7: {  	_ =	strace $0x80000047;
	s4 =	sadd.s32 $0x4E00, s3;
	s3 =	simm.s32 $0x2  }
0x8: {  	[tilespmem:s2], [sflag:$0x2] =	stream.linear.gather [hbm4b:s4+s2], $0x140, $0x38;
	[tilespmem:$0x540] =	vst v63  }
0x9: {  	s7 =	simm.s32 $0x140;
	_ =	swait.ge [sflag:s3], $0x140  }
0xa: {  	s8 =	simm.s32 $0x1;
	s5 =	sadd.s32 $0x4C00, s9;
	[sflag:s3] =	ssyncset.done $0x0  }
0xb: {  	s10 =	smul.u32 $0x280, s6;
	s6 =	simm.s32 $0x40;
	[sflag:s3] =	ssyncadd.s32 $0xFFFFFEC0  }
0xc: {  	[tilespmem:s7], [sflag:$0x1] =	stream.indirect.gather [hbm4b:s5+s6], $0x10, s2, s6, $0xb8;
	[tilespmem:$0x540] =	vst v63  }
0xd: {  	_ =	swait.ge [sflag:s8], $0x400  }
0xe: {  	s16 =	sadd.s32 s10, s9;
	[sflag:s8] =	ssyncset.done $0x0  }
0xf: {  	s9 =	sadd.s32 $0x5400, s16;
	[sflag:s8] =	ssyncadd.s32 $0xFFFFFC00  }
0x10: {  	[hbm4b:s9+s2] =	stream.linear.scatter [tilespmem:s7], [sflag:$0x2], $0x400, $0x38;
	[tilespmem:$0x540] =	vst v63  }
0x11: {  	_ =	swait.ge [sflag:s3], $0x400  }
0x12: {  	[sflag:s3] =	ssyncset.done $0x0  }
0x13: {  	[sflag:s3] =	ssyncadd.s32 $0xFFFFFC00  }
0x14: {  	[tilespmem:s7], [sflag:$0x1] =	stream.indirect.gather [hbm4b:s5+s6], $0x10, s6, s6, $0xb8;
	[tilespmem:$0x540] =	vst v63  }
0x15: {  	_ =	swait.ge [sflag:s8], $0x400  }
0x16: {  	[sflag:s8] =	ssyncset.done $0x0  }
0x17: {  	s10 =	sadd.s32 $0x5480, s16;
	[sflag:s8] =	ssyncadd.s32 $0xFFFFFC00  }
0x18: {  	[hbm4b:s10+s2] =	stream.linear.scatter [tilespmem:s7], [sflag:$0x2], $0x400, $0x38;
	[tilespmem:$0x540] =	vst v63  }
0x19: {  	_ =	swait.ge [sflag:s3], $0x400  }
0x1a: {  	[sflag:s3] =	ssyncset.done $0x0  }
0x1b: {  	s11 =	simm.s32 $0x80;
	[sflag:s3] =	ssyncadd.s32 $0xFFFFFC00  }
0x1c: {  	[tilespmem:s7], [sflag:$0x1] =	stream.indirect.gather [hbm4b:s5+s6], $0x10, s11, s6, $0xb8;
	[tilespmem:$0x540] =	vst v63  }
0x1d: {  	_ =	swait.ge [sflag:s8], $0x400  }
0x1e: {  	[sflag:s8] =	ssyncset.done $0x0  }
0x1f: {  	s12 =	sadd.s32 $0x5500, s16;
	[sflag:s8] =	ssyncadd.s32 $0xFFFFFC00  }
0x20: {  	[hbm4b:s12+s2] =	stream.linear.scatter [tilespmem:s7], [sflag:$0x2], $0x400, $0x38;
	[tilespmem:$0x540] =	vst v63  }
0x21: {  	_ =	swait.ge [sflag:s3], $0x400  }
0x22: {  	[sflag:s3] =	ssyncset.done $0x0  }
0x23: {  	s13 =	simm.s32 $0xC0;
	[sflag:s3] =	ssyncadd.s32 $0xFFFFFC00  }
0x24: {  	[tilespmem:s7], [sflag:$0x1] =	stream.indirect.gather [hbm4b:s5+s6], $0x10, s13, s6, $0xb8;
	[tilespmem:$0x540] =	vst v63  }
0x25: {  	_ =	swait.ge [sflag:s8], $0x400  }
0x26: {  	[sflag:s8] =	ssyncset.done $0x0  }
0x27: {  	s17 =	ssub.s32 $0x2, s15;
	s14 =	sadd.s32 $0x5580, s16;
	[sflag:s8] =	ssyncadd.s32 $0xFFFFFC00  }
0x28: {  	[hbm4b:s14+s2] =	stream.linear.scatter [tilespmem:s7], [sflag:$0x2], $0x400, $0x38;
	[tilespmem:$0x540] =	vst v63  }
0x29: {  	s18 =	sshrl.u32 s17, $0x1;
	_ =	swait.ge [sflag:s3], $0x400  }
0x2a: {  	s17 =	ssub.s32 s17, s18;
	[sflag:s3] =	ssyncset.done $0x0  }
0x2b: {  	s15 =	simm.s32 $0x100;
	s17 =	smax.u32 s17, $0x1;
	[sflag:s3] =	ssyncadd.s32 $0xFFFFFC00  }
0x2c: {  	[tilespmem:s7], [sflag:$0x1] =	stream.indirect.gather [hbm4b:s5+s6], $0x10, s15, s6, $0xb8;
	[tilespmem:$0x540] =	vst v63  }
0x2d: {  	p0 =	sne.s32 s17, $0x1;
	_ =	swait.ge [sflag:s8], $0x400  }
.Ltmp0:
0x2e: {  	[sflag:s8] =	ssyncset.done $0x0;
	(pc) =	sbr.rel @!p0 .LBB2_2-.Ltmp0, $4  }
0x2f: {  	s16 =	sadd.s32 $0x5600, s16;
	[sflag:s8] =	ssyncadd.s32 $0xFFFFFC00  }
0x30: {  	[hbm4b:s16+s2] =	stream.linear.scatter [tilespmem:s7], [sflag:$0x2], $0x400, $0x38;
	[tilespmem:$0x540] =	vst v63  }
0x31: {  	_ =	swait.ge [sflag:s3], $0x400  }
0x32: {  	s17 =	sadd.s32 $0xFFFFFFFF, s17;
	[sflag:s3] =	ssyncset.done $0x0  }
.LBB2_1:
0x33: {  	p0 =	sne.s32 s17, $0x1;
	s17 =	sadd.s32 $0xFFFFFFFF, s17;
	[sflag:s3] =	ssyncadd.s32 $0xFFFFFC00  }
0x34: {  	[tilespmem:s2], [sflag:$0x2] =	stream.linear.gather [hbm4b:s4+s2], $0x140, $0x38;
	[tilespmem:$0x540] =	vst v63  }
0x35: {  	_ =	swait.ge [sflag:s3], $0x140  }
0x36: {  	[sflag:s3] =	ssyncset.done $0x0  }
0x37: {  	[sflag:s3] =	ssyncadd.s32 $0xFFFFFEC0  }
0x38: {  	[tilespmem:s7], [sflag:$0x1] =	stream.indirect.gather [hbm4b:s5+s6], $0x10, s2, s6, $0xb8;
	[tilespmem:$0x540] =	vst v63  }
0x39: {  	_ =	swait.ge [sflag:s8], $0x400  }
0x3a: {  	[sflag:s8] =	ssyncset.done $0x0  }
0x3b: {  	[sflag:s8] =	ssyncadd.s32 $0xFFFFFC00  }
0x3c: {  	[hbm4b:s9+s2] =	stream.linear.scatter [tilespmem:s7], [sflag:$0x2], $0x400, $0x38;
	[tilespmem:$0x540] =	vst v63  }
0x3d: {  	_ =	swait.ge [sflag:s3], $0x400  }
0x3e: {  	[sflag:s3] =	ssyncset.done $0x0  }
0x3f: {  	[sflag:s3] =	ssyncadd.s32 $0xFFFFFC00  }
0x40: {  	[tilespmem:s7], [sflag:$0x1] =	stream.indirect.gather [hbm4b:s5+s6], $0x10, s6, s6, $0xb8;
	[tilespmem:$0x540] =	vst v63  }
0x41: {  	_ =	swait.ge [sflag:s8], $0x400  }
0x42: {  	[sflag:s8] =	ssyncset.done $0x0  }
0x43: {  	[sflag:s8] =	ssyncadd.s32 $0xFFFFFC00  }
0x44: {  	[hbm4b:s10+s2] =	stream.linear.scatter [tilespmem:s7], [sflag:$0x2], $0x400, $0x38;
	[tilespmem:$0x540] =	vst v63  }
0x45: {  	_ =	swait.ge [sflag:s3], $0x400  }
0x46: {  	[sflag:s3] =	ssyncset.done $0x0  }
0x47: {  	[sflag:s3] =	ssyncadd.s32 $0xFFFFFC00  }
0x48: {  	[tilespmem:s7], [sflag:$0x1] =	stream.indirect.gather [hbm4b:s5+s6], $0x10, s11, s6, $0xb8;
	[tilespmem:$0x540] =	vst v63  }
0x49: {  	_ =	swait.ge [sflag:s8], $0x400  }
0x4a: {  	[sflag:s8] =	ssyncset.done $0x0  }
0x4b: {  	[sflag:s8] =	ssyncadd.s32 $0xFFFFFC00  }
0x4c: {  	[hbm4b:s12+s2] =	stream.linear.scatter [tilespmem:s7], [sflag:$0x2], $0x400, $0x38;
	[tilespmem:$0x540] =	vst v63  }
0x4d: {  	_ =	swait.ge [sflag:s3], $0x400  }
0x4e: {  	[sflag:s3] =	ssyncset.done $0x0  }
0x4f: {  	[sflag:s3] =	ssyncadd.s32 $0xFFFFFC00  }
0x50: {  	[tilespmem:s7], [sflag:$0x1] =	stream.indirect.gather [hbm4b:s5+s6], $0x10, s13, s6, $0xb8;
	[tilespmem:$0x540] =	vst v63  }
0x51: {  	_ =	swait.ge [sflag:s8], $0x400  }
0x52: {  	[sflag:s8] =	ssyncset.done $0x0  }
0x53: {  	[sflag:s8] =	ssyncadd.s32 $0xFFFFFC00  }
0x54: {  	[hbm4b:s14+s2] =	stream.linear.scatter [tilespmem:s7], [sflag:$0x2], $0x400, $0x38;
	[tilespmem:$0x540] =	vst v63  }
0x55: {  	_ =	swait.ge [sflag:s3], $0x400  }
0x56: {  	[sflag:s3] =	ssyncset.done $0x0  }
0x57: {  	[sflag:s3] =	ssyncadd.s32 $0xFFFFFC00  }
0x58: {  	[tilespmem:s7], [sflag:$0x1] =	stream.indirect.gather [hbm4b:s5+s6], $0x10, s15, s6, $0xb8;
	[tilespmem:$0x540] =	vst v63  }
0x59: {  	_ =	swait.ge [sflag:s8], $0x400  }
.Ltmp1:
0x5a: {  	[sflag:s8] =	ssyncset.done $0x0;
	(pc) =	sbr.rel @p0 .LBB2_1-.Ltmp1, $4  }
0x5b: {  	[sflag:s8] =	ssyncadd.s32 $0xFFFFFC00  }
0x5c: {  	[hbm4b:s16+s2] =	stream.linear.scatter [tilespmem:s7], [sflag:$0x2], $0x400, $0x38;
	[tilespmem:$0x540] =	vst v63  }
0x5d: {  	_ =	swait.ge [sflag:s3], $0x400  }
0x5e: {  	[sflag:s3] =	ssyncset.done $0x0  }
.LBB2_2:
0x5f: {  	[sflag:s3] =	ssyncadd.s32 $0xFFFFFC00  }
0x60: {  	_ =	sfence.sel $0x180000  }
0x61: {  	[bflag:$0x0] =	sbarrier.arrive $0xFFFF  }
0x62: {  	p0 =	sne.s32 s0, $0x0;
	_ =	strace $0x90000047  }
0x63: {  	s0 =	sadd.s32 @!p0 $0x100000, s1;
	[bflag:$0x2] =	sbarrier.arrive $0xFFFF  }
0x64: {  	[sflag:s0] =	ssyncadd.tile.s32 @!p0 $0x1;
	_ =	shalt  }
.Lfunc_end2:
_tile_overlayer_lowered:
.L_overlay_start_2:
0x65: {  	(tag) =	ssettag $0x2  }
0x66: {  	s0 =	rddreg [dreg:$0x0];
	s2 =	stileid.u32  }
0x67: {  	s1 =	rddreg [dreg:$0x1];
	p0 =	sne.s32 s2, $0x0  }
0x68: {  	s3 =	rddreg [dreg:$0x2];
	[bflag:$0x3] =	sbarrier.arrive $0xFFFF;
	s2 =	simm.s32 @!p0 $0x1C02  }
0x69: {  	[timem:s3], [sflag:s2] =	dma.local @!p0 [hbm:s0], s1  }
0x6a: {  	s0 =	simm.s32 @!p0 $0x2  }
0x6b: {  	_ =	swait.ge @!p0 [sflag:s0], s1  }
0x6c: {  	s1 =	ssub.s32 @!p0 $0x0, s1;
	[sflag:s0] =	ssyncset.done @!p0 $0x0  }
0x6d: {  	[sflag:s0] =	ssyncadd.s32 @!p0 s1  }
0x6e: {  	[bflag:$0x3] =	sbarrier.arrive $0xFFFF  }
0x6f: {  	_ =	shalt  }

// kernel: kernel.16.cloned.1.call-start
scs
__scs_entry_jumppad:
0x0: {  	(pc) =	sbr.rel $0x88, $3  }
0x1: {  	(tag) =	ssettag $0x0;
	lr =	simm.s32 $0x1  }
0x2: {  	[smem:$0x3F90] =	sst lr;
	_ =	strace $0xD0000000  }
0x3: {  	_ = 	snop  }
0x4: {  	_ = 	snop  }
0x5: {  	_ = 	snop  }
0x6: {  	_ = 	snop  }
0x7: {  	_ = 	snop  }
__scs_overlays_trampoline_lowered:
0x8: {  	[smem:$0x3F9F] =	sst s0  }
0x9: {  	[smem:$0x3FA0] =	sst s1  }
0xa: {  	[smem:$0x3FA1] =	sst s2  }
0xb: {  	[smem:$0x3FA2] =	sst s3  }
0xc: {  	[smem:$0x3FA3] =	sst s4  }
0xd: {  	[smem:$0x3FA4] =	sst s5  }
0xe: {  	[smem:$0x3FA5] =	sst s6  }
0xf: {  	[smem:$0x3FA6] =	sst s7  }
0x10: {  	[smem:$0x3FA7] =	sst s8  }
0x11: {  	[smem:$0x3FA8] =	sst s9;
	s0 =	simm.s32 @!p0 $0x0  }
0x12: {  	s1 =	sld [smem:$0x3F8E];
	s0 =	simm.s32 @p0 $0x1  }
0x13: {  	[smem:$0x3FA9] =	sst s0;
	s0 =	simm.s32 @!p1 $0x0  }
0x14: {  	s2 =	sld [smem:$0x3F8D];
	s0 =	simm.s32 @p1 $0x1  }
0x15: {  	[smem:$0x3FAA] =	sst s0;
	s0 =	simm.s32 @!p2 $0x0  }
0x16: {  	s3 =	sld [smem:$0x3FDB];
	s0 =	simm.s32 @p2 $0x1  }
0x17: {  	s4 =	simm.s32 $0x1BF5;
	[smem:$0x3FAC] =	sst s0  }
0x18: {  	s0 =	sld [smem:$0x3F8F];
	_ =	swait.ge [sflag:s4], $0x0  }
0x19: {  	s7 =	sld [smem:$0x3F90]  }
0x1a: {  	s8 =	sadd.s32 $0xFFFFE003, lr  }
0x1b: {  	s9 =	sadd.s32 $0xFFFFFEF7, lr;
	s5 =	simm.s32 $0xFFFFFFFF;
	p2 =	slt.u32 s8, $0xFFFFF086  }
0x1c: {  	p1 =	slt.u32 s9, $0xF7A;
	s5 =	simm.s32 @!p2 $0x0  }
0x1d: {  	s5 =	simm.s32 @p1 $0x1;
	p0 =	seq.s32 s7, s2  }
0x1e: {  	s7 =	smul.u32 @!p0 $0xF7A, s2;
	p2 =	seq.s32 @!p0 s5, $0x0  }
0x1f: {  	s9 =	smul.u32 $0xF7A, s1;
	s8 =	simm.s32 @!p0 $0x1BF5;
	p2 =	por !p2, p0  }
0x20: {  	[sflag:s8] =	ssyncset.s32 @!p0 $0xFFFFF086;
	s6 =	sadd.s32 @!p0 s3, s7;
	s7 =	simm.s32 @!p0 $0x108  }
0x21: {  	s3 =	sadd.s32 s3, s9;
	s6 =	sadd.s32 @!p0 $0x88, s6;
	s7 =	simm.s32 @p2 $0x1082  }
0x22: {  	[simem:s7], [sflag:s8] =	dma.local @!p0 [hbm:s6], $0xF7A  }
0x23: {  	s9 =	sor.u32 $0xD0000000, s2;
	s6 =	simm.s32 $0x108;
	_ =	swait.ge @!p0 [sflag:s8], $0x0  }
0x24: {  	s3 =	sadd.s32 $0x88, s3;
	s6 =	simm.s32 @!p1 $0x1082;
	[sflag:s4] =	ssyncset.s32 $0xFFFFF086  }
0x25: {  	[simem:s6], [sflag:s4] =	dma.local [hbm:s3], $0xF7A  }
0x26: {  	[smem:$0x3F90] =	sst s1;
	(tag) =	ssettag s2;
	_ =	strace s9  }
0x27: {  	s1 =	sld [smem:$0x3FA0]  }
0x28: {  	s2 =	sld [smem:$0x3FA1]  }
0x29: {  	s4 =	sld [smem:$0x3FA3]  }
0x2a: {  	p0 =	seq.s32 s5, $0x0;
	s5 =	sld [smem:$0x3FA4]  }
0x2b: {  	s6 =	sld [smem:$0x3FA5]  }
0x2c: {  	s7 =	sld [smem:$0x3FA6]  }
0x2d: {  	s3 =	simm.s32 $0x108;
	s8 =	sld [smem:$0x3FA7]  }
0x2e: {  	s3 =	simm.s32 @!p0 $0x1082;
	s9 =	sld [smem:$0x3FA8]  }
0x2f: {  	lr =	sadd.s32 s0, s3;
	s0 =	sld [smem:$0x3F9F]  }
0x30: {  	s3 =	sld [smem:$0x3FA2]  }
0x31: {  	[smem:$0x3FAB] =	sst s10  }
0x32: {  	s10 =	sld [smem:$0x3FA9];
	_ =	sdelay $0x3  }
0x33: {  	p0 =	seq.s32 s10, $0x1;
	s10 =	sld [smem:$0x3FAB];
	_ =	sdelay $0x3  }
0x34: {  	[smem:$0x3FAB] =	sst s10  }
0x35: {  	s10 =	sld [smem:$0x3FAA];
	_ =	sdelay $0x3  }
0x36: {  	p1 =	seq.s32 s10, $0x1;
	s10 =	sld [smem:$0x3FAB];
	_ =	sdelay $0x3  }
0x37: {  	[smem:$0x3FAB] =	sst s10  }
0x38: {  	s10 =	sld [smem:$0x3FAC]  }
0x39: {  	_ = 	snop;
	(pc) =	sbr.ind lr, $3  }
0x3a: {  	_ = 	snop  }
0x3b: {  	_ = 	snop  }
0x3c: {  	p2 =	seq.s32 s10, $0x1;
	s10 =	sld [smem:$0x3FAB]  }
0x3d: {  	_ =	shalt  }
0x3e: {  	_ =	shalt  }
0x3f: {  	_ =	shalt  }
0x40: {  	_ =	shalt  }
0x41: {  	_ =	shalt  }
0x42: {  	_ =	shalt  }
0x43: {  	_ =	shalt  }
0x44: {  	_ =	shalt  }
0x45: {  	_ =	shalt  }
0x46: {  	_ =	shalt  }
0x47: {  	_ =	shalt  }
0x48: {  	_ =	shalt  }
0x49: {  	_ =	shalt  }
0x4a: {  	_ =	shalt  }
0x4b: {  	_ =	shalt  }
0x4c: {  	_ =	shalt  }
0x4d: {  	_ =	shalt  }
0x4e: {  	_ =	shalt  }
0x4f: {  	_ =	shalt  }
0x50: {  	_ =	shalt  }
0x51: {  	_ =	shalt  }
0x52: {  	_ =	shalt  }
0x53: {  	_ =	shalt  }
0x54: {  	_ =	shalt  }
0x55: {  	_ =	shalt  }
0x56: {  	_ =	shalt  }
0x57: {  	_ =	shalt  }
0x58: {  	_ =	shalt  }
0x59: {  	_ =	shalt  }
0x5a: {  	_ =	shalt  }
0x5b: {  	_ =	shalt  }
0x5c: {  	_ =	shalt  }
0x5d: {  	_ =	shalt  }
0x5e: {  	_ =	shalt  }
0x5f: {  	_ =	shalt  }
0x60: {  	_ =	shalt  }
0x61: {  	_ =	shalt  }
0x62: {  	_ =	shalt  }
0x63: {  	_ =	shalt  }
0x64: {  	_ =	shalt  }
0x65: {  	_ =	shalt  }
0x66: {  	_ =	shalt  }
0x67: {  	_ =	shalt  }
0x68: {  	_ =	shalt  }
0x69: {  	_ =	shalt  }
0x6a: {  	_ =	shalt  }
0x6b: {  	_ =	shalt  }
0x6c: {  	_ =	shalt  }
0x6d: {  	_ =	shalt  }
0x6e: {  	_ =	shalt  }
0x6f: {  	_ =	shalt  }
0x70: {  	_ =	shalt  }
0x71: {  	_ =	shalt  }
0x72: {  	_ =	shalt  }
0x73: {  	_ =	shalt  }
0x74: {  	_ =	shalt  }
0x75: {  	_ =	shalt  }
0x76: {  	_ =	shalt  }
0x77: {  	_ =	shalt  }
0x78: {  	_ =	shalt  }
0x79: {  	_ =	shalt  }
0x7a: {  	_ =	shalt  }
0x7b: {  	_ =	shalt  }
0x7c: {  	_ =	shalt  }
0x7d: {  	_ =	shalt  }
0x7e: {  	_ =	shalt  }
0x7f: {  	_ =	shalt  }
0x80: {  	_ =	shalt  }
0x81: {  	_ =	shalt  }
0x82: {  	_ =	shalt  }
0x83: {  	_ =	shalt  }
0x84: {  	_ =	shalt  }
0x85: {  	_ =	shalt  }
0x86: {  	_ =	shalt  }
0x87: {  	_ =	shalt  }
.Lfunc_end0:
.L_simem_size_0:
called_computation.1_lowered:
.L_overlay_start_0:
0x88: {  	s2 =	sld [smem:$0x3FD9]  }
0x89: {  	s3 =	sld [smem:$0x3FFE];
	_ =	sdelay $0x1  }
0x8a: {  	s1 =	srdreg.scid  }
0x8b: {  	s0 =	sand.u32 $0x1, s1  }
0x8c: {  	s17 =	sshll.u32 s0, $0xA;
	s2 =	sadd.s32 s3, s2  }
0x8d: {  	s2 =	sadd.s32 s2, s17  }
0x8e: {  	[smem:$0x3FB7] =	sst s2  }
0x8f: {  	_ = 	snop  }
0x90: {  	(tm) =	ssettm $0x1  }
0x91: {  	s18 =	sld [smem:$0x3FFB];
	_ =	sdelay $0x3  }
0x92: {  	_ =	strace s18  }
0x93: {  	s2 =	sld [smem:$0x3FFC];
	_ =	sdelay $0x3  }
0x94: {  	_ =	strace s2  }
0x95: {  	s2 =	sld [smem:$0x3FFD];
	_ =	sdelay $0x3  }
0x96: {  	_ =	strace s2  }
0x97: {  	_ =	strace $0x8FFFFFFF  }
0x98: {  	s19 =	sld [smem:$0x3FDB];
	_ =	sdelay $0x1  }
0x99: {  	s20 =	simm.s32 $_scs_section_size  }
0x9a: {  	s4 =	simm.s32 $_size__tile_overlayer_lowered;
	s5 =	simm.s32 $_tile_overlayer_lowered  }
0x9b: {  	s6 =	simm.s32 $0x1BFF;
	s21 =	sshll.u32 s5, $0x1;
	s3 =	sadd.s32 s20, s19  }
0x9c: {  	s22 =	simm.s32 $0x0;
	s4 =	sshll.u32 s4, $0x1;
	s5 =	sadd.s32 s21, s3  }
0x9d: {  	[timem:s22], [sflag:s6] =	dma.local [hbm:s5], s4  }
0x9e: {  	_ =	swait.ge [sflag:s6], s4  }
0x9f: {  	s4 =	ssub.s32 $0x0, s4;
	[sflag:s6] =	ssyncset.done $0x0  }
0xa0: {  	[sflag:s6] =	ssyncadd.s32 s4;
	_ =	sdelay $0x1  }
0xa1: {  	s23 =	simm.s32 $0x1B8B  }
0xa2: {  	_ =	swait.ge [sflag:s23], $0x1  }
0xa3: {  	[sflag:s23] =	ssyncset.done $0x0  }
0xa4: {  	[sflag:s23] =	ssyncadd.s32 $0xFFFFFFFF  }
0xa5: {  	s4 =	sld [smem:$0x0]  }
0xa6: {  	s5 =	sand.u32 $0xFFFFFFFE, s1  }
0xa7: {  	p0 =	sne.s32 s1, s5  }
0xa8: {  	s5 =	sshll.u32 @p0 s5, $0xE  }
0xa9: {  	s5 =	sadd.s32 @p0 $0x11B8D, s5;
	s6 =	sshll.u32 @p0 s4, $0x11  }
0xaa: {  	s5 =	sor.u32 @p0 s6, s5  }
0xab: {  	[sflag:s5] =	ssyncadd.remote.s32 @p0 $0x1;
	_ =	sdelay $0x1  }
0xac: {  	s5 =	simm.s32 @p0 $0x1B8D  }
0xad: {  	_ =	swait.eq @p0 [sflag:s5], $0x1  }
0xae: {  	[sflag:s5] =	ssyncadd.s32 @p0 $0xFFFFFFFF  }
0xaf: {  	s6 =	sshll.u32 @!p0 s1, $0xE  }
0xb0: {  	s6 =	sor.u32 @!p0 $0x4000, s6;
	s5 =	simm.s32 @!p0 $0x1B8D  }
0xb1: {  	s4 =	sshll.u32 @!p0 s4, $0x11;
	s6 =	sadd.s32 @!p0 $0x11B8D, s6;
	_ =	swait.eq @!p0 [sflag:s5], $0x1  }
0xb2: {  	s4 =	sor.u32 @!p0 s4, s6;
	[sflag:s5] =	ssyncadd.s32 @!p0 $0xFFFFFFFF  }
0xb3: {  	s25 =	simm.s32 $0x1B8E;
	s24 =	sld [smem:$0x3FFE];
	[sflag:s4] =	ssyncadd.remote.s32 @!p0 $0x1  }
0xb4: {  	s26 =	simm.s32 $execute0_lowered;
	[smem:$0x3FD2] =	sst s25  }
0xb5: {  	s5 =	sshll.u32 s26, $0x1;
	_ =	strace $0x80000049;
	[dreg:$0x1] =	wrdreg $0xFFFFFFFF  }
0xb6: {  	s28 =	simm.s32 $_size_execute0_lowered;
	s3 =	sadd.s32 s3, s5;
	[dreg:$0x0] =	wrdreg $0x0  }
0xb7: {  	s5 =	sshll.u32 s28, $0x1;
	[dreg:$0x2] =	wrdreg s3  }
0xb8: {  	[dreg:$0x3] =	wrdreg s5  }
0xb9: {  	[dreg:$0x4] =	wrdreg $0xC0  }
0xba: {  	_ =	task [dreg:s22], $0x5FFFF  }
0xbb: {  	[dreg:$0x1] =	wrdreg $0xFFFFFFFF  }
0xbc: {  	[dreg:$0x0] =	wrdreg $0x60  }
0xbd: {  	[dreg:$0x2] =	wrdreg s24  }
0xbe: {  	[dreg:$0x3] =	wrdreg $0x9  }
0xbf: {  	_ =	task.clear_ibuf [dreg:s22], $0x4FFFF;
	_ =	strace $0x90000049  }
0xc0: {  	s29 =	simm.s32 $0x9;
	_ =	strace $0x8000004B  }
0xc1: {  	_ =	swait.ge [sflag:s29], $0x1  }
0xc2: {  	[sflag:s29] =	ssyncadd.s32 $0xFFFFFFFF  }
0xc3: {  	_ =	strace $0x9000004B  }
0xc4: {  	_ =	sfence  }
0xc5: {  	s30 =	sld [smem:$0x0];
	_ =	sdelay $0x2  }
0xc6: {  	s31 =	sshll.u32 s1, $0xD;
	s1 =	sshrl.u32 s1, $0x2  }
0xc7: {  	s4 =	sand.u32 $0x4000, s31;
	s1 =	sadd.s32 s1, s30  }
0xc8: {  	s0 =	sor.u32 s4, s0;
	s1 =	sshll.u32 s1, $0x11  }
0xc9: {  	s0 =	sor.u32 s1, s0  }
0xca: {  	s0 =	sadd.s32 $0x8F2B, s0  }
0xcb: {  	[sflag:s0] =	ssyncadd.remote.s32 $0x1  }
0xcc: {  	_ =	sfence.sel $0xFFFF  }
0xcd: {  	[dreg:$0x0] =	wrdreg $0xFFFFFFFF;
	(pc) =	sbr.abs _section_cstart, $3  }
0xce: {  	[dreg:$0x1] =	wrdreg $0xFFFFFFFF  }
0xcf: {  	_ =	task.clear_ibuf [dreg:s22], $0x2FFFF;
	_ =	strace $0x9FFFFFFF  }
0xd0: {  	(tm) =	ssettm $0x7FFFFFFF  }
0xd1: {  	_ =	shalt  }
tec
execute0_lowered:
.L_overlay_start_1:
0x0: {  	(tag) =	ssettag $0x1  }
0x1: {  	s4 =	rddreg [dreg:$0x0]  }
0x2: {  	s0 =	rddreg [dreg:$0x1]  }
0x3: {  	s3 =	srdreg.scid;
	s1 =	stileid.u32;
	s2 =	simm.s32 $0x0  }
0x4: {  	s11 =	simm.s32 $0x0;
	s5 =	sand.u32 $0x1, s3;
	s28 =	sshll.u32 s1, $0x1  }
0x5: {  	[smem:$0x7FF] =	sst s2;
	s7 =	smul.u32 $0x5000, s1;
	s3 =	sor.u32 s5, s28  }
0x6: {  	_ =	strace $0x8000004A;
	s8 =	ssub.s32 $0x2, s5;
	s10 =	smul.u32 $0x2800, s5  }
0x7: {  	s6 =	smul.u32 $0x1400, s3;
	s3 =	sadd.s32 $0x36600, s4;
	s9 =	sshrl.u32 s8, $0x1  }
0x8: {  	s30 =	sadd.s32 s7, s4;
	s7 =	simm.s32 $0x2;
	s31 =	ssub.s32 s8, s9  }
0x9: {  	s8 =	simm.s32 $0x80;
	s9 =	simm.s32 $0x1400;
	s6 =	sshrl.u32 s6, $0x3  }
0xa: {  	s5 =	smax.u32 s31, $0x1;
	s29 =	sadd.s32 s6, s4;
	s6 =	sadd.s32 s10, s30  }
0xb: {  	s10 =	simm.s32 $0x1;
	s4 =	sadd.s32 $0xA400, s29;
	s6 =	sadd.s32 $0x3B600, s6  }
.LBB2_1:
0xc: {  	[tilespmem:s2], [sflag:$0x2] =	stream.linear.gather [hbm4b:s4+s2], $0x1400, $0x38;
	[tilespmem:$0x1C00] =	vst v63  }
0xd: {  	_ =	swait.ge [sflag:s7], $0x1400  }
0xe: {  	[sflag:s7] =	ssyncset.done $0x0  }
0xf: {  	[sflag:s7] =	ssyncadd.s32 $0xFFFFEC00  }
0x10: {  	[tilespmem:s9], [sflag:$0x1] =	stream.indirect.gather [hbm4b:s3+s8], $0x10, s2, s8, $0xb8;
	[tilespmem:$0x1C00] =	vst v63  }
0x11: {  	_ =	swait.ge [sflag:s10], $0x800  }
0x12: {  	[sflag:s10] =	ssyncset.done $0x0  }
0x13: {  	s12 =	sadd.s32 $0x0, s6;
	[sflag:s10] =	ssyncadd.s32 $0xFFFFF800  }
0x14: {  	[hbm4b:s12+s2] =	stream.linear.scatter [tilespmem:s9], [sflag:$0x2], $0x800, $0x38;
	[tilespmem:$0x1C00] =	vst v63  }
0x15: {  	_ =	swait.ge [sflag:s7], $0x800  }
0x16: {  	s13 =	simm.s32 $0x0;
	s12 =	simm.s32 $0x100;
	[sflag:s7] =	ssyncset.done $0x0  }
.LBB2_2:
0x17: {  	p0 =	sne.s32 s12, $0x2700;
	[sflag:s7] =	ssyncadd.s32 $0xFFFFF800;
	s13 =	sadd.s32 $0x80, s13  }
0x18: {  	[tilespmem:s9], [sflag:$0x1] =	stream.indirect.gather [hbm4b:s3+s8], $0x10, s13, s8, $0xb8;
	[tilespmem:$0x1C00] =	vst v63  }
0x19: {  	s14 =	smov.u32 s12;
	s12 =	sadd.s32 $0x100, s12;
	_ =	swait.ge [sflag:s10], $0x800  }
.Ltmp0:
0x1a: {  	[sflag:s10] =	ssyncset.done $0x0;
	(pc) =	sbr.rel @p0 .LBB2_2-.Ltmp0, $4  }
0x1b: {  	s14 =	sadd.s32 s14, s6;
	[sflag:s10] =	ssyncadd.s32 $0xFFFFF800  }
0x1c: {  	[hbm4b:s14+s2] =	stream.linear.scatter [tilespmem:s9], [sflag:$0x2], $0x800, $0x38;
	[tilespmem:$0x1C00] =	vst v63  }
0x1d: {  	_ =	swait.ge [sflag:s7], $0x800  }
0x1e: {  	[sflag:s7] =	ssyncset.done $0x0  }
0x1f: {  	s11 =	sadd.s32 $0x1, s11  }
0x20: {  	p0 =	sne.s32 s11, s5  }
.Ltmp1:
0x21: {  	_ = 	snop;
	(pc) =	sbr.rel @p0 .LBB2_1-.Ltmp1, $2  }
0x22: {  	_ =	sdelay $0x2  }
0x23: {  	[sflag:s7] =	ssyncadd.s32 $0xFFFFF800  }
0x24: {  	_ =	sfence.sel $0x180000  }
0x25: {  	[bflag:$0x0] =	sbarrier.arrive $0xFFFF  }
0x26: {  	p0 =	sne.s32 s1, $0x0;
	_ =	strace $0x9000004A  }
0x27: {  	s0 =	sadd.s32 @!p0 $0x100000, s0;
	[bflag:$0x2] =	sbarrier.arrive $0xFFFF  }
0x28: {  	[sflag:s0] =	ssyncadd.tile.s32 @!p0 $0x1;
	_ =	shalt  }
.Lfunc_end2:
_tile_overlayer_lowered:
.L_overlay_start_2:
0x29: {  	(tag) =	ssettag $0x2  }
0x2a: {  	s0 =	rddreg [dreg:$0x0];
	s2 =	stileid.u32  }
0x2b: {  	s1 =	rddreg [dreg:$0x1];
	p0 =	sne.s32 s2, $0x0  }
0x2c: {  	s3 =	rddreg [dreg:$0x2];
	[bflag:$0x3] =	sbarrier.arrive $0xFFFF;
	s2 =	simm.s32 @!p0 $0x1C02  }
0x2d: {  	[timem:s3], [sflag:s2] =	dma.local @!p0 [hbm:s0], s1  }
0x2e: {  	s0 =	simm.s32 @!p0 $0x2  }
0x2f: {  	_ =	swait.ge @!p0 [sflag:s0], s1  }
0x30: {  	s1 =	ssub.s32 @!p0 $0x0, s1;
	[sflag:s0] =	ssyncset.done @!p0 $0x0  }
0x31: {  	[sflag:s0] =	ssyncadd.s32 @!p0 s1  }
0x32: {  	[bflag:$0x3] =	sbarrier.arrive $0xFFFF  }
0x33: {  	_ =	shalt  }

// kernel: kernel.19.cloned.1.call-start
scs
__scs_entry_jumppad:
0x0: {  	(pc) =	sbr.rel $0x88, $3  }
0x1: {  	(tag) =	ssettag $0x0;
	lr =	simm.s32 $0x1  }
0x2: {  	[smem:$0x3F90] =	sst lr;
	_ =	strace $0xD0000000  }
0x3: {  	_ = 	snop  }
0x4: {  	_ = 	snop  }
0x5: {  	_ = 	snop  }
0x6: {  	_ = 	snop  }
0x7: {  	_ = 	snop  }
__scs_overlays_trampoline_lowered:
0x8: {  	[smem:$0x3F9F] =	sst s0  }
0x9: {  	[smem:$0x3FA0] =	sst s1  }
0xa: {  	[smem:$0x3FA1] =	sst s2  }
0xb: {  	[smem:$0x3FA2] =	sst s3  }
0xc: {  	[smem:$0x3FA3] =	sst s4  }
0xd: {  	[smem:$0x3FA4] =	sst s5  }
0xe: {  	[smem:$0x3FA5] =	sst s6  }
0xf: {  	[smem:$0x3FA6] =	sst s7  }
0x10: {  	[smem:$0x3FA7] =	sst s8  }
0x11: {  	[smem:$0x3FA8] =	sst s9;
	s0 =	simm.s32 @!p0 $0x0  }
0x12: {  	s1 =	sld [smem:$0x3F8E];
	s0 =	simm.s32 @p0 $0x1  }
0x13: {  	[smem:$0x3FA9] =	sst s0;
	s0 =	simm.s32 @!p1 $0x0  }
0x14: {  	s2 =	sld [smem:$0x3F8D];
	s0 =	simm.s32 @p1 $0x1  }
0x15: {  	[smem:$0x3FAA] =	sst s0;
	s0 =	simm.s32 @!p2 $0x0  }
0x16: {  	s3 =	sld [smem:$0x3FDB];
	s0 =	simm.s32 @p2 $0x1  }
0x17: {  	s4 =	simm.s32 $0x1BF5;
	[smem:$0x3FAC] =	sst s0  }
0x18: {  	s0 =	sld [smem:$0x3F8F];
	_ =	swait.ge [sflag:s4], $0x0  }
0x19: {  	s7 =	sld [smem:$0x3F90]  }
0x1a: {  	s8 =	sadd.s32 $0xFFFFE003, lr  }
0x1b: {  	s9 =	sadd.s32 $0xFFFFFEF7, lr;
	s5 =	simm.s32 $0xFFFFFFFF;
	p2 =	slt.u32 s8, $0xFFFFF086  }
0x1c: {  	p1 =	slt.u32 s9, $0xF7A;
	s5 =	simm.s32 @!p2 $0x0  }
0x1d: {  	s5 =	simm.s32 @p1 $0x1;
	p0 =	seq.s32 s7, s2  }
0x1e: {  	s7 =	smul.u32 @!p0 $0xF7A, s2;
	p2 =	seq.s32 @!p0 s5, $0x0  }
0x1f: {  	s9 =	smul.u32 $0xF7A, s1;
	s8 =	simm.s32 @!p0 $0x1BF5;
	p2 =	por !p2, p0  }
0x20: {  	[sflag:s8] =	ssyncset.s32 @!p0 $0xFFFFF086;
	s6 =	sadd.s32 @!p0 s3, s7;
	s7 =	simm.s32 @!p0 $0x108  }
0x21: {  	s3 =	sadd.s32 s3, s9;
	s6 =	sadd.s32 @!p0 $0x88, s6;
	s7 =	simm.s32 @p2 $0x1082  }
0x22: {  	[simem:s7], [sflag:s8] =	dma.local @!p0 [hbm:s6], $0xF7A  }
0x23: {  	s9 =	sor.u32 $0xD0000000, s2;
	s6 =	simm.s32 $0x108;
	_ =	swait.ge @!p0 [sflag:s8], $0x0  }
0x24: {  	s3 =	sadd.s32 $0x88, s3;
	s6 =	simm.s32 @!p1 $0x1082;
	[sflag:s4] =	ssyncset.s32 $0xFFFFF086  }
0x25: {  	[simem:s6], [sflag:s4] =	dma.local [hbm:s3], $0xF7A  }
0x26: {  	[smem:$0x3F90] =	sst s1;
	(tag) =	ssettag s2;
	_ =	strace s9  }
0x27: {  	s1 =	sld [smem:$0x3FA0]  }
0x28: {  	s2 =	sld [smem:$0x3FA1]  }
0x29: {  	s4 =	sld [smem:$0x3FA3]  }
0x2a: {  	p0 =	seq.s32 s5, $0x0;
	s5 =	sld [smem:$0x3FA4]  }
0x2b: {  	s6 =	sld [smem:$0x3FA5]  }
0x2c: {  	s7 =	sld [smem:$0x3FA6]  }
0x2d: {  	s3 =	simm.s32 $0x108;
	s8 =	sld [smem:$0x3FA7]  }
0x2e: {  	s3 =	simm.s32 @!p0 $0x1082;
	s9 =	sld [smem:$0x3FA8]  }
0x2f: {  	lr =	sadd.s32 s0, s3;
	s0 =	sld [smem:$0x3F9F]  }
0x30: {  	s3 =	sld [smem:$0x3FA2]  }
0x31: {  	[smem:$0x3FAB] =	sst s10  }
0x32: {  	s10 =	sld [smem:$0x3FA9];
	_ =	sdelay $0x3  }
0x33: {  	p0 =	seq.s32 s10, $0x1;
	s10 =	sld [smem:$0x3FAB];
	_ =	sdelay $0x3  }
0x34: {  	[smem:$0x3FAB] =	sst s10  }
0x35: {  	s10 =	sld [smem:$0x3FAA];
	_ =	sdelay $0x3  }
0x36: {  	p1 =	seq.s32 s10, $0x1;
	s10 =	sld [smem:$0x3FAB];
	_ =	sdelay $0x3  }
0x37: {  	[smem:$0x3FAB] =	sst s10  }
0x38: {  	s10 =	sld [smem:$0x3FAC]  }
0x39: {  	_ = 	snop;
	(pc) =	sbr.ind lr, $3  }
0x3a: {  	_ = 	snop  }
0x3b: {  	_ = 	snop  }
0x3c: {  	p2 =	seq.s32 s10, $0x1;
	s10 =	sld [smem:$0x3FAB]  }
0x3d: {  	_ =	shalt  }
0x3e: {  	_ =	shalt  }
0x3f: {  	_ =	shalt  }
0x40: {  	_ =	shalt  }
0x41: {  	_ =	shalt  }
0x42: {  	_ =	shalt  }
0x43: {  	_ =	shalt  }
0x44: {  	_ =	shalt  }
0x45: {  	_ =	shalt  }
0x46: {  	_ =	shalt  }
0x47: {  	_ =	shalt  }
0x48: {  	_ =	shalt  }
0x49: {  	_ =	shalt  }
0x4a: {  	_ =	shalt  }
0x4b: {  	_ =	shalt  }
0x4c: {  	_ =	shalt  }
0x4d: {  	_ =	shalt  }
0x4e: {  	_ =	shalt  }
0x4f: {  	_ =	shalt  }
0x50: {  	_ =	shalt  }
0x51: {  	_ =	shalt  }
0x52: {  	_ =	shalt  }
0x53: {  	_ =	shalt  }
0x54: {  	_ =	shalt  }
0x55: {  	_ =	shalt  }
0x56: {  	_ =	shalt  }
0x57: {  	_ =	shalt  }
0x58: {  	_ =	shalt  }
0x59: {  	_ =	shalt  }
0x5a: {  	_ =	shalt  }
0x5b: {  	_ =	shalt  }
0x5c: {  	_ =	shalt  }
0x5d: {  	_ =	shalt  }
0x5e: {  	_ =	shalt  }
0x5f: {  	_ =	shalt  }
0x60: {  	_ =	shalt  }
0x61: {  	_ =	shalt  }
0x62: {  	_ =	shalt  }
0x63: {  	_ =	shalt  }
0x64: {  	_ =	shalt  }
0x65: {  	_ =	shalt  }
0x66: {  	_ =	shalt  }
0x67: {  	_ =	shalt  }
0x68: {  	_ =	shalt  }
0x69: {  	_ =	shalt  }
0x6a: {  	_ =	shalt  }
0x6b: {  	_ =	shalt  }
0x6c: {  	_ =	shalt  }
0x6d: {  	_ =	shalt  }
0x6e: {  	_ =	shalt  }
0x6f: {  	_ =	shalt  }
0x70: {  	_ =	shalt  }
0x71: {  	_ =	shalt  }
0x72: {  	_ =	shalt  }
0x73: {  	_ =	shalt  }
0x74: {  	_ =	shalt  }
0x75: {  	_ =	shalt  }
0x76: {  	_ =	shalt  }
0x77: {  	_ =	shalt  }
0x78: {  	_ =	shalt  }
0x79: {  	_ =	shalt  }
0x7a: {  	_ =	shalt  }
0x7b: {  	_ =	shalt  }
0x7c: {  	_ =	shalt  }
0x7d: {  	_ =	shalt  }
0x7e: {  	_ =	shalt  }
0x7f: {  	_ =	shalt  }
0x80: {  	_ =	shalt  }
0x81: {  	_ =	shalt  }
0x82: {  	_ =	shalt  }
0x83: {  	_ =	shalt  }
0x84: {  	_ =	shalt  }
0x85: {  	_ =	shalt  }
0x86: {  	_ =	shalt  }
0x87: {  	_ =	shalt  }
.Lfunc_end0:
.L_simem_size_0:
called_computation.2_lowered:
.L_overlay_start_0:
0x88: {  	s2 =	sld [smem:$0x3FD9]  }
0x89: {  	s3 =	sld [smem:$0x3FFE];
	_ =	sdelay $0x1  }
0x8a: {  	s1 =	srdreg.scid  }
0x8b: {  	s0 =	sand.u32 $0x1, s1  }
0x8c: {  	s17 =	sshll.u32 s0, $0xA;
	s2 =	sadd.s32 s3, s2  }
0x8d: {  	s2 =	sadd.s32 s2, s17  }
0x8e: {  	[smem:$0x3FB7] =	sst s2  }
0x8f: {  	_ = 	snop  }
0x90: {  	(tm) =	ssettm $0x1  }
0x91: {  	s18 =	sld [smem:$0x3FFB];
	_ =	sdelay $0x3  }
0x92: {  	_ =	strace s18  }
0x93: {  	s2 =	sld [smem:$0x3FFC];
	_ =	sdelay $0x3  }
0x94: {  	_ =	strace s2  }
0x95: {  	s2 =	sld [smem:$0x3FFD];
	_ =	sdelay $0x3  }
0x96: {  	_ =	strace s2  }
0x97: {  	_ =	strace $0x8FFFFFFF  }
0x98: {  	s19 =	sld [smem:$0x3FDB];
	_ =	sdelay $0x1  }
0x99: {  	s20 =	simm.s32 $_scs_section_size  }
0x9a: {  	s4 =	simm.s32 $_size__tile_overlayer_lowered;
	s5 =	simm.s32 $_tile_overlayer_lowered  }
0x9b: {  	s6 =	simm.s32 $0x1BFF;
	s21 =	sshll.u32 s5, $0x1;
	s3 =	sadd.s32 s20, s19  }
0x9c: {  	s22 =	simm.s32 $0x0;
	s4 =	sshll.u32 s4, $0x1;
	s5 =	sadd.s32 s21, s3  }
0x9d: {  	[timem:s22], [sflag:s6] =	dma.local [hbm:s5], s4  }
0x9e: {  	_ =	swait.ge [sflag:s6], s4  }
0x9f: {  	s4 =	ssub.s32 $0x0, s4;
	[sflag:s6] =	ssyncset.done $0x0  }
0xa0: {  	[sflag:s6] =	ssyncadd.s32 s4;
	_ =	sdelay $0x1  }
0xa1: {  	s23 =	simm.s32 $0x1B8B  }
0xa2: {  	_ =	swait.ge [sflag:s23], $0x1  }
0xa3: {  	[sflag:s23] =	ssyncset.done $0x0  }
0xa4: {  	[sflag:s23] =	ssyncadd.s32 $0xFFFFFFFF  }
0xa5: {  	s4 =	sld [smem:$0x0]  }
0xa6: {  	s5 =	sand.u32 $0xFFFFFFFE, s1  }
0xa7: {  	p0 =	sne.s32 s1, s5  }
0xa8: {  	s5 =	sshll.u32 @p0 s5, $0xE  }
0xa9: {  	s5 =	sadd.s32 @p0 $0x11B8D, s5;
	s6 =	sshll.u32 @p0 s4, $0x11  }
0xaa: {  	s5 =	sor.u32 @p0 s6, s5  }
0xab: {  	[sflag:s5] =	ssyncadd.remote.s32 @p0 $0x1;
	_ =	sdelay $0x1  }
0xac: {  	s5 =	simm.s32 @p0 $0x1B8D  }
0xad: {  	_ =	swait.eq @p0 [sflag:s5], $0x1  }
0xae: {  	[sflag:s5] =	ssyncadd.s32 @p0 $0xFFFFFFFF  }
0xaf: {  	s6 =	sshll.u32 @!p0 s1, $0xE  }
0xb0: {  	s6 =	sor.u32 @!p0 $0x4000, s6;
	s5 =	simm.s32 @!p0 $0x1B8D  }
0xb1: {  	s4 =	sshll.u32 @!p0 s4, $0x11;
	s6 =	sadd.s32 @!p0 $0x11B8D, s6;
	_ =	swait.eq @!p0 [sflag:s5], $0x1  }
0xb2: {  	s4 =	sor.u32 @!p0 s4, s6;
	[sflag:s5] =	ssyncadd.s32 @!p0 $0xFFFFFFFF  }
0xb3: {  	s25 =	simm.s32 $0x1B8E;
	s24 =	sld [smem:$0x3FFE];
	[sflag:s4] =	ssyncadd.remote.s32 @!p0 $0x1  }
0xb4: {  	s26 =	simm.s32 $execute0_lowered;
	[smem:$0x3FD2] =	sst s25  }
0xb5: {  	s5 =	sshll.u32 s26, $0x1;
	_ =	strace $0x8000004C;
	[dreg:$0x1] =	wrdreg $0xFFFFFFFF  }
0xb6: {  	s28 =	simm.s32 $_size_execute0_lowered;
	s3 =	sadd.s32 s3, s5;
	[dreg:$0x0] =	wrdreg $0x0  }
0xb7: {  	s5 =	sshll.u32 s28, $0x1;
	[dreg:$0x2] =	wrdreg s3  }
0xb8: {  	[dreg:$0x3] =	wrdreg s5  }
0xb9: {  	[dreg:$0x4] =	wrdreg $0xC0  }
0xba: {  	_ =	task [dreg:s22], $0x5FFFF  }
0xbb: {  	[dreg:$0x1] =	wrdreg $0xFFFFFFFF  }
0xbc: {  	[dreg:$0x0] =	wrdreg $0x60  }
0xbd: {  	[dreg:$0x2] =	wrdreg s24  }
0xbe: {  	[dreg:$0x3] =	wrdreg $0xA  }
0xbf: {  	_ =	task.clear_ibuf [dreg:s22], $0x4FFFF;
	_ =	strace $0x9000004C  }
0xc0: {  	s29 =	simm.s32 $0xA;
	_ =	strace $0x8000004E  }
0xc1: {  	_ =	swait.ge [sflag:s29], $0x1  }
0xc2: {  	[sflag:s29] =	ssyncadd.s32 $0xFFFFFFFF  }
0xc3: {  	_ =	strace $0x9000004E  }
0xc4: {  	_ =	sfence  }
0xc5: {  	s30 =	sld [smem:$0x0];
	_ =	sdelay $0x2  }
0xc6: {  	s31 =	sshll.u32 s1, $0xD;
	s1 =	sshrl.u32 s1, $0x2  }
0xc7: {  	s4 =	sand.u32 $0x4000, s31;
	s1 =	sadd.s32 s1, s30  }
0xc8: {  	s0 =	sor.u32 s4, s0;
	s1 =	sshll.u32 s1, $0x11  }
0xc9: {  	s0 =	sor.u32 s1, s0  }
0xca: {  	s0 =	sadd.s32 $0x8F2B, s0  }
0xcb: {  	[sflag:s0] =	ssyncadd.remote.s32 $0x1  }
0xcc: {  	_ =	sfence.sel $0xFFFF  }
0xcd: {  	[dreg:$0x0] =	wrdreg $0xFFFFFFFF;
	(pc) =	sbr.abs _section_cstart, $3  }
0xce: {  	[dreg:$0x1] =	wrdreg $0xFFFFFFFF  }
0xcf: {  	_ =	task.clear_ibuf [dreg:s22], $0x2FFFF;
	_ =	strace $0x9FFFFFFF  }
0xd0: {  	(tm) =	ssettm $0x7FFFFFFF  }
0xd1: {  	_ =	shalt  }
tec
execute0_lowered:
.L_overlay_start_1:
0x0: {  	(tag) =	ssettag $0x1  }
0x1: {  	s4 =	rddreg [dreg:$0x0]  }
0x2: {  	s0 =	rddreg [dreg:$0x1]  }
0x3: {  	s3 =	srdreg.scid;
	s1 =	stileid.u32;
	s2 =	simm.s32 $0x0  }
0x4: {  	s11 =	simm.s32 $0x0;
	s5 =	sand.u32 $0x1, s3;
	s28 =	sshll.u32 s1, $0x1  }
0x5: {  	[smem:$0x7FF] =	sst s2;
	s7 =	smul.u32 $0xA000, s1;
	s3 =	sor.u32 s5, s28  }
0x6: {  	_ =	strace $0x8000004D;
	s8 =	ssub.s32 $0x2, s5;
	s10 =	smul.u32 $0x5000, s5  }
0x7: {  	s6 =	smul.u32 $0x1400, s3;
	s3 =	sadd.s32 $0xB7800, s4;
	s9 =	sshrl.u32 s8, $0x1  }
0x8: {  	s30 =	sadd.s32 s7, s4;
	s7 =	simm.s32 $0x2;
	s31 =	ssub.s32 s8, s9  }
0x9: {  	s8 =	simm.s32 $0x80;
	s9 =	simm.s32 $0x1400;
	s6 =	sshrl.u32 s6, $0x3  }
0xa: {  	s5 =	smax.u32 s31, $0x1;
	s29 =	sadd.s32 s6, s4;
	s6 =	sadd.s32 s10, s30  }
0xb: {  	s10 =	simm.s32 $0x1;
	s4 =	sadd.s32 $0x8B600, s29;
	s6 =	sadd.s32 $0xC1600, s6  }
.LBB2_1:
0xc: {  	[tilespmem:s2], [sflag:$0x2] =	stream.linear.gather [hbm4b:s4+s2], $0x1400, $0x38;
	[tilespmem:$0x2400] =	vst v63  }
0xd: {  	_ =	swait.ge [sflag:s7], $0x1400  }
0xe: {  	[sflag:s7] =	ssyncset.done $0x0  }
0xf: {  	s12 =	simm.s32 $0x0;
	[sflag:s7] =	ssyncadd.s32 $0xFFFFEC00  }
0x10: {  	[tilespmem:s9], [sflag:$0x1] =	stream.indirect.gather [hbm4b:s3+s8], $0x20, s12, s8, $0xb8;
	[tilespmem:$0x2400] =	vst v63  }
0x11: {  	_ =	swait.ge [sflag:s10], $0x1000  }
0x12: {  	[sflag:s10] =	ssyncset.done $0x0  }
0x13: {  	s31 =	sadd.s32 $0x0, s6;
	[sflag:s10] =	ssyncadd.s32 $0xFFFFF000  }
0x14: {  	[hbm4b:s31+s2] =	stream.linear.scatter [tilespmem:s9], [sflag:$0x2], $0x1000, $0x38;
	[tilespmem:$0x2400] =	vst v63  }
0x15: {  	_ =	swait.ge [sflag:s7], $0x1000  }
0x16: {  	s13 =	simm.s32 $0x400;
	s12 =	simm.s32 $0x200;
	[sflag:s7] =	ssyncset.done $0x0  }
.LBB2_2:
0x17: {  	s14 =	sshra.s32 s12, $0x2  }
0x18: {  	[sflag:s7] =	ssyncadd.s32 $0xFFFFF000;
	s15 =	smov.u32 s13;
	s16 =	sadd.s32 $0x200, s13  }
0x19: {  	[tilespmem:s9], [sflag:$0x1] =	stream.indirect.gather [hbm4b:s3+s8], $0x20, s14, s8, $0xb8;
	[tilespmem:$0x2400] =	vst v63  }
0x1a: {  	p0 =	sne.s32 s13, $0x4E00;
	_ =	swait.ge [sflag:s10], $0x1000  }
.Ltmp0:
0x1b: {  	[sflag:s10] =	ssyncset.done $0x0;
	(pc) =	sbr.rel @p0 .LBB2_2-.Ltmp0, $4  }
0x1c: {  	s13 =	sadd.s32 s12, s6;
	s12 =	smov.u32 s15;
	[sflag:s10] =	ssyncadd.s32 $0xFFFFF000  }
0x1d: {  	[hbm4b:s13+s2] =	stream.linear.scatter [tilespmem:s9], [sflag:$0x2], $0x1000, $0x38;
	[tilespmem:$0x2400] =	vst v63  }
0x1e: {  	_ =	swait.ge [sflag:s7], $0x1000  }
0x1f: {  	s13 =	smov.u32 s16;
	[sflag:s7] =	ssyncset.done $0x0  }
0x20: {  	s13 =	sshra.s32 s12, $0x2;
	[sflag:s7] =	ssyncadd.s32 $0xFFFFF000  }
0x21: {  	[tilespmem:s9], [sflag:$0x1] =	stream.indirect.gather [hbm4b:s3+s8], $0x20, s13, s8, $0xb8;
	[tilespmem:$0x2400] =	vst v63  }
0x22: {  	s11 =	sadd.s32 $0x1, s11;
	_ =	swait.ge [sflag:s10], $0x1000  }
0x23: {  	p0 =	sne.s32 s11, s5;
	[sflag:s10] =	ssyncset.done $0x0  }
.Ltmp1:
0x24: {  	s31 =	sadd.s32 s12, s6;
	[sflag:s10] =	ssyncadd.s32 $0xFFFFF000;
	(pc) =	sbr.rel @p0 .LBB2_1-.Ltmp1, $4  }
0x25: {  	[hbm4b:s31+s2] =	stream.linear.scatter [tilespmem:s9], [sflag:$0x2], $0x1000, $0x38;
	[tilespmem:$0x2400] =	vst v63  }
0x26: {  	_ =	swait.ge [sflag:s7], $0x1000  }
0x27: {  	[sflag:s7] =	ssyncset.done $0x0  }
0x28: {  	[sflag:s7] =	ssyncadd.s32 $0xFFFFF000  }
0x29: {  	_ =	sfence.sel $0x180000  }
0x2a: {  	[bflag:$0x0] =	sbarrier.arrive $0xFFFF  }
0x2b: {  	p0 =	sne.s32 s1, $0x0;
	_ =	strace $0x9000004D  }
0x2c: {  	s0 =	sadd.s32 @!p0 $0x100000, s0;
	[bflag:$0x2] =	sbarrier.arrive $0xFFFF  }
0x2d: {  	[sflag:s0] =	ssyncadd.tile.s32 @!p0 $0x1;
	_ =	shalt  }
.Lfunc_end2:
_tile_overlayer_lowered:
.L_overlay_start_2:
0x2e: {  	(tag) =	ssettag $0x2  }
0x2f: {  	s0 =	rddreg [dreg:$0x0];
	s2 =	stileid.u32  }
0x30: {  	s1 =	rddreg [dreg:$0x1];
	p0 =	sne.s32 s2, $0x0  }
0x31: {  	s3 =	rddreg [dreg:$0x2];
	[bflag:$0x3] =	sbarrier.arrive $0xFFFF;
	s2 =	simm.s32 @!p0 $0x1C02  }
0x32: {  	[timem:s3], [sflag:s2] =	dma.local @!p0 [hbm:s0], s1  }
0x33: {  	s0 =	simm.s32 @!p0 $0x2  }
0x34: {  	_ =	swait.ge @!p0 [sflag:s0], s1  }
0x35: {  	s1 =	ssub.s32 @!p0 $0x0, s1;
	[sflag:s0] =	ssyncset.done @!p0 $0x0  }
0x36: {  	[sflag:s0] =	ssyncadd.s32 @!p0 s1  }
0x37: {  	[bflag:$0x3] =	sbarrier.arrive $0xFFFF  }
0x38: {  	_ =	shalt  }

// kernel: kernel.22.cloned.1.call-start
scs
__scs_entry_jumppad:
0x0: {  	(pc) =	sbr.rel $0x88, $3  }
0x1: {  	(tag) =	ssettag $0x0;
	lr =	simm.s32 $0x1  }
0x2: {  	[smem:$0x3F90] =	sst lr;
	_ =	strace $0xD0000000  }
0x3: {  	_ = 	snop  }
0x4: {  	_ = 	snop  }
0x5: {  	_ = 	snop  }
0x6: {  	_ = 	snop  }
0x7: {  	_ = 	snop  }
__scs_overlays_trampoline_lowered:
0x8: {  	[smem:$0x3F9F] =	sst s0  }
0x9: {  	[smem:$0x3FA0] =	sst s1  }
0xa: {  	[smem:$0x3FA1] =	sst s2  }
0xb: {  	[smem:$0x3FA2] =	sst s3  }
0xc: {  	[smem:$0x3FA3] =	sst s4  }
0xd: {  	[smem:$0x3FA4] =	sst s5  }
0xe: {  	[smem:$0x3FA5] =	sst s6  }
0xf: {  	[smem:$0x3FA6] =	sst s7  }
0x10: {  	[smem:$0x3FA7] =	sst s8  }
0x11: {  	[smem:$0x3FA8] =	sst s9;
	s0 =	simm.s32 @!p0 $0x0  }
0x12: {  	s1 =	sld [smem:$0x3F8E];
	s0 =	simm.s32 @p0 $0x1  }
0x13: {  	[smem:$0x3FA9] =	sst s0;
	s0 =	simm.s32 @!p1 $0x0  }
0x14: {  	s2 =	sld [smem:$0x3F8D];
	s0 =	simm.s32 @p1 $0x1  }
0x15: {  	[smem:$0x3FAA] =	sst s0;
	s0 =	simm.s32 @!p2 $0x0  }
0x16: {  	s3 =	sld [smem:$0x3FDB];
	s0 =	simm.s32 @p2 $0x1  }
0x17: {  	s4 =	simm.s32 $0x1BF5;
	[smem:$0x3FAC] =	sst s0  }
0x18: {  	s0 =	sld [smem:$0x3F8F];
	_ =	swait.ge [sflag:s4], $0x0  }
0x19: {  	s7 =	sld [smem:$0x3F90]  }
0x1a: {  	s8 =	sadd.s32 $0xFFFFE003, lr  }
0x1b: {  	s9 =	sadd.s32 $0xFFFFFEF7, lr;
	s5 =	simm.s32 $0xFFFFFFFF;
	p2 =	slt.u32 s8, $0xFFFFF086  }
0x1c: {  	p1 =	slt.u32 s9, $0xF7A;
	s5 =	simm.s32 @!p2 $0x0  }
0x1d: {  	s5 =	simm.s32 @p1 $0x1;
	p0 =	seq.s32 s7, s2  }
0x1e: {  	s7 =	smul.u32 @!p0 $0xF7A, s2;
	p2 =	seq.s32 @!p0 s5, $0x0  }
0x1f: {  	s9 =	smul.u32 $0xF7A, s1;
	s8 =	simm.s32 @!p0 $0x1BF5;
	p2 =	por !p2, p0  }
0x20: {  	[sflag:s8] =	ssyncset.s32 @!p0 $0xFFFFF086;
	s6 =	sadd.s32 @!p0 s3, s7;
	s7 =	simm.s32 @!p0 $0x108  }
0x21: {  	s3 =	sadd.s32 s3, s9;
	s6 =	sadd.s32 @!p0 $0x88, s6;
	s7 =	simm.s32 @p2 $0x1082  }
0x22: {  	[simem:s7], [sflag:s8] =	dma.local @!p0 [hbm:s6], $0xF7A  }
0x23: {  	s9 =	sor.u32 $0xD0000000, s2;
	s6 =	simm.s32 $0x108;
	_ =	swait.ge @!p0 [sflag:s8], $0x0  }
0x24: {  	s3 =	sadd.s32 $0x88, s3;
	s6 =	simm.s32 @!p1 $0x1082;
	[sflag:s4] =	ssyncset.s32 $0xFFFFF086  }
0x25: {  	[simem:s6], [sflag:s4] =	dma.local [hbm:s3], $0xF7A  }
0x26: {  	[smem:$0x3F90] =	sst s1;
	(tag) =	ssettag s2;
	_ =	strace s9  }
0x27: {  	s1 =	sld [smem:$0x3FA0]  }
0x28: {  	s2 =	sld [smem:$0x3FA1]  }
0x29: {  	s4 =	sld [smem:$0x3FA3]  }
0x2a: {  	p0 =	seq.s32 s5, $0x0;
	s5 =	sld [smem:$0x3FA4]  }
0x2b: {  	s6 =	sld [smem:$0x3FA5]  }
0x2c: {  	s7 =	sld [smem:$0x3FA6]  }
0x2d: {  	s3 =	simm.s32 $0x108;
	s8 =	sld [smem:$0x3FA7]  }
0x2e: {  	s3 =	simm.s32 @!p0 $0x1082;
	s9 =	sld [smem:$0x3FA8]  }
0x2f: {  	lr =	sadd.s32 s0, s3;
	s0 =	sld [smem:$0x3F9F]  }
0x30: {  	s3 =	sld [smem:$0x3FA2]  }
0x31: {  	[smem:$0x3FAB] =	sst s10  }
0x32: {  	s10 =	sld [smem:$0x3FA9];
	_ =	sdelay $0x3  }
0x33: {  	p0 =	seq.s32 s10, $0x1;
	s10 =	sld [smem:$0x3FAB];
	_ =	sdelay $0x3  }
0x34: {  	[smem:$0x3FAB] =	sst s10  }
0x35: {  	s10 =	sld [smem:$0x3FAA];
	_ =	sdelay $0x3  }
0x36: {  	p1 =	seq.s32 s10, $0x1;
	s10 =	sld [smem:$0x3FAB];
	_ =	sdelay $0x3  }
0x37: {  	[smem:$0x3FAB] =	sst s10  }
0x38: {  	s10 =	sld [smem:$0x3FAC]  }
0x39: {  	_ = 	snop;
	(pc) =	sbr.ind lr, $3  }
0x3a: {  	_ = 	snop  }
0x3b: {  	_ = 	snop  }
0x3c: {  	p2 =	seq.s32 s10, $0x1;
	s10 =	sld [smem:$0x3FAB]  }
0x3d: {  	_ =	shalt  }
0x3e: {  	_ =	shalt  }
0x3f: {  	_ =	shalt  }
0x40: {  	_ =	shalt  }
0x41: {  	_ =	shalt  }
0x42: {  	_ =	shalt  }
0x43: {  	_ =	shalt  }
0x44: {  	_ =	shalt  }
0x45: {  	_ =	shalt  }
0x46: {  	_ =	shalt  }
0x47: {  	_ =	shalt  }
0x48: {  	_ =	shalt  }
0x49: {  	_ =	shalt  }
0x4a: {  	_ =	shalt  }
0x4b: {  	_ =	shalt  }
0x4c: {  	_ =	shalt  }
0x4d: {  	_ =	shalt  }
0x4e: {  	_ =	shalt  }
0x4f: {  	_ =	shalt  }
0x50: {  	_ =	shalt  }
0x51: {  	_ =	shalt  }
0x52: {  	_ =	shalt  }
0x53: {  	_ =	shalt  }
0x54: {  	_ =	shalt  }
0x55: {  	_ =	shalt  }
0x56: {  	_ =	shalt  }
0x57: {  	_ =	shalt  }
0x58: {  	_ =	shalt  }
0x59: {  	_ =	shalt  }
0x5a: {  	_ =	shalt  }
0x5b: {  	_ =	shalt  }
0x5c: {  	_ =	shalt  }
0x5d: {  	_ =	shalt  }
0x5e: {  	_ =	shalt  }
0x5f: {  	_ =	shalt  }
0x60: {  	_ =	shalt  }
0x61: {  	_ =	shalt  }
0x62: {  	_ =	shalt  }
0x63: {  	_ =	shalt  }
0x64: {  	_ =	shalt  }
0x65: {  	_ =	shalt  }
0x66: {  	_ =	shalt  }
0x67: {  	_ =	shalt  }
0x68: {  	_ =	shalt  }
0x69: {  	_ =	shalt  }
0x6a: {  	_ =	shalt  }
0x6b: {  	_ =	shalt  }
0x6c: {  	_ =	shalt  }
0x6d: {  	_ =	shalt  }
0x6e: {  	_ =	shalt  }
0x6f: {  	_ =	shalt  }
0x70: {  	_ =	shalt  }
0x71: {  	_ =	shalt  }
0x72: {  	_ =	shalt  }
0x73: {  	_ =	shalt  }
0x74: {  	_ =	shalt  }
0x75: {  	_ =	shalt  }
0x76: {  	_ =	shalt  }
0x77: {  	_ =	shalt  }
0x78: {  	_ =	shalt  }
0x79: {  	_ =	shalt  }
0x7a: {  	_ =	shalt  }
0x7b: {  	_ =	shalt  }
0x7c: {  	_ =	shalt  }
0x7d: {  	_ =	shalt  }
0x7e: {  	_ =	shalt  }
0x7f: {  	_ =	shalt  }
0x80: {  	_ =	shalt  }
0x81: {  	_ =	shalt  }
0x82: {  	_ =	shalt  }
0x83: {  	_ =	shalt  }
0x84: {  	_ =	shalt  }
0x85: {  	_ =	shalt  }
0x86: {  	_ =	shalt  }
0x87: {  	_ =	shalt  }
.Lfunc_end0:
.L_simem_size_0:
called_computation.3_lowered:
.L_overlay_start_0:
0x88: {  	s2 =	sld [smem:$0x3FD9]  }
0x89: {  	s3 =	sld [smem:$0x3FFE];
	_ =	sdelay $0x1  }
0x8a: {  	s1 =	srdreg.scid  }
0x8b: {  	s0 =	sand.u32 $0x1, s1  }
0x8c: {  	s16 =	sshll.u32 s0, $0xA;
	s2 =	sadd.s32 s3, s2  }
0x8d: {  	s2 =	sadd.s32 s2, s16  }
0x8e: {  	[smem:$0x3FB7] =	sst s2  }
0x8f: {  	_ = 	snop  }
0x90: {  	(tm) =	ssettm $0x1  }
0x91: {  	s17 =	sld [smem:$0x3FFB];
	_ =	sdelay $0x3  }
0x92: {  	_ =	strace s17  }
0x93: {  	s2 =	sld [smem:$0x3FFC];
	_ =	sdelay $0x3  }
0x94: {  	_ =	strace s2  }
0x95: {  	s2 =	sld [smem:$0x3FFD];
	_ =	sdelay $0x3  }
0x96: {  	_ =	strace s2  }
0x97: {  	_ =	strace $0x8FFFFFFF  }
0x98: {  	s18 =	sld [smem:$0x3FDB];
	_ =	sdelay $0x1  }
0x99: {  	s19 =	simm.s32 $_scs_section_size  }
0x9a: {  	s4 =	simm.s32 $_size__tile_overlayer_lowered;
	s5 =	simm.s32 $_tile_overlayer_lowered  }
0x9b: {  	s22 =	simm.s32 $0x1BFF;
	s21 =	sshll.u32 s5, $0x1;
	s2 =	sadd.s32 s19, s18  }
0x9c: {  	s6 =	simm.s32 $0x0;
	s20 =	sshll.u32 s4, $0x1;
	s4 =	sadd.s32 s21, s2  }
0x9d: {  	[timem:s6], [sflag:s22] =	dma.local [hbm:s4], s20  }
0x9e: {  	_ =	swait.ge [sflag:s22], s20  }
0x9f: {  	s3 =	ssub.s32 $0x0, s20;
	[sflag:s22] =	ssyncset.done $0x0  }
0xa0: {  	[sflag:s22] =	ssyncadd.s32 s3;
	_ =	sdelay $0x1  }
0xa1: {  	s23 =	simm.s32 $0x1B8B  }
0xa2: {  	_ =	swait.ge [sflag:s23], $0x1  }
0xa3: {  	[sflag:s23] =	ssyncset.done $0x0  }
0xa4: {  	s25 =	simm.s32 $0x1B8E;
	s24 =	sld [smem:$0x3FFE];
	[sflag:s23] =	ssyncadd.s32 $0xFFFFFFFF  }
0xa5: {  	s26 =	simm.s32 $execute0_lowered;
	[smem:$0x3FD2] =	sst s25  }
0xa6: {  	s4 =	sshll.u32 s26, $0x1;
	_ =	strace $0x8000004F;
	[dreg:$0x1] =	wrdreg $0xFFFFFFFF  }
0xa7: {  	s28 =	simm.s32 $_size_execute0_lowered;
	s2 =	sadd.s32 s2, s4;
	[dreg:$0x0] =	wrdreg $0x0  }
0xa8: {  	s4 =	sshll.u32 s28, $0x1;
	[dreg:$0x2] =	wrdreg s2  }
0xa9: {  	[dreg:$0x3] =	wrdreg s4  }
0xaa: {  	[dreg:$0x4] =	wrdreg $0xC0  }
0xab: {  	_ =	task [dreg:s6], $0x5FFFF  }
0xac: {  	[dreg:$0x1] =	wrdreg $0xFFFFFFFF  }
0xad: {  	[dreg:$0x0] =	wrdreg $0x60  }
0xae: {  	[dreg:$0x2] =	wrdreg s24  }
0xaf: {  	[dreg:$0x3] =	wrdreg $0x3C000  }
0xb0: {  	[dreg:$0x4] =	wrdreg $0x9  }
0xb1: {  	_ =	task.clear_ibuf [dreg:s6], $0x5FFFF;
	_ =	strace $0x9000004F  }
0xb2: {  	s29 =	simm.s32 $0x9;
	_ =	strace $0x80000051  }
0xb3: {  	_ =	swait.ge [sflag:s29], $0x1  }
0xb4: {  	[sflag:s29] =	ssyncadd.s32 $0xFFFFFFFF  }
0xb5: {  	_ =	strace $0x90000051  }
0xb6: {  	_ =	sfence  }
0xb7: {  	s30 =	sld [smem:$0x0];
	_ =	sdelay $0x2  }
0xb8: {  	s31 =	sshll.u32 s1, $0xD;
	s1 =	sshrl.u32 s1, $0x2  }
0xb9: {  	s3 =	sand.u32 $0x4000, s31;
	s1 =	sadd.s32 s1, s30  }
0xba: {  	s0 =	sor.u32 s3, s0;
	s1 =	sshll.u32 s1, $0x11  }
0xbb: {  	s0 =	sor.u32 s1, s0  }
0xbc: {  	s0 =	sadd.s32 $0x8F2B, s0  }
0xbd: {  	[sflag:s0] =	ssyncadd.remote.s32 $0x1  }
0xbe: {  	_ =	sfence.sel $0xFFFF  }
0xbf: {  	[dreg:$0x0] =	wrdreg $0xFFFFFFFF;
	(pc) =	sbr.abs _section_cstart, $3  }
0xc0: {  	[dreg:$0x1] =	wrdreg $0xFFFFFFFF  }
0xc1: {  	_ =	task.clear_ibuf [dreg:s6], $0x2FFFF;
	_ =	strace $0x9FFFFFFF  }
0xc2: {  	(tm) =	ssettm $0x7FFFFFFF  }
0xc3: {  	_ =	shalt  }
tec
execute0_lowered:
.L_overlay_start_1:
0x0: {  	(tag) =	ssettag $0x1  }
0x1: {  	s0 =	stileid.u32  }
0x2: {  	s1 =	srdreg.scid;
	s5 =	rddreg [dreg:$0x0]  }
0x3: {  	s2 =	rddreg [dreg:$0x1];
	s6 =	smul.u32 $0x19000, s0  }
0x4: {  	s3 =	simm.s32 $0x0;
	s4 =	sand.u32 $0x1, s1;
	s8 =	smul.u32 $0xC350, s0  }
0x5: {  	s14 =	simm.s32 $0x0;
	s25 =	sshll.u32 s0, $0x1;
	s9 =	smul.u32 $0xC3500, s4  }
0x6: {  	[smem:$0x7FF] =	sst s3;
	s1 =	sor.u32 s4, s25;
	s12 =	smul.u32 $0xC800, s4  }
0x7: {  	s31 =	sshll.u32 s0, $0x6;
	s11 =	ssub.s32 $0x2, s4;
	s7 =	smul.u32 $0x1400, s1  }
0x8: {  	s1 =	rddreg [dreg:$0x2];
	_ =	strace $0x80000050;
	s10 =	sadd.s32 s6, s5  }
0x9: {  	s28 =	sshrl.u32 s8, $0x3;
	s29 =	sshrl.u32 s11, $0x1;
	s13 =	sadd.s32 s8, s2  }
0xa: {  	s9 =	sadd.s32 s8, s9;
	s11 =	ssub.s32 s11, s29;
	s30 =	sadd.s32 s12, s10  }
0xb: {  	s10 =	sor.u32 $0x1C01, s31;
	s12 =	simm.s32 $0x1400;
	s26 =	sshrl.u32 s7, $0x3  }
0xc: {  	s7 =	sadd.s32 s28, s5;
	s9 =	sshrl.u32 s9, $0x3;
	s8 =	sadd.s32 $0x3E1600, s30  }
0xd: {  	s6 =	sadd.s32 s26, s5;
	s9 =	sadd.s32 s9, s5;
	s5 =	sadd.s32 $0x36600, s7  }
0xe: {  	s7 =	smax.u32 s11, $0x1;
	s11 =	sshrl.u32 s13, $0x3;
	s13 =	simm.s32 $0x80  }
0xf: {  	s4 =	sadd.s32 $0xA400, s6;
	s6 =	sadd.s32 $0x4EE00, s9;
	s9 =	simm.s32 $0x1  }
.LBB2_1:
0x10: {  	[tilespmem:s3], [sflag:$0x1] =	stream.linear.gather [hbm4b:s4+s3], $0x1400, $0x38;
	[tilespmem:$0xFF50] =	vst v63  }
0x11: {  	_ =	swait.ge [sflag:s9], $0x1400  }
0x12: {  	[sflag:s9] =	ssyncset.done $0x0  }
0x13: {  	[sflag:s9] =	ssyncadd.s32 $0xFFFFEC00  }
0x14: {  	[spmem:s11], [sflag:s10] =	dma.local [hbm:s5], $0x186A  }
0x15: {  	_ =	swait.ge [sflag:s9], $0x186A  }
0x16: {  	[sflag:s9] =	ssyncset.done $0x0  }
0x17: {  	[sflag:s9] =	ssyncadd.s32 $0xFFFFE796  }
0x18: {  	[bflag:$0x0] =	sbarrier.arrive $0xFFFF  }
0x19: {  	[tilespmem:s12], [sflag:$0x1] =	stream.linear.gather [hbm4b:s8+s3], $0x2800, $0x38;
	[tilespmem:$0xFF50] =	vst v63  }
0x1a: {  	_ =	swait.ge [sflag:s9], $0x2800  }
0x1b: {  	[sflag:s9] =	ssyncset.done $0x0  }
0x1c: {  	s15 =	simm.s32 $0x0;
	[sflag:s9] =	ssyncadd.s32 $0xFFFFD800  }
0x1d: {  	[spmem:s2] =	stream.indirect.scatter.add.f32 [tilespmem:s12], [sflag:$0x1], $0x50, s15, s13, $0xb8;
	[tilespmem:$0xFF50] =	vst v63  }
0x1e: {  	_ =	swait.ge [sflag:s9], $0x2800  }
0x1f: {  	s16 =	smov.u32 s8;
	s15 =	simm.s32 $0x200;
	[sflag:s9] =	ssyncset.done $0x0  }
.LBB2_2:
0x20: {  	p0 =	sne.s32 s15, $0x4E00;
	[sflag:s9] =	ssyncadd.s32 $0xFFFFD800;
	s16 =	sadd.s32 $0x500, s16  }
0x21: {  	[tilespmem:s12], [sflag:$0x1] =	stream.linear.gather [hbm4b:s16+s3], $0x2800, $0x38;
	[tilespmem:$0xFF50] =	vst v63  }
0x22: {  	s17 =	smov.u32 s15;
	s15 =	sadd.s32 $0x200, s15;
	_ =	swait.ge [sflag:s9], $0x2800  }
.Ltmp0:
0x23: {  	[sflag:s9] =	ssyncset.done $0x0;
	(pc) =	sbr.rel @p0 .LBB2_2-.Ltmp0, $4  }
0x24: {  	s17 =	sshra.s32 s17, $0x2;
	[sflag:s9] =	ssyncadd.s32 $0xFFFFD800  }
0x25: {  	[spmem:s2] =	stream.indirect.scatter.add.f32 [tilespmem:s12], [sflag:$0x1], $0x50, s17, s13, $0xb8;
	[tilespmem:$0xFF50] =	vst v63  }
0x26: {  	_ =	swait.ge [sflag:s9], $0x2800  }
0x27: {  	[sflag:s9] =	ssyncset.done $0x0  }
0x28: {  	s14 =	sadd.s32 $0x1, s14  }
0x29: {  	[sflag:s9] =	ssyncadd.s32 $0xFFFFD800;
	p0 =	sne.s32 s14, s7  }
.Ltmp1:
0x2a: {  	[bflag:$0x0] =	sbarrier.arrive $0xFFFF;
	(pc) =	sbr.rel @p0 .LBB2_1-.Ltmp1, $4  }
0x2b: {  	[hbm:s6], [sflag:s10] =	dma.local [spmem:s11], $0x186A  }
0x2c: {  	_ =	swait.ge [sflag:s9], $0x186A  }
0x2d: {  	[sflag:s9] =	ssyncset.done $0x0  }
0x2e: {  	[sflag:s9] =	ssyncadd.s32 $0xFFFFE796  }
0x2f: {  	_ =	sfence.sel $0x180000  }
0x30: {  	[bflag:$0x0] =	sbarrier.arrive $0xFFFF  }
0x31: {  	p0 =	sne.s32 s0, $0x0;
	_ =	strace $0x90000050  }
0x32: {  	s0 =	sadd.s32 @!p0 $0x100000, s1;
	[bflag:$0x2] =	sbarrier.arrive $0xFFFF  }
0x33: {  	[sflag:s0] =	ssyncadd.tile.s32 @!p0 $0x1;
	_ =	shalt  }
.Lfunc_end2:
_tile_overlayer_lowered:
.L_overlay_start_2:
0x34: {  	(tag) =	ssettag $0x2  }
0x35: {  	s0 =	rddreg [dreg:$0x0];
	s2 =	stileid.u32  }
0x36: {  	s1 =	rddreg [dreg:$0x1];
	p0 =	sne.s32 s2, $0x0  }
0x37: {  	s3 =	rddreg [dreg:$0x2];
	[bflag:$0x3] =	sbarrier.arrive $0xFFFF;
	s2 =	simm.s32 @!p0 $0x1C01  }
0x38: {  	[timem:s3], [sflag:s2] =	dma.local @!p0 [hbm:s0], s1  }
0x39: {  	s0 =	simm.s32 @!p0 $0x1  }
0x3a: {  	_ =	swait.ge @!p0 [sflag:s0], s1  }
0x3b: {  	s1 =	ssub.s32 @!p0 $0x0, s1;
	[sflag:s0] =	ssyncset.done @!p0 $0x0  }
0x3c: {  	[sflag:s0] =	ssyncadd.s32 @!p0 s1  }
0x3d: {  	[bflag:$0x3] =	sbarrier.arrive $0xFFFF  }
0x3e: {  	_ =	shalt  }

// kernel: kernel.25.cloned.1.call-start
scs
__scs_entry_jumppad:
0x0: {  	(pc) =	sbr.rel $0x88, $3  }
0x1: {  	(tag) =	ssettag $0x0;
	lr =	simm.s32 $0x1  }
0x2: {  	[smem:$0x3F90] =	sst lr;
	_ =	strace $0xD0000000  }
0x3: {  	_ = 	snop  }
0x4: {  	_ = 	snop  }
0x5: {  	_ = 	snop  }
0x6: {  	_ = 	snop  }
0x7: {  	_ = 	snop  }
__scs_overlays_trampoline_lowered:
0x8: {  	[smem:$0x3F9F] =	sst s0  }
0x9: {  	[smem:$0x3FA0] =	sst s1  }
0xa: {  	[smem:$0x3FA1] =	sst s2  }
0xb: {  	[smem:$0x3FA2] =	sst s3  }
0xc: {  	[smem:$0x3FA3] =	sst s4  }
0xd: {  	[smem:$0x3FA4] =	sst s5  }
0xe: {  	[smem:$0x3FA5] =	sst s6  }
0xf: {  	[smem:$0x3FA6] =	sst s7  }
0x10: {  	[smem:$0x3FA7] =	sst s8  }
0x11: {  	[smem:$0x3FA8] =	sst s9;
	s0 =	simm.s32 @!p0 $0x0  }
0x12: {  	s1 =	sld [smem:$0x3F8E];
	s0 =	simm.s32 @p0 $0x1  }
0x13: {  	[smem:$0x3FA9] =	sst s0;
	s0 =	simm.s32 @!p1 $0x0  }
0x14: {  	s2 =	sld [smem:$0x3F8D];
	s0 =	simm.s32 @p1 $0x1  }
0x15: {  	[smem:$0x3FAA] =	sst s0;
	s0 =	simm.s32 @!p2 $0x0  }
0x16: {  	s3 =	sld [smem:$0x3FDB];
	s0 =	simm.s32 @p2 $0x1  }
0x17: {  	s4 =	simm.s32 $0x1BF5;
	[smem:$0x3FAC] =	sst s0  }
0x18: {  	s0 =	sld [smem:$0x3F8F];
	_ =	swait.ge [sflag:s4], $0x0  }
0x19: {  	s7 =	sld [smem:$0x3F90]  }
0x1a: {  	s8 =	sadd.s32 $0xFFFFE003, lr  }
0x1b: {  	s9 =	sadd.s32 $0xFFFFFEF7, lr;
	s5 =	simm.s32 $0xFFFFFFFF;
	p2 =	slt.u32 s8, $0xFFFFF086  }
0x1c: {  	p1 =	slt.u32 s9, $0xF7A;
	s5 =	simm.s32 @!p2 $0x0  }
0x1d: {  	s5 =	simm.s32 @p1 $0x1;
	p0 =	seq.s32 s7, s2  }
0x1e: {  	s7 =	smul.u32 @!p0 $0xF7A, s2;
	p2 =	seq.s32 @!p0 s5, $0x0  }
0x1f: {  	s9 =	smul.u32 $0xF7A, s1;
	s8 =	simm.s32 @!p0 $0x1BF5;
	p2 =	por !p2, p0  }
0x20: {  	[sflag:s8] =	ssyncset.s32 @!p0 $0xFFFFF086;
	s6 =	sadd.s32 @!p0 s3, s7;
	s7 =	simm.s32 @!p0 $0x108  }
0x21: {  	s3 =	sadd.s32 s3, s9;
	s6 =	sadd.s32 @!p0 $0x88, s6;
	s7 =	simm.s32 @p2 $0x1082  }
0x22: {  	[simem:s7], [sflag:s8] =	dma.local @!p0 [hbm:s6], $0xF7A  }
0x23: {  	s9 =	sor.u32 $0xD0000000, s2;
	s6 =	simm.s32 $0x108;
	_ =	swait.ge @!p0 [sflag:s8], $0x0  }
0x24: {  	s3 =	sadd.s32 $0x88, s3;
	s6 =	simm.s32 @!p1 $0x1082;
	[sflag:s4] =	ssyncset.s32 $0xFFFFF086  }
0x25: {  	[simem:s6], [sflag:s4] =	dma.local [hbm:s3], $0xF7A  }
0x26: {  	[smem:$0x3F90] =	sst s1;
	(tag) =	ssettag s2;
	_ =	strace s9  }
0x27: {  	s1 =	sld [smem:$0x3FA0]  }
0x28: {  	s2 =	sld [smem:$0x3FA1]  }
0x29: {  	s4 =	sld [smem:$0x3FA3]  }
0x2a: {  	p0 =	seq.s32 s5, $0x0;
	s5 =	sld [smem:$0x3FA4]  }
0x2b: {  	s6 =	sld [smem:$0x3FA5]  }
0x2c: {  	s7 =	sld [smem:$0x3FA6]  }
0x2d: {  	s3 =	simm.s32 $0x108;
	s8 =	sld [smem:$0x3FA7]  }
0x2e: {  	s3 =	simm.s32 @!p0 $0x1082;
	s9 =	sld [smem:$0x3FA8]  }
0x2f: {  	lr =	sadd.s32 s0, s3;
	s0 =	sld [smem:$0x3F9F]  }
0x30: {  	s3 =	sld [smem:$0x3FA2]  }
0x31: {  	[smem:$0x3FAB] =	sst s10  }
0x32: {  	s10 =	sld [smem:$0x3FA9];
	_ =	sdelay $0x3  }
0x33: {  	p0 =	seq.s32 s10, $0x1;
	s10 =	sld [smem:$0x3FAB];
	_ =	sdelay $0x3  }
0x34: {  	[smem:$0x3FAB] =	sst s10  }
0x35: {  	s10 =	sld [smem:$0x3FAA];
	_ =	sdelay $0x3  }
0x36: {  	p1 =	seq.s32 s10, $0x1;
	s10 =	sld [smem:$0x3FAB];
	_ =	sdelay $0x3  }
0x37: {  	[smem:$0x3FAB] =	sst s10  }
0x38: {  	s10 =	sld [smem:$0x3FAC]  }
0x39: {  	_ = 	snop;
	(pc) =	sbr.ind lr, $3  }
0x3a: {  	_ = 	snop  }
0x3b: {  	_ = 	snop  }
0x3c: {  	p2 =	seq.s32 s10, $0x1;
	s10 =	sld [smem:$0x3FAB]  }
0x3d: {  	_ =	shalt  }
0x3e: {  	_ =	shalt  }
0x3f: {  	_ =	shalt  }
0x40: {  	_ =	shalt  }
0x41: {  	_ =	shalt  }
0x42: {  	_ =	shalt  }
0x43: {  	_ =	shalt  }
0x44: {  	_ =	shalt  }
0x45: {  	_ =	shalt  }
0x46: {  	_ =	shalt  }
0x47: {  	_ =	shalt  }
0x48: {  	_ =	shalt  }
0x49: {  	_ =	shalt  }
0x4a: {  	_ =	shalt  }
0x4b: {  	_ =	shalt  }
0x4c: {  	_ =	shalt  }
0x4d: {  	_ =	shalt  }
0x4e: {  	_ =	shalt  }
0x4f: {  	_ =	shalt  }
0x50: {  	_ =	shalt  }
0x51: {  	_ =	shalt  }
0x52: {  	_ =	shalt  }
0x53: {  	_ =	shalt  }
0x54: {  	_ =	shalt  }
0x55: {  	_ =	shalt  }
0x56: {  	_ =	shalt  }
0x57: {  	_ =	shalt  }
0x58: {  	_ =	shalt  }
0x59: {  	_ =	shalt  }
0x5a: {  	_ =	shalt  }
0x5b: {  	_ =	shalt  }
0x5c: {  	_ =	shalt  }
0x5d: {  	_ =	shalt  }
0x5e: {  	_ =	shalt  }
0x5f: {  	_ =	shalt  }
0x60: {  	_ =	shalt  }
0x61: {  	_ =	shalt  }
0x62: {  	_ =	shalt  }
0x63: {  	_ =	shalt  }
0x64: {  	_ =	shalt  }
0x65: {  	_ =	shalt  }
0x66: {  	_ =	shalt  }
0x67: {  	_ =	shalt  }
0x68: {  	_ =	shalt  }
0x69: {  	_ =	shalt  }
0x6a: {  	_ =	shalt  }
0x6b: {  	_ =	shalt  }
0x6c: {  	_ =	shalt  }
0x6d: {  	_ =	shalt  }
0x6e: {  	_ =	shalt  }
0x6f: {  	_ =	shalt  }
0x70: {  	_ =	shalt  }
0x71: {  	_ =	shalt  }
0x72: {  	_ =	shalt  }
0x73: {  	_ =	shalt  }
0x74: {  	_ =	shalt  }
0x75: {  	_ =	shalt  }
0x76: {  	_ =	shalt  }
0x77: {  	_ =	shalt  }
0x78: {  	_ =	shalt  }
0x79: {  	_ =	shalt  }
0x7a: {  	_ =	shalt  }
0x7b: {  	_ =	shalt  }
0x7c: {  	_ =	shalt  }
0x7d: {  	_ =	shalt  }
0x7e: {  	_ =	shalt  }
0x7f: {  	_ =	shalt  }
0x80: {  	_ =	shalt  }
0x81: {  	_ =	shalt  }
0x82: {  	_ =	shalt  }
0x83: {  	_ =	shalt  }
0x84: {  	_ =	shalt  }
0x85: {  	_ =	shalt  }
0x86: {  	_ =	shalt  }
0x87: {  	_ =	shalt  }
.Lfunc_end0:
.L_simem_size_0:
called_computation.4_lowered:
.L_overlay_start_0:
0x88: {  	s2 =	sld [smem:$0x3FD9]  }
0x89: {  	s3 =	sld [smem:$0x3FFE];
	_ =	sdelay $0x1  }
0x8a: {  	s1 =	srdreg.scid  }
0x8b: {  	s0 =	sand.u32 $0x1, s1  }
0x8c: {  	s16 =	sshll.u32 s0, $0xA;
	s2 =	sadd.s32 s3, s2  }
0x8d: {  	s2 =	sadd.s32 s2, s16  }
0x8e: {  	[smem:$0x3FB7] =	sst s2  }
0x8f: {  	_ = 	snop  }
0x90: {  	(tm) =	ssettm $0x1  }
0x91: {  	s17 =	sld [smem:$0x3FFB];
	_ =	sdelay $0x3  }
0x92: {  	_ =	strace s17  }
0x93: {  	s2 =	sld [smem:$0x3FFC];
	_ =	sdelay $0x3  }
0x94: {  	_ =	strace s2  }
0x95: {  	s2 =	sld [smem:$0x3FFD];
	_ =	sdelay $0x3  }
0x96: {  	_ =	strace s2  }
0x97: {  	_ =	strace $0x8FFFFFFF  }
0x98: {  	s18 =	sld [smem:$0x3FDB];
	_ =	sdelay $0x1  }
0x99: {  	s19 =	simm.s32 $_scs_section_size  }
0x9a: {  	s4 =	simm.s32 $_size__tile_overlayer_lowered;
	s5 =	simm.s32 $_tile_overlayer_lowered  }
0x9b: {  	s22 =	simm.s32 $0x1BFF;
	s21 =	sshll.u32 s5, $0x1;
	s2 =	sadd.s32 s19, s18  }
0x9c: {  	s6 =	simm.s32 $0x0;
	s20 =	sshll.u32 s4, $0x1;
	s4 =	sadd.s32 s21, s2  }
0x9d: {  	[timem:s6], [sflag:s22] =	dma.local [hbm:s4], s20  }
0x9e: {  	_ =	swait.ge [sflag:s22], s20  }
0x9f: {  	s3 =	ssub.s32 $0x0, s20;
	[sflag:s22] =	ssyncset.done $0x0  }
0xa0: {  	[sflag:s22] =	ssyncadd.s32 s3;
	_ =	sdelay $0x1  }
0xa1: {  	s23 =	simm.s32 $0x1B8B  }
0xa2: {  	_ =	swait.ge [sflag:s23], $0x1  }
0xa3: {  	[sflag:s23] =	ssyncset.done $0x0  }
0xa4: {  	s25 =	simm.s32 $0x1B8E;
	s24 =	sld [smem:$0x3FFE];
	[sflag:s23] =	ssyncadd.s32 $0xFFFFFFFF  }
0xa5: {  	s26 =	simm.s32 $execute0_lowered;
	[smem:$0x3FD2] =	sst s25  }
0xa6: {  	s4 =	sshll.u32 s26, $0x1;
	_ =	strace $0x80000052;
	[dreg:$0x1] =	wrdreg $0xFFFFFFFF  }
0xa7: {  	s28 =	simm.s32 $_size_execute0_lowered;
	s2 =	sadd.s32 s2, s4;
	[dreg:$0x0] =	wrdreg $0x0  }
0xa8: {  	s4 =	sshll.u32 s28, $0x1;
	[dreg:$0x2] =	wrdreg s2  }
0xa9: {  	[dreg:$0x3] =	wrdreg s4  }
0xaa: {  	[dreg:$0x4] =	wrdreg $0xC0  }
0xab: {  	_ =	task [dreg:s6], $0x5FFFF  }
0xac: {  	[dreg:$0x1] =	wrdreg $0xFFFFFFFF  }
0xad: {  	[dreg:$0x0] =	wrdreg $0x60  }
0xae: {  	[dreg:$0x2] =	wrdreg s24  }
0xaf: {  	[dreg:$0x3] =	wrdreg $0x9  }
0xb0: {  	_ =	task.clear_ibuf [dreg:s6], $0x4FFFF;
	_ =	strace $0x90000052  }
0xb1: {  	s29 =	simm.s32 $0x9;
	_ =	strace $0x80000054  }
0xb2: {  	_ =	swait.ge [sflag:s29], $0x1  }
0xb3: {  	[sflag:s29] =	ssyncadd.s32 $0xFFFFFFFF  }
0xb4: {  	_ =	strace $0x90000054  }
0xb5: {  	_ =	sfence  }
0xb6: {  	s30 =	sld [smem:$0x0];
	_ =	sdelay $0x2  }
0xb7: {  	s31 =	sshll.u32 s1, $0xD;
	s1 =	sshrl.u32 s1, $0x2  }
0xb8: {  	s3 =	sand.u32 $0x4000, s31;
	s1 =	sadd.s32 s1, s30  }
0xb9: {  	s0 =	sor.u32 s3, s0;
	s1 =	sshll.u32 s1, $0x11  }
0xba: {  	s0 =	sor.u32 s1, s0  }
0xbb: {  	s0 =	sadd.s32 $0x8F2B, s0  }
0xbc: {  	[sflag:s0] =	ssyncadd.remote.s32 $0x1  }
0xbd: {  	_ =	sfence.sel $0xFFFF  }
0xbe: {  	[dreg:$0x0] =	wrdreg $0xFFFFFFFF;
	(pc) =	sbr.abs _section_cstart, $3  }
0xbf: {  	[dreg:$0x1] =	wrdreg $0xFFFFFFFF  }
0xc0: {  	_ =	task.clear_ibuf [dreg:s6], $0x2FFFF;
	_ =	strace $0x9FFFFFFF  }
0xc1: {  	(tm) =	ssettm $0x7FFFFFFF  }
tec
execute0_lowered:
.L_overlay_start_1:
0x0: {  	(tag) =	ssettag $0x1  }
0x1: {  	s4 =	rddreg [dreg:$0x0]  }
0x2: {  	s0 =	rddreg [dreg:$0x1]  }
0x3: {  	s3 =	srdreg.scid;
	s1 =	stileid.u32;
	s2 =	simm.s32 $0x0  }
0x4: {  	s11 =	simm.s32 $0x0;
	s5 =	sand.u32 $0x1, s3;
	s28 =	sshll.u32 s1, $0x1  }
0x5: {  	[smem:$0x7FF] =	sst s2;
	s7 =	smul.u32 $0x19000, s1;
	s3 =	sor.u32 s5, s28  }
0x6: {  	_ =	strace $0x80000053;
	s8 =	ssub.s32 $0x2, s5;
	s10 =	smul.u32 $0xC800, s5  }
0x7: {  	s6 =	smul.u32 $0x1400, s3;
	s3 =	sadd.s32 $0x4EE00, s4;
	s9 =	sshrl.u32 s8, $0x1  }
0x8: {  	s30 =	sadd.s32 s7, s4;
	s7 =	simm.s32 $0x2;
	s31 =	ssub.s32 s8, s9  }
0x9: {  	s8 =	simm.s32 $0x80;
	s9 =	simm.s32 $0x1400;
	s6 =	sshrl.u32 s6, $0x3  }
0xa: {  	s5 =	smax.u32 s31, $0x1;
	s29 =	sadd.s32 s6, s4;
	s6 =	sadd.s32 s10, s30  }
0xb: {  	s10 =	simm.s32 $0x1;
	s4 =	sadd.s32 $0x8B600, s29;
	s6 =	sadd.s32 $0x3E1600, s6  }
.LBB2_1:
0xc: {  	[tilespmem:s2], [sflag:$0x2] =	stream.linear.gather [hbm4b:s4+s2], $0x1400, $0x38;
	[tilespmem:$0x3C00] =	vst v63  }
0xd: {  	_ =	swait.ge [sflag:s7], $0x1400  }
0xe: {  	[sflag:s7] =	ssyncset.done $0x0  }
0xf: {  	s12 =	simm.s32 $0x0;
	[sflag:s7] =	ssyncadd.s32 $0xFFFFEC00  }
0x10: {  	[tilespmem:s9], [sflag:$0x1] =	stream.indirect.gather [hbm4b:s3+s8], $0x50, s12, s8, $0xb8;
	[tilespmem:$0x3C00] =	vst v63  }
0x11: {  	_ =	swait.ge [sflag:s10], $0x2800  }
0x12: {  	[sflag:s10] =	ssyncset.done $0x0  }
0x13: {  	[sflag:s10] =	ssyncadd.s32 $0xFFFFD800  }
0x14: {  	[hbm4b:s6+s2] =	stream.linear.scatter [tilespmem:s9], [sflag:$0x2], $0x2800, $0x38;
	[tilespmem:$0x3C00] =	vst v63  }
0x15: {  	s13 =	simm.s32 $0x200;
	_ =	swait.ge [sflag:s7], $0x2800  }
0x16: {  	s14 =	simm.s32 $0x400;
	s12 =	sadd.s32 $0x500, s6;
	[sflag:s7] =	ssyncset.done $0x0  }
.LBB2_2:
0x17: {  	s15 =	sshra.s32 s13, $0x2  }
0x18: {  	[sflag:s7] =	ssyncadd.s32 $0xFFFFD800;
	s13 =	smov.u32 s14;
	s16 =	sadd.s32 $0x200, s14  }
0x19: {  	[tilespmem:s9], [sflag:$0x1] =	stream.indirect.gather [hbm4b:s3+s8], $0x50, s15, s8, $0xb8;
	[tilespmem:$0x3C00] =	vst v63  }
0x1a: {  	p0 =	sne.s32 s14, $0x4E00;
	_ =	swait.ge [sflag:s10], $0x2800  }
.Ltmp0:
0x1b: {  	[sflag:s10] =	ssyncset.done $0x0;
	(pc) =	sbr.rel @p0 .LBB2_2-.Ltmp0, $4  }
0x1c: {  	[sflag:s10] =	ssyncadd.s32 $0xFFFFD800  }
0x1d: {  	[hbm4b:s12+s2] =	stream.linear.scatter [tilespmem:s9], [sflag:$0x2], $0x2800, $0x38;
	[tilespmem:$0x3C00] =	vst v63  }
0x1e: {  	_ =	swait.ge [sflag:s7], $0x2800  }
0x1f: {  	s14 =	smov.u32 s16;
	s12 =	sadd.s32 $0x500, s12;
	[sflag:s7] =	ssyncset.done $0x0  }
0x20: {  	s13 =	sshra.s32 s13, $0x2;
	[sflag:s7] =	ssyncadd.s32 $0xFFFFD800  }
0x21: {  	[tilespmem:s9], [sflag:$0x1] =	stream.indirect.gather [hbm4b:s3+s8], $0x50, s13, s8, $0xb8;
	[tilespmem:$0x3C00] =	vst v63  }
0x22: {  	s11 =	sadd.s32 $0x1, s11;
	_ =	swait.ge [sflag:s10], $0x2800  }
0x23: {  	p0 =	sne.s32 s11, s5;
	[sflag:s10] =	ssyncset.done $0x0  }
.Ltmp1:
0x24: {  	[sflag:s10] =	ssyncadd.s32 $0xFFFFD800;
	(pc) =	sbr.rel @p0 .LBB2_1-.Ltmp1, $4  }
0x25: {  	[hbm4b:s12+s2] =	stream.linear.scatter [tilespmem:s9], [sflag:$0x2], $0x2800, $0x38;
	[tilespmem:$0x3C00] =	vst v63  }
0x26: {  	_ =	swait.ge [sflag:s7], $0x2800  }
0x27: {  	[sflag:s7] =	ssyncset.done $0x0  }
0x28: {  	[sflag:s7] =	ssyncadd.s32 $0xFFFFD800  }
0x29: {  	_ =	sfence.sel $0x180000  }
0x2a: {  	[bflag:$0x0] =	sbarrier.arrive $0xFFFF  }
0x2b: {  	p0 =	sne.s32 s1, $0x0;
	_ =	strace $0x90000053  }
0x2c: {  	s0 =	sadd.s32 @!p0 $0x100000, s0;
	[bflag:$0x2] =	sbarrier.arrive $0xFFFF  }
0x2d: {  	[sflag:s0] =	ssyncadd.tile.s32 @!p0 $0x1;
	_ =	shalt  }
.Lfunc_end2:
_tile_overlayer_lowered:
.L_overlay_start_2:
0x2e: {  	(tag) =	ssettag $0x2  }
0x2f: {  	s0 =	rddreg [dreg:$0x0];
	s2 =	stileid.u32  }
0x30: {  	s1 =	rddreg [dreg:$0x1];
	p0 =	sne.s32 s2, $0x0  }
0x31: {  	s3 =	rddreg [dreg:$0x2];
	[bflag:$0x3] =	sbarrier.arrive $0xFFFF;
	s2 =	simm.s32 @!p0 $0x1C02  }
0x32: {  	[timem:s3], [sflag:s2] =	dma.local @!p0 [hbm:s0], s1  }
0x33: {  	s0 =	simm.s32 @!p0 $0x2  }
0x34: {  	_ =	swait.ge @!p0 [sflag:s0], s1  }
0x35: {  	s1 =	ssub.s32 @!p0 $0x0, s1;
	[sflag:s0] =	ssyncset.done @!p0 $0x0  }
0x36: {  	[sflag:s0] =	ssyncadd.s32 @!p0 s1  }
0x37: {  	[bflag:$0x3] =	sbarrier.arrive $0xFFFF  }
0x38: {  	_ =	shalt  }

// kernel: kernel.28.cloned.1.call-start
scs
__scs_entry_jumppad:
0x0: {  	(pc) =	sbr.rel $0x88, $3  }
0x1: {  	(tag) =	ssettag $0x0;
	lr =	simm.s32 $0x1  }
0x2: {  	[smem:$0x3F90] =	sst lr;
	_ =	strace $0xD0000000  }
0x3: {  	_ = 	snop  }
0x4: {  	_ = 	snop  }
0x5: {  	_ = 	snop  }
0x6: {  	_ = 	snop  }
0x7: {  	_ = 	snop  }
__scs_overlays_trampoline_lowered:
0x8: {  	[smem:$0x3F9F] =	sst s0  }
0x9: {  	[smem:$0x3FA0] =	sst s1  }
0xa: {  	[smem:$0x3FA1] =	sst s2  }
0xb: {  	[smem:$0x3FA2] =	sst s3  }
0xc: {  	[smem:$0x3FA3] =	sst s4  }
0xd: {  	[smem:$0x3FA4] =	sst s5  }
0xe: {  	[smem:$0x3FA5] =	sst s6  }
0xf: {  	[smem:$0x3FA6] =	sst s7  }
0x10: {  	[smem:$0x3FA7] =	sst s8  }
0x11: {  	[smem:$0x3FA8] =	sst s9;
	s0 =	simm.s32 @!p0 $0x0  }
0x12: {  	s1 =	sld [smem:$0x3F8E];
	s0 =	simm.s32 @p0 $0x1  }
0x13: {  	[smem:$0x3FA9] =	sst s0;
	s0 =	simm.s32 @!p1 $0x0  }
0x14: {  	s2 =	sld [smem:$0x3F8D];
	s0 =	simm.s32 @p1 $0x1  }
0x15: {  	[smem:$0x3FAA] =	sst s0;
	s0 =	simm.s32 @!p2 $0x0  }
0x16: {  	s3 =	sld [smem:$0x3FDB];
	s0 =	simm.s32 @p2 $0x1  }
0x17: {  	s4 =	simm.s32 $0x1BF5;
	[smem:$0x3FAC] =	sst s0  }
0x18: {  	s0 =	sld [smem:$0x3F8F];
	_ =	swait.ge [sflag:s4], $0x0  }
0x19: {  	s7 =	sld [smem:$0x3F90]  }
0x1a: {  	s8 =	sadd.s32 $0xFFFFE003, lr  }
0x1b: {  	s9 =	sadd.s32 $0xFFFFFEF7, lr;
	s5 =	simm.s32 $0xFFFFFFFF;
	p2 =	slt.u32 s8, $0xFFFFF086  }
0x1c: {  	p1 =	slt.u32 s9, $0xF7A;
	s5 =	simm.s32 @!p2 $0x0  }
0x1d: {  	s5 =	simm.s32 @p1 $0x1;
	p0 =	seq.s32 s7, s2  }
0x1e: {  	s7 =	smul.u32 @!p0 $0xF7A, s2;
	p2 =	seq.s32 @!p0 s5, $0x0  }
0x1f: {  	s9 =	smul.u32 $0xF7A, s1;
	s8 =	simm.s32 @!p0 $0x1BF5;
	p2 =	por !p2, p0  }
0x20: {  	[sflag:s8] =	ssyncset.s32 @!p0 $0xFFFFF086;
	s6 =	sadd.s32 @!p0 s3, s7;
	s7 =	simm.s32 @!p0 $0x108  }
0x21: {  	s3 =	sadd.s32 s3, s9;
	s6 =	sadd.s32 @!p0 $0x88, s6;
	s7 =	simm.s32 @p2 $0x1082  }
0x22: {  	[simem:s7], [sflag:s8] =	dma.local @!p0 [hbm:s6], $0xF7A  }
0x23: {  	s9 =	sor.u32 $0xD0000000, s2;
	s6 =	simm.s32 $0x108;
	_ =	swait.ge @!p0 [sflag:s8], $0x0  }
0x24: {  	s3 =	sadd.s32 $0x88, s3;
	s6 =	simm.s32 @!p1 $0x1082;
	[sflag:s4] =	ssyncset.s32 $0xFFFFF086  }
0x25: {  	[simem:s6], [sflag:s4] =	dma.local [hbm:s3], $0xF7A  }
0x26: {  	[smem:$0x3F90] =	sst s1;
	(tag) =	ssettag s2;
	_ =	strace s9  }
0x27: {  	s1 =	sld [smem:$0x3FA0]  }
0x28: {  	s2 =	sld [smem:$0x3FA1]  }
0x29: {  	s4 =	sld [smem:$0x3FA3]  }
0x2a: {  	p0 =	seq.s32 s5, $0x0;
	s5 =	sld [smem:$0x3FA4]  }
0x2b: {  	s6 =	sld [smem:$0x3FA5]  }
0x2c: {  	s7 =	sld [smem:$0x3FA6]  }
0x2d: {  	s3 =	simm.s32 $0x108;
	s8 =	sld [smem:$0x3FA7]  }
0x2e: {  	s3 =	simm.s32 @!p0 $0x1082;
	s9 =	sld [smem:$0x3FA8]  }
0x2f: {  	lr =	sadd.s32 s0, s3;
	s0 =	sld [smem:$0x3F9F]  }
0x30: {  	s3 =	sld [smem:$0x3FA2]  }
0x31: {  	[smem:$0x3FAB] =	sst s10  }
0x32: {  	s10 =	sld [smem:$0x3FA9];
	_ =	sdelay $0x3  }
0x33: {  	p0 =	seq.s32 s10, $0x1;
	s10 =	sld [smem:$0x3FAB];
	_ =	sdelay $0x3  }
0x34: {  	[smem:$0x3FAB] =	sst s10  }
0x35: {  	s10 =	sld [smem:$0x3FAA];
	_ =	sdelay $0x3  }
0x36: {  	p1 =	seq.s32 s10, $0x1;
	s10 =	sld [smem:$0x3FAB];
	_ =	sdelay $0x3  }
0x37: {  	[smem:$0x3FAB] =	sst s10  }
0x38: {  	s10 =	sld [smem:$0x3FAC]  }
0x39: {  	_ = 	snop;
	(pc) =	sbr.ind lr, $3  }
0x3a: {  	_ = 	snop  }
0x3b: {  	_ = 	snop  }
0x3c: {  	p2 =	seq.s32 s10, $0x1;
	s10 =	sld [smem:$0x3FAB]  }
0x3d: {  	_ =	shalt  }
0x3e: {  	_ =	shalt  }
0x3f: {  	_ =	shalt  }
0x40: {  	_ =	shalt  }
0x41: {  	_ =	shalt  }
0x42: {  	_ =	shalt  }
0x43: {  	_ =	shalt  }
0x44: {  	_ =	shalt  }
0x45: {  	_ =	shalt  }
0x46: {  	_ =	shalt  }
0x47: {  	_ =	shalt  }
0x48: {  	_ =	shalt  }
0x49: {  	_ =	shalt  }
0x4a: {  	_ =	shalt  }
0x4b: {  	_ =	shalt  }
0x4c: {  	_ =	shalt  }
0x4d: {  	_ =	shalt  }
0x4e: {  	_ =	shalt  }
0x4f: {  	_ =	shalt  }
0x50: {  	_ =	shalt  }
0x51: {  	_ =	shalt  }
0x52: {  	_ =	shalt  }
0x53: {  	_ =	shalt  }
0x54: {  	_ =	shalt  }
0x55: {  	_ =	shalt  }
0x56: {  	_ =	shalt  }
0x57: {  	_ =	shalt  }
0x58: {  	_ =	shalt  }
0x59: {  	_ =	shalt  }
0x5a: {  	_ =	shalt  }
0x5b: {  	_ =	shalt  }
0x5c: {  	_ =	shalt  }
0x5d: {  	_ =	shalt  }
0x5e: {  	_ =	shalt  }
0x5f: {  	_ =	shalt  }
0x60: {  	_ =	shalt  }
0x61: {  	_ =	shalt  }
0x62: {  	_ =	shalt  }
0x63: {  	_ =	shalt  }
0x64: {  	_ =	shalt  }
0x65: {  	_ =	shalt  }
0x66: {  	_ =	shalt  }
0x67: {  	_ =	shalt  }
0x68: {  	_ =	shalt  }
0x69: {  	_ =	shalt  }
0x6a: {  	_ =	shalt  }
0x6b: {  	_ =	shalt  }
0x6c: {  	_ =	shalt  }
0x6d: {  	_ =	shalt  }
0x6e: {  	_ =	shalt  }
0x6f: {  	_ =	shalt  }
0x70: {  	_ =	shalt  }
0x71: {  	_ =	shalt  }
0x72: {  	_ =	shalt  }
0x73: {  	_ =	shalt  }
0x74: {  	_ =	shalt  }
0x75: {  	_ =	shalt  }
0x76: {  	_ =	shalt  }
0x77: {  	_ =	shalt  }
0x78: {  	_ =	shalt  }
0x79: {  	_ =	shalt  }
0x7a: {  	_ =	shalt  }
0x7b: {  	_ =	shalt  }
0x7c: {  	_ =	shalt  }
0x7d: {  	_ =	shalt  }
0x7e: {  	_ =	shalt  }
0x7f: {  	_ =	shalt  }
0x80: {  	_ =	shalt  }
0x81: {  	_ =	shalt  }
0x82: {  	_ =	shalt  }
0x83: {  	_ =	shalt  }
0x84: {  	_ =	shalt  }
0x85: {  	_ =	shalt  }
0x86: {  	_ =	shalt  }
0x87: {  	_ =	shalt  }
.Lfunc_end0:
.L_simem_size_0:
called_computation.5_lowered:
.L_overlay_start_0:
0x88: {  	s2 =	sld [smem:$0x3FD9]  }
0x89: {  	s3 =	sld [smem:$0x3FFE];
	_ =	sdelay $0x1  }
0x8a: {  	s1 =	srdreg.scid  }
0x8b: {  	s0 =	sand.u32 $0x1, s1  }
0x8c: {  	s16 =	sshll.u32 s0, $0xA;
	s2 =	sadd.s32 s3, s2  }
0x8d: {  	s2 =	sadd.s32 s2, s16  }
0x8e: {  	[smem:$0x3FB7] =	sst s2  }
0x8f: {  	_ = 	snop  }
0x90: {  	(tm) =	ssettm $0x1  }
0x91: {  	s17 =	sld [smem:$0x3FFB];
	_ =	sdelay $0x3  }
0x92: {  	_ =	strace s17  }
0x93: {  	s2 =	sld [smem:$0x3FFC];
	_ =	sdelay $0x3  }
0x94: {  	_ =	strace s2  }
0x95: {  	s2 =	sld [smem:$0x3FFD];
	_ =	sdelay $0x3  }
0x96: {  	_ =	strace s2  }
0x97: {  	_ =	strace $0x8FFFFFFF  }
0x98: {  	s18 =	sld [smem:$0x3FDB];
	_ =	sdelay $0x1  }
0x99: {  	s19 =	simm.s32 $_scs_section_size  }
0x9a: {  	s4 =	simm.s32 $_size__tile_overlayer_lowered;
	s5 =	simm.s32 $_tile_overlayer_lowered  }
0x9b: {  	s22 =	simm.s32 $0x1BFF;
	s21 =	sshll.u32 s5, $0x1;
	s2 =	sadd.s32 s19, s18  }
0x9c: {  	s6 =	simm.s32 $0x0;
	s20 =	sshll.u32 s4, $0x1;
	s4 =	sadd.s32 s21, s2  }
0x9d: {  	[timem:s6], [sflag:s22] =	dma.local [hbm:s4], s20  }
0x9e: {  	_ =	swait.ge [sflag:s22], s20  }
0x9f: {  	s3 =	ssub.s32 $0x0, s20;
	[sflag:s22] =	ssyncset.done $0x0  }
0xa0: {  	[sflag:s22] =	ssyncadd.s32 s3;
	_ =	sdelay $0x1  }
0xa1: {  	s23 =	simm.s32 $0x1B8B  }
0xa2: {  	_ =	swait.ge [sflag:s23], $0x1  }
0xa3: {  	[sflag:s23] =	ssyncset.done $0x0  }
0xa4: {  	s25 =	simm.s32 $0x1B8E;
	s24 =	sld [smem:$0x3FFE];
	[sflag:s23] =	ssyncadd.s32 $0xFFFFFFFF  }
0xa5: {  	s26 =	simm.s32 $execute0_lowered;
	[smem:$0x3FD2] =	sst s25  }
0xa6: {  	s4 =	sshll.u32 s26, $0x1;
	_ =	strace $0x80000055;
	[dreg:$0x1] =	wrdreg $0xFFFFFFFF  }
0xa7: {  	s28 =	simm.s32 $_size_execute0_lowered;
	s2 =	sadd.s32 s2, s4;
	[dreg:$0x0] =	wrdreg $0x0  }
0xa8: {  	s4 =	sshll.u32 s28, $0x1;
	[dreg:$0x2] =	wrdreg s2  }
0xa9: {  	[dreg:$0x3] =	wrdreg s4  }
0xaa: {  	[dreg:$0x4] =	wrdreg $0xC0  }
0xab: {  	_ =	task [dreg:s6], $0x5FFFF  }
0xac: {  	[dreg:$0x1] =	wrdreg $0xFFFFFFFF  }
0xad: {  	[dreg:$0x0] =	wrdreg $0x60  }
0xae: {  	[dreg:$0x2] =	wrdreg s24  }
0xaf: {  	[dreg:$0x3] =	wrdreg $0x3C000  }
0xb0: {  	[dreg:$0x4] =	wrdreg $0x9  }
0xb1: {  	_ =	task.clear_ibuf [dreg:s6], $0x5FFFF;
	_ =	strace $0x90000055  }
0xb2: {  	s29 =	simm.s32 $0x9;
	_ =	strace $0x80000057  }
0xb3: {  	_ =	swait.ge [sflag:s29], $0x1  }
0xb4: {  	[sflag:s29] =	ssyncadd.s32 $0xFFFFFFFF  }
0xb5: {  	_ =	strace $0x90000057  }
0xb6: {  	_ =	sfence  }
0xb7: {  	s30 =	sld [smem:$0x0];
	_ =	sdelay $0x2  }
0xb8: {  	s31 =	sshll.u32 s1, $0xD;
	s1 =	sshrl.u32 s1, $0x2  }
0xb9: {  	s3 =	sand.u32 $0x4000, s31;
	s1 =	sadd.s32 s1, s30  }
0xba: {  	s0 =	sor.u32 s3, s0;
	s1 =	sshll.u32 s1, $0x11  }
0xbb: {  	s0 =	sor.u32 s1, s0  }
0xbc: {  	s0 =	sadd.s32 $0x8F2B, s0  }
0xbd: {  	[sflag:s0] =	ssyncadd.remote.s32 $0x1  }
0xbe: {  	_ =	sfence.sel $0xFFFF  }
0xbf: {  	[dreg:$0x0] =	wrdreg $0xFFFFFFFF;
	(pc) =	sbr.abs _section_cstart, $3  }
0xc0: {  	[dreg:$0x1] =	wrdreg $0xFFFFFFFF  }
0xc1: {  	_ =	task.clear_ibuf [dreg:s6], $0x2FFFF;
	_ =	strace $0x9FFFFFFF  }
0xc2: {  	(tm) =	ssettm $0x7FFFFFFF  }
0xc3: {  	_ =	shalt  }
tec
execute0_lowered:
.L_overlay_start_1:
0x0: {  	(tag) =	ssettag $0x1  }
0x1: {  	s0 =	stileid.u32  }
0x2: {  	s1 =	srdreg.scid;
	s5 =	rddreg [dreg:$0x0]  }
0x3: {  	s2 =	rddreg [dreg:$0x1];
	s6 =	smul.u32 $0x19000, s0  }
0x4: {  	s3 =	simm.s32 $0x0;
	s4 =	sand.u32 $0x1, s1;
	s8 =	smul.u32 $0xC350, s0  }
0x5: {  	s14 =	simm.s32 $0x0;
	s25 =	sshll.u32 s0, $0x1;
	s9 =	smul.u32 $0xC3500, s4  }
0x6: {  	[smem:$0x7FF] =	sst s3;
	s1 =	sor.u32 s4, s25;
	s12 =	smul.u32 $0xC800, s4  }
0x7: {  	s31 =	sshll.u32 s0, $0x6;
	s11 =	ssub.s32 $0x2, s4;
	s7 =	smul.u32 $0x1400, s1  }
0x8: {  	s1 =	rddreg [dreg:$0x2];
	_ =	strace $0x80000056;
	s10 =	sadd.s32 s6, s5  }
0x9: {  	s28 =	sshrl.u32 s8, $0x3;
	s29 =	sshrl.u32 s11, $0x1;
	s13 =	sadd.s32 s8, s2  }
0xa: {  	s9 =	sadd.s32 s8, s9;
	s11 =	ssub.s32 s11, s29;
	s30 =	sadd.s32 s12, s10  }
0xb: {  	s10 =	sor.u32 $0x1C01, s31;
	s12 =	simm.s32 $0x1400;
	s26 =	sshrl.u32 s7, $0x3  }
0xc: {  	s7 =	sadd.s32 s28, s5;
	s9 =	sshrl.u32 s9, $0x3;
	s8 =	sadd.s32 $0x4EE00, s30  }
0xd: {  	s6 =	sadd.s32 s26, s5;
	s9 =	sadd.s32 s9, s5;
	s5 =	sadd.s32 $0x36600, s7  }
0xe: {  	s7 =	smax.u32 s11, $0x1;
	s11 =	sshrl.u32 s13, $0x3;
	s13 =	simm.s32 $0x80  }
0xf: {  	s4 =	sadd.s32 $0xA400, s6;
	s6 =	sadd.s32 $0x1DEE00, s9;
	s9 =	simm.s32 $0x1  }
.LBB2_1:
0x10: {  	[tilespmem:s3], [sflag:$0x1] =	stream.linear.gather [hbm4b:s4+s3], $0x1400, $0x38;
	[tilespmem:$0xFF50] =	vst v63  }
0x11: {  	_ =	swait.ge [sflag:s9], $0x1400  }
0x12: {  	[sflag:s9] =	ssyncset.done $0x0  }
0x13: {  	[sflag:s9] =	ssyncadd.s32 $0xFFFFEC00  }
0x14: {  	[spmem:s11], [sflag:s10] =	dma.local [hbm:s5], $0x186A  }
0x15: {  	_ =	swait.ge [sflag:s9], $0x186A  }
0x16: {  	[sflag:s9] =	ssyncset.done $0x0  }
0x17: {  	[sflag:s9] =	ssyncadd.s32 $0xFFFFE796  }
0x18: {  	[bflag:$0x0] =	sbarrier.arrive $0xFFFF  }
0x19: {  	[tilespmem:s12], [sflag:$0x1] =	stream.linear.gather [hbm4b:s8+s3], $0x2800, $0x38;
	[tilespmem:$0xFF50] =	vst v63  }
0x1a: {  	_ =	swait.ge [sflag:s9], $0x2800  }
0x1b: {  	[sflag:s9] =	ssyncset.done $0x0  }
0x1c: {  	s15 =	simm.s32 $0x0;
	[sflag:s9] =	ssyncadd.s32 $0xFFFFD800  }
0x1d: {  	[spmem:s2] =	stream.indirect.scatter.add.f32 [tilespmem:s12], [sflag:$0x1], $0x50, s15, s13, $0xb8;
	[tilespmem:$0xFF50] =	vst v63  }
0x1e: {  	_ =	swait.ge [sflag:s9], $0x2800  }
0x1f: {  	s16 =	smov.u32 s8;
	s15 =	simm.s32 $0x200;
	[sflag:s9] =	ssyncset.done $0x0  }
.LBB2_2:
0x20: {  	p0 =	sne.s32 s15, $0x4E00;
	[sflag:s9] =	ssyncadd.s32 $0xFFFFD800;
	s16 =	sadd.s32 $0x500, s16  }
0x21: {  	[tilespmem:s12], [sflag:$0x1] =	stream.linear.gather [hbm4b:s16+s3], $0x2800, $0x38;
	[tilespmem:$0xFF50] =	vst v63  }
0x22: {  	s17 =	smov.u32 s15;
	s15 =	sadd.s32 $0x200, s15;
	_ =	swait.ge [sflag:s9], $0x2800  }
.Ltmp0:
0x23: {  	[sflag:s9] =	ssyncset.done $0x0;
	(pc) =	sbr.rel @p0 .LBB2_2-.Ltmp0, $4  }
0x24: {  	s17 =	sshra.s32 s17, $0x2;
	[sflag:s9] =	ssyncadd.s32 $0xFFFFD800  }
0x25: {  	[spmem:s2] =	stream.indirect.scatter.add.f32 [tilespmem:s12], [sflag:$0x1], $0x50, s17, s13, $0xb8;
	[tilespmem:$0xFF50] =	vst v63  }
0x26: {  	_ =	swait.ge [sflag:s9], $0x2800  }
0x27: {  	[sflag:s9] =	ssyncset.done $0x0  }
0x28: {  	s14 =	sadd.s32 $0x1, s14  }
0x29: {  	[sflag:s9] =	ssyncadd.s32 $0xFFFFD800;
	p0 =	sne.s32 s14, s7  }
.Ltmp1:
0x2a: {  	[bflag:$0x0] =	sbarrier.arrive $0xFFFF;
	(pc) =	sbr.rel @p0 .LBB2_1-.Ltmp1, $4  }
0x2b: {  	[hbm:s6], [sflag:s10] =	dma.local [spmem:s11], $0x186A  }
0x2c: {  	_ =	swait.ge [sflag:s9], $0x186A  }
0x2d: {  	[sflag:s9] =	ssyncset.done $0x0  }
0x2e: {  	[sflag:s9] =	ssyncadd.s32 $0xFFFFE796  }
0x2f: {  	_ =	sfence.sel $0x180000  }
0x30: {  	[bflag:$0x0] =	sbarrier.arrive $0xFFFF  }
0x31: {  	p0 =	sne.s32 s0, $0x0;
	_ =	strace $0x90000056  }
0x32: {  	s0 =	sadd.s32 @!p0 $0x100000, s1;
	[bflag:$0x2] =	sbarrier.arrive $0xFFFF  }
0x33: {  	[sflag:s0] =	ssyncadd.tile.s32 @!p0 $0x1;
	_ =	shalt  }
.Lfunc_end2:
_tile_overlayer_lowered:
.L_overlay_start_2:
0x34: {  	(tag) =	ssettag $0x2  }
0x35: {  	s0 =	rddreg [dreg:$0x0];
	s2 =	stileid.u32  }
0x36: {  	s1 =	rddreg [dreg:$0x1];
	p0 =	sne.s32 s2, $0x0  }
0x37: {  	s3 =	rddreg [dreg:$0x2];
	[bflag:$0x3] =	sbarrier.arrive $0xFFFF;
	s2 =	simm.s32 @!p0 $0x1C01  }
0x38: {  	[timem:s3], [sflag:s2] =	dma.local @!p0 [hbm:s0], s1  }
0x39: {  	s0 =	simm.s32 @!p0 $0x1  }
0x3a: {  	_ =	swait.ge @!p0 [sflag:s0], s1  }
0x3b: {  	s1 =	ssub.s32 @!p0 $0x0, s1;
	[sflag:s0] =	ssyncset.done @!p0 $0x0  }
0x3c: {  	[sflag:s0] =	ssyncadd.s32 @!p0 s1  }
0x3d: {  	[bflag:$0x3] =	sbarrier.arrive $0xFFFF  }
0x3e: {  	_ =	shalt  }

</sc_bundles>
